<compile_context>
chip_gen: v7x
topology: tpu7x:2x2x1
jax: 0.10.2.dev20260603
libtpu: 0.0.44.dev20260713+nightly
codegen_flags: <defaults>
</compile_context>

<pallas_src>
import functools

import jax
import jax.numpy as jnp
from jax import lax
from jax.experimental import pallas as pl
from jax.experimental.pallas import tpu as pltpu
from jax.experimental.pallas import tpu_sc as plsc

N = 10000
NPAD = 10016
E = 320000
IN_F = 128
H_F = 256
C_F = 64

NC = 2
NS = 16
NW = NC * NS
CHUNK = 100
DEG_B = 4
K = E // (NW * CHUNK)
RPT = NPAD // NS


def _mesh():
    return plsc.VectorSubcoreMesh(
        core_axis_name="c", subcore_axis_name="s", num_cores=NC, num_subcores=NS
    )


_sc_cache = {}


def _deg_body(srcp_h, dstp_h, ones_h, z16_h, outs_h, outd_h,
              sidx, didx, ones_v, acc, sems):
    c = lax.axis_index("c")
    s = lax.axis_index("s")
    wid = s * NC + c
    pltpu.sync_copy(srcp_h.at[wid], sidx)
    pltpu.sync_copy(dstp_h.at[wid], didx)
    pltpu.sync_copy(ones_h, ones_v)

    for idx, out_h in ((sidx, outs_h), (didx, outd_h)):
        pltpu.sync_copy(z16_h.at[pl.ds(s * RPT, RPT)], acc.at[pl.ds(s * RPT, RPT)])
        plsc.subcore_barrier()

        def body(g, carry, idx=idx):
            for b in range(DEG_B):
                pltpu.async_copy(ones_v, acc.at[idx.at[g * DEG_B + b]],
                                 sems.at[b], add=True)
            for b in range(DEG_B):
                pltpu.make_async_copy(ones_v, acc.at[idx.at[g * DEG_B + b]],
                                      sems.at[b]).wait()
            return carry

        lax.fori_loop(0, K // DEG_B, body, 0)
        plsc.subcore_barrier()
        pltpu.sync_copy(acc.at[pl.ds(s * RPT, RPT)], out_h.at[c, pl.ds(s * RPT, RPT)])
        plsc.subcore_barrier()


def _deg_kernel(srcp, dstp, ones16, z16):
    if "deg" not in _sc_cache:
        _sc_cache["deg"] = functools.partial(
            pl.kernel,
            out_type=[
                jax.ShapeDtypeStruct((NC, NPAD, 16), jnp.float32),
                jax.ShapeDtypeStruct((NC, NPAD, 16), jnp.float32),
            ],
            mesh=_mesh(),
            scratch_types=[
                pltpu.VMEM((K, CHUNK), jnp.int32),
                pltpu.VMEM((K, CHUNK), jnp.int32),
                pltpu.VMEM((CHUNK, 16), jnp.float32),
                pltpu.VMEM_SHARED((NPAD, 16), jnp.float32),
                pltpu.SemaphoreType.DMA((DEG_B,)),
            ],
            compiler_params=pltpu.CompilerParams(use_tc_tiling_on_sc=False),
        )(_deg_body)
    return _sc_cache["deg"](srcp, dstp, ones16, z16)


def _make_agg(D):
    NBUF = 4
    CH = 50 if D == IN_F else 100
    K_A = E // (NW * CH)

    def agg(tab_h, srcp_h, dstp_h, z_h, out_h, sidx, didx, *rest):
        rows = rest[:NBUF]
        acc, gsems, ssems = rest[NBUF], rest[NBUF + 1], rest[NBUF + 2]
        c = lax.axis_index("c")
        s = lax.axis_index("s")
        wid = s * NC + c
        pltpu.sync_copy(z_h.at[pl.ds(s * RPT, RPT)], acc.at[pl.ds(s * RPT, RPT)])
        pltpu.sync_copy(srcp_h.at[wid], sidx)
        pltpu.sync_copy(dstp_h.at[wid], didx)
        plsc.subcore_barrier()

        for b in range(NBUF):
            pltpu.async_copy(tab_h.at[sidx.at[b]], rows[b], gsems.at[b])

        def outer(g, carry):
            for b in range(NBUF):
                j = g * NBUF + b
                pltpu.make_async_copy(
                    tab_h.at[sidx.at[j]], rows[b], gsems.at[b]).wait()
                pltpu.sync_copy(rows[b], acc.at[didx.at[j]], add=True)

                @pl.when(g < K_A // NBUF - 1)
                def _prefetch():
                    pltpu.async_copy(
                        tab_h.at[sidx.at[j + NBUF]], rows[b], gsems.at[b])
            return carry

        lax.fori_loop(0, K_A // NBUF, outer, 0)
        plsc.subcore_barrier()
        pltpu.sync_copy(acc.at[pl.ds(s * RPT, RPT)], out_h.at[c, pl.ds(s * RPT, RPT)])

    def call(tab, srcp, dstp, z):
        srcp = srcp.reshape(NW, K_A, CH)
        dstp = dstp.reshape(NW, K_A, CH)
        key = ("agg", D)
        if key not in _sc_cache:
            _sc_cache[key] = functools.partial(
                pl.kernel,
                out_type=jax.ShapeDtypeStruct((NC, NPAD, D), jnp.float32),
                mesh=_mesh(),
                scratch_types=[
                    pltpu.VMEM((K_A, CH), jnp.int32),
                    pltpu.VMEM((K_A, CH), jnp.int32),
                    *[pltpu.VMEM((CH, D), jnp.float32) for _ in range(NBUF)],
                    pltpu.VMEM_SHARED((NPAD, D), jnp.float32),
                    pltpu.SemaphoreType.DMA((NBUF,)),
                    pltpu.SemaphoreType.DMA((NBUF,)),
                ],
                compiler_params=pltpu.CompilerParams(use_tc_tiling_on_sc=False),
            )(agg)
        return _sc_cache[key](tab, srcp, dstp, z)

    return call


_agg128 = _make_agg(IN_F)
_agg64 = _make_agg(C_F)


_RB = 2504
_RF = 2000


def _feat_body(x_ref, ds_ref, o_ref):
    deg = ds_ref[0, :, 0:1] + ds_ref[1, :, 0:1]
    o_ref[...] = x_ref[...] * lax.rsqrt(jnp.maximum(deg, 1.0))


def _tc_feat(x_pad, deg_src):
    return pl.pallas_call(
        _feat_body,
        grid=(NPAD // _RB,),
        in_specs=[
            pl.BlockSpec((_RB, IN_F), lambda i: (i, 0)),
            pl.BlockSpec((NC, _RB, 16), lambda i: (0, i, 0)),
        ],
        out_specs=pl.BlockSpec((_RB, IN_F), lambda i: (i, 0)),
        out_shape=jax.ShapeDtypeStruct((NPAD, IN_F), jnp.float32),
    )(x_pad, deg_src)


def _mid_body(p_ref, dd_ref, ds_ref, w1_ref, b1_ref, w2_ref, o_ref):
    agg = p_ref[0] + p_ref[1]
    rin = lax.rsqrt(jnp.maximum(dd_ref[0, :, 0:1] + dd_ref[1, :, 0:1], 1.0))
    h = jnp.dot(agg * rin, w1_ref[...], preferred_element_type=jnp.float32)
    h = jnp.maximum(h + b1_ref[...], 0.0)
    rout = lax.rsqrt(jnp.maximum(ds_ref[0, :, 0:1] + ds_ref[1, :, 0:1], 1.0))
    o_ref[...] = jnp.dot(h * rout, w2_ref[...], preferred_element_type=jnp.float32)


def _tc_mid(parts1, deg_dst, deg_src, W1, b1, W2):
    return pl.pallas_call(
        _mid_body,
        grid=(NPAD // _RB,),
        in_specs=[
            pl.BlockSpec((NC, _RB, IN_F), lambda i: (0, i, 0)),
            pl.BlockSpec((NC, _RB, 16), lambda i: (0, i, 0)),
            pl.BlockSpec((NC, _RB, 16), lambda i: (0, i, 0)),
            pl.BlockSpec((IN_F, H_F), lambda i: (0, 0)),
            pl.BlockSpec((1, H_F), lambda i: (0, 0)),
            pl.BlockSpec((H_F, C_F), lambda i: (0, 0)),
        ],
        out_specs=pl.BlockSpec((_RB, C_F), lambda i: (i, 0)),
        out_shape=jax.ShapeDtypeStruct((NPAD, C_F), jnp.float32),
    )(parts1, deg_dst, deg_src, W1, b1.reshape(1, H_F), W2)


def _fin_body(p_ref, dd_ref, x_ref, b2_ref, h2_ref, gm_ref):
    i = pl.program_id(0)
    rin = lax.rsqrt(jnp.maximum(dd_ref[0, :, 0:1] + dd_ref[1, :, 0:1], 1.0))
    h2_ref[...] = (p_ref[0] + p_ref[1]) * rin + b2_ref[...]
    bm = jnp.max(x_ref[...], axis=0, keepdims=True)

    @pl.when(i == 0)
    def _init():
        gm_ref[...] = bm

    @pl.when(i != 0)
    def _acc():
        gm_ref[...] = jnp.maximum(gm_ref[...], bm)


def _tc_fin(parts2, deg_dst, x, b2):
    return pl.pallas_call(
        _fin_body,
        grid=(N // _RF,),
        in_specs=[
            pl.BlockSpec((NC, _RF, C_F), lambda i: (0, i, 0)),
            pl.BlockSpec((NC, _RF, 16), lambda i: (0, i, 0)),
            pl.BlockSpec((_RF, IN_F), lambda i: (i, 0)),
            pl.BlockSpec((1, C_F), lambda i: (0, 0)),
        ],
        out_specs=[
            pl.BlockSpec((_RF, C_F), lambda i: (i, 0)),
            pl.BlockSpec((1, IN_F), lambda i: (0, 0)),
        ],
        out_shape=[
            jax.ShapeDtypeStruct((N, C_F), jnp.float32),
            jax.ShapeDtypeStruct((1, IN_F), jnp.float32),
        ],
    )(parts2, deg_dst, x, b2.reshape(1, C_F))


def kernel(x, edge_index, W1, b1, W2, b2):
    srcp = edge_index[0].reshape(NW, K, CHUNK)
    dstp = edge_index[1].reshape(NW, K, CHUNK)
    x_pad = jnp.pad(x, ((0, NPAD - N), (0, 0)))
    ones16 = jnp.ones((CHUNK, 16), jnp.float32)
    z16 = jnp.zeros((NPAD, 16), jnp.float32)
    z128 = jnp.zeros((NPAD, IN_F), jnp.float32)
    z64 = jnp.zeros((NPAD, C_F), jnp.float32)

    deg_src, deg_dst = _deg_kernel(srcp, dstp, ones16, z16)
    feat1 = _tc_feat(x_pad, deg_src)
    parts1 = _agg128(feat1, srcp, dstp, z128)
    feat2 = _tc_mid(parts1, deg_dst, deg_src, W1, b1, W2)
    parts2 = _agg64(feat2, srcp, dstp, z64)
    h2, graph_max = _tc_fin(parts2, deg_dst, x, b2)
    return (graph_max, h2)

# --- scband reference (transcript-rebuilt; emitter-appended) ---
"""Pipeline reference for scband-simple-gcn-51814485458971 (READ-ONLY COPY).

The authoritative reference and input builder live on the scoring server;
editing this copy changes nothing except your own understanding.
"""

import jax, jax.numpy as jnp
import numpy as np

N_NODES = 10000
N_EDGES = 320000
IN_FEATS = 128
H_FEATS = 256
NUM_CLASSES = 64


def _graph_conv(x, src, dst, W, b, n_nodes):
    # DGL GraphConv with norm='both': symmetric degree normalization
    out_deg = jnp.clip(jnp.bincount(src, length=n_nodes), 1, None).astype(x.dtype)
    in_deg = jnp.clip(jnp.bincount(dst, length=n_nodes), 1, None).astype(x.dtype)
    feat = x * jax.lax.rsqrt(out_deg)[:, None]
    msgs = jnp.take(feat, src, axis=0)
    agg = jax.ops.segment_sum(msgs, dst, num_segments=n_nodes)
    agg = agg * jax.lax.rsqrt(in_deg)[:, None]
    return agg @ W + b


def setup_inputs(seed: int = 0):
    key = jax.random.key(seed)
    k1, k2, k3, k4, k5 = jax.random.split(key, 5)
    x = jax.random.normal(k1, (N_NODES, IN_FEATS), dtype=jnp.float32)
    rng = np.random.default_rng(0)
    edge_index = jnp.asarray(rng.integers(0, N_NODES, size=(2, N_EDGES)), dtype=jnp.int32)
    W1 = jax.random.normal(k2, (IN_FEATS, H_FEATS), dtype=jnp.float32) * (1.0 / np.sqrt(IN_FEATS))
    b1 = jnp.zeros((H_FEATS,), dtype=jnp.float32)
    W2 = jax.random.normal(k3, (H_FEATS, NUM_CLASSES), dtype=jnp.float32) * (1.0 / np.sqrt(H_FEATS))
    b2 = jnp.zeros((NUM_CLASSES,), dtype=jnp.float32)
    return {"x": x, "edge_index": edge_index, "W1": W1, "b1": b1, "W2": W2, "b2": b2}


def reference(x, edge_index, W1, b1, W2, b2):
    src = edge_index[0]
    dst = edge_index[1]
    h = _graph_conv(x, src, dst, W1, b1, N_NODES)
    h = jax.nn.relu(h)
    h2 = _graph_conv(h, src, dst, W2, b2, N_NODES)
    # dgl.max_nodes(g, 'pos'): per-graph max over node feature 'pos' (single graph -> [1, d])
    graph_max = jnp.max(x, axis=0, keepdims=True)
    # return h2 alongside the faithful output so the GCN compute is not dead code
    return (graph_max, h2)

if __name__ == "__main__":
    import jax
    _d = setup_inputs()
    print(jax.jit(kernel)(*tuple(_d.values())))

</pallas_src>

<mosaic_0001>
#map = affine_map<(d0, d1) -> (0, 0, 0)>
#map1 = affine_map<(d0, d1) -> (0, 0)>
module attributes {stable_mosaic.version = 14 : i64} {
  func.func @_deg_body(%arg0: i32, %arg1: i32, %arg2: memref<32x100x100xi32, #tpu.memory_space<hbm>>, %arg3: memref<32x100x100xi32, #tpu.memory_space<hbm>>, %arg4: memref<100x16xf32, #tpu.memory_space<hbm>>, %arg5: memref<10016x16xf32, #tpu.memory_space<hbm>>, %arg6: memref<2x10016x16xf32, #tpu.memory_space<hbm>>, %arg7: memref<2x10016x16xf32, #tpu.memory_space<hbm>>, %arg8: memref<100x100xi32, #tpu.memory_space<vmem>>, %arg9: memref<100x100xi32, #tpu.memory_space<vmem>>, %arg10: memref<100x16xf32, #tpu.memory_space<vmem>>, %arg11: memref<10016x16xf32, #tpu.memory_space<vmem_shared>>, %arg12: memref<4x!tpu.dma_semaphore, #tpu.memory_space<semaphore_mem>>) attributes {dimension_semantics = [#tpu.dimension_semantics<core_parallel>, #tpu.dimension_semantics<subcore_parallel>], iteration_bounds = array<i64: 2, 16>, scalar_prefetch = 0 : i64, scratch_operands = 5 : i64, tpu.core_type = #tpu.core_type<sc_vector_subcore>, window_params = [{transform_indices = #map}, {transform_indices = #map}, {transform_indices = #map1}, {transform_indices = #map1}, {transform_indices = #map}, {transform_indices = #map}]} {
    %mul3A = arith.constant 2 : i32
    %mul3A_0 = arith.muli %arg1, %mul3A : i32
    %add3A = arith.addi %mul3A_0, %arg0 : i32
    "tpu.region"() ({
      %run_scoped3A = tpu.sem_alloc : memref<!tpu.dma_semaphore, #tpu.memory_space<semaphore_mem>>
      %dma_start3A = arith.constant 0 : i32
      %dma_start3A_33 = arith.constant 0 : i32
      %dma_start3A_34 = tpu.memref_slice %arg2[%add3A, %dma_start3A, %dma_start3A_33] : memref<32x100x100xi32, #tpu.memory_space<hbm>> -> memref<1x100x100xi32, #tpu.memory_space<hbm>>
      %dma_start3A_35 = tpu.memref_squeeze %dma_start3A_34 : memref<1x100x100xi32, #tpu.memory_space<hbm>> -> memref<100x100xi32, #tpu.memory_space<hbm>>
      %dma_start3A_36 = arith.constant 0 : i32
      %dma_start3A_37 = arith.constant 0 : i32
      %dma_start3A_38 = tpu.memref_slice %arg2[%add3A, %dma_start3A_36, %dma_start3A_37] : memref<32x100x100xi32, #tpu.memory_space<hbm>> -> memref<1x100x100xi32, #tpu.memory_space<hbm>>
      %dma_start3A_39 = tpu.memref_squeeze %dma_start3A_38 : memref<1x100x100xi32, #tpu.memory_space<hbm>> -> memref<100x100xi32, #tpu.memory_space<hbm>>
      tpu.enqueue_dma source(%dma_start3A_39 : memref<100x100xi32, #tpu.memory_space<hbm>>) target(%arg8 : memref<100x100xi32, #tpu.memory_space<vmem>>) target_semaphore(%run_scoped3A : memref<!tpu.dma_semaphore, #tpu.memory_space<semaphore_mem>>)
      %dma_wait3A = arith.constant 0 : i32
      %dma_wait3A_40 = arith.constant 0 : i32
      %dma_wait3A_41 = tpu.memref_slice %arg2[%add3A, %dma_wait3A, %dma_wait3A_40] : memref<32x100x100xi32, #tpu.memory_space<hbm>> -> memref<1x100x100xi32, #tpu.memory_space<hbm>>
      %dma_wait3A_42 = tpu.memref_squeeze %dma_wait3A_41 : memref<1x100x100xi32, #tpu.memory_space<hbm>> -> memref<100x100xi32, #tpu.memory_space<hbm>>
      %dma_wait3A_43 = arith.constant 0 : i32
      %dma_wait3A_44 = arith.constant 0 : i32
      %dma_wait3A_45 = tpu.memref_slice %arg2[%add3A, %dma_wait3A_43, %dma_wait3A_44] : memref<32x100x100xi32, #tpu.memory_space<hbm>> -> memref<1x100x100xi32, #tpu.memory_space<hbm>>
      %dma_wait3A_46 = tpu.memref_squeeze %dma_wait3A_45 : memref<1x100x100xi32, #tpu.memory_space<hbm>> -> memref<100x100xi32, #tpu.memory_space<hbm>>
      tpu.wait_dma2 semaphore(%run_scoped3A : memref<!tpu.dma_semaphore, #tpu.memory_space<semaphore_mem>>) src(%dma_wait3A_46 : memref<100x100xi32, #tpu.memory_space<hbm>>) dst(%arg8 : memref<100x100xi32, #tpu.memory_space<vmem>>)
      tpu.yield
    }) : () -> ()
    "tpu.region"() ({
      %run_scoped3A = tpu.sem_alloc : memref<!tpu.dma_semaphore, #tpu.memory_space<semaphore_mem>>
      %dma_start3A = arith.constant 0 : i32
      %dma_start3A_33 = arith.constant 0 : i32
      %dma_start3A_34 = tpu.memref_slice %arg3[%add3A, %dma_start3A, %dma_start3A_33] : memref<32x100x100xi32, #tpu.memory_space<hbm>> -> memref<1x100x100xi32, #tpu.memory_space<hbm>>
      %dma_start3A_35 = tpu.memref_squeeze %dma_start3A_34 : memref<1x100x100xi32, #tpu.memory_space<hbm>> -> memref<100x100xi32, #tpu.memory_space<hbm>>
      %dma_start3A_36 = arith.constant 0 : i32
      %dma_start3A_37 = arith.constant 0 : i32
      %dma_start3A_38 = tpu.memref_slice %arg3[%add3A, %dma_start3A_36, %dma_start3A_37] : memref<32x100x100xi32, #tpu.memory_space<hbm>> -> memref<1x100x100xi32, #tpu.memory_space<hbm>>
      %dma_start3A_39 = tpu.memref_squeeze %dma_start3A_38 : memref<1x100x100xi32, #tpu.memory_space<hbm>> -> memref<100x100xi32, #tpu.memory_space<hbm>>
      tpu.enqueue_dma source(%dma_start3A_39 : memref<100x100xi32, #tpu.memory_space<hbm>>) target(%arg9 : memref<100x100xi32, #tpu.memory_space<vmem>>) target_semaphore(%run_scoped3A : memref<!tpu.dma_semaphore, #tpu.memory_space<semaphore_mem>>)
      %dma_wait3A = arith.constant 0 : i32
      %dma_wait3A_40 = arith.constant 0 : i32
      %dma_wait3A_41 = tpu.memref_slice %arg3[%add3A, %dma_wait3A, %dma_wait3A_40] : memref<32x100x100xi32, #tpu.memory_space<hbm>> -> memref<1x100x100xi32, #tpu.memory_space<hbm>>
      %dma_wait3A_42 = tpu.memref_squeeze %dma_wait3A_41 : memref<1x100x100xi32, #tpu.memory_space<hbm>> -> memref<100x100xi32, #tpu.memory_space<hbm>>
      %dma_wait3A_43 = arith.constant 0 : i32
      %dma_wait3A_44 = arith.constant 0 : i32
      %dma_wait3A_45 = tpu.memref_slice %arg3[%add3A, %dma_wait3A_43, %dma_wait3A_44] : memref<32x100x100xi32, #tpu.memory_space<hbm>> -> memref<1x100x100xi32, #tpu.memory_space<hbm>>
      %dma_wait3A_46 = tpu.memref_squeeze %dma_wait3A_45 : memref<1x100x100xi32, #tpu.memory_space<hbm>> -> memref<100x100xi32, #tpu.memory_space<hbm>>
      tpu.wait_dma2 semaphore(%run_scoped3A : memref<!tpu.dma_semaphore, #tpu.memory_space<semaphore_mem>>) src(%dma_wait3A_46 : memref<100x100xi32, #tpu.memory_space<hbm>>) dst(%arg9 : memref<100x100xi32, #tpu.memory_space<vmem>>)
      tpu.yield
    }) : () -> ()
    "tpu.region"() ({
      %run_scoped3A = tpu.sem_alloc : memref<!tpu.dma_semaphore, #tpu.memory_space<semaphore_mem>>
      tpu.enqueue_dma source(%arg4 : memref<100x16xf32, #tpu.memory_space<hbm>>) target(%arg10 : memref<100x16xf32, #tpu.memory_space<vmem>>) target_semaphore(%run_scoped3A : memref<!tpu.dma_semaphore, #tpu.memory_space<semaphore_mem>>)
      tpu.wait_dma2 semaphore(%run_scoped3A : memref<!tpu.dma_semaphore, #tpu.memory_space<semaphore_mem>>) src(%arg4 : memref<100x16xf32, #tpu.memory_space<hbm>>) dst(%arg10 : memref<100x16xf32, #tpu.memory_space<vmem>>)
      tpu.yield
    }) : () -> ()
    %mul3A_1 = arith.constant 626 : i32
    %mul3A_2 = arith.muli %arg1, %mul3A_1 : i32
    %mul3A_3 = arith.constant 626 : i32
    %mul3A_4 = arith.muli %arg1, %mul3A_3 : i32
    "tpu.region"() ({
      %run_scoped3A = tpu.sem_alloc : memref<!tpu.dma_semaphore, #tpu.memory_space<semaphore_mem>>
      %dma_start3A = arith.constant 0 : i32
      %dma_start3A_33 = tpu.memref_slice %arg11[%mul3A_4, %dma_start3A] : memref<10016x16xf32, #tpu.memory_space<vmem_shared>> -> memref<626x16xf32, #tpu.memory_space<vmem_shared>>
      %dma_start3A_34 = arith.constant 0 : i32
      %dma_start3A_35 = tpu.memref_slice %arg5[%mul3A_2, %dma_start3A_34] : memref<10016x16xf32, #tpu.memory_space<hbm>> -> memref<626x16xf32, #tpu.memory_space<hbm>>
      tpu.enqueue_dma source(%dma_start3A_35 : memref<626x16xf32, #tpu.memory_space<hbm>>) target(%dma_start3A_33 : memref<626x16xf32, #tpu.memory_space<vmem_shared>>) target_semaphore(%run_scoped3A : memref<!tpu.dma_semaphore, #tpu.memory_space<semaphore_mem>>)
      %dma_wait3A = arith.constant 0 : i32
      %dma_wait3A_36 = tpu.memref_slice %arg11[%mul3A_4, %dma_wait3A] : memref<10016x16xf32, #tpu.memory_space<vmem_shared>> -> memref<626x16xf32, #tpu.memory_space<vmem_shared>>
      %dma_wait3A_37 = arith.constant 0 : i32
      %dma_wait3A_38 = tpu.memref_slice %arg5[%mul3A_2, %dma_wait3A_37] : memref<10016x16xf32, #tpu.memory_space<hbm>> -> memref<626x16xf32, #tpu.memory_space<hbm>>
      tpu.wait_dma2 semaphore(%run_scoped3A : memref<!tpu.dma_semaphore, #tpu.memory_space<semaphore_mem>>) src(%dma_wait3A_38 : memref<626x16xf32, #tpu.memory_space<hbm>>) dst(%dma_wait3A_36 : memref<626x16xf32, #tpu.memory_space<vmem_shared>>)
      tpu.yield
    }) : () -> ()
    %barrier3A = arith.constant 0 : index
    tpu.barrier barrier_id(%barrier3A)
    %scan3A = arith.constant 0 : i32
    %scan3A_5 = arith.constant 0 : i32
    %scan3A_6 = arith.constant 25 : i32
    %scan3A_7 = arith.addi %scan3A_5, %scan3A_6 : i32
    %scan3A_8 = arith.constant 1 : i32
    scf.for %scan3A_33 = %scan3A_5 to %scan3A_7 step %scan3A_8  : i32 {
      %mul3A_34 = arith.constant 4 : i32
      %mul3A_35 = arith.muli %scan3A_33, %mul3A_34 : i32
      %add3A_36 = arith.constant 0 : i32
      %add3A_37 = arith.addi %mul3A_35, %add3A_36 : i32
      %dma_start3A = arith.constant 0 : i32
      %dma_start3A_38 = arith.constant 0 : i32
      %dma_start3A_39 = tpu.memref_slice %arg8[%add3A_37, %dma_start3A_38] : memref<100x100xi32, #tpu.memory_space<vmem>> -> memref<1x100xi32, #tpu.memory_space<vmem>>
      %dma_start3A_40 = tpu.memref_squeeze %dma_start3A_39 : memref<1x100xi32, #tpu.memory_space<vmem>> -> memref<100xi32, #tpu.memory_space<vmem>>
      %dma_start3A_41 = arith.constant 0 : i32
      %dma_start3A_42 = arith.constant 0 : i32
      %dma_start3A_43 = tpu.memref_slice %arg11[%dma_start3A_41, %dma_start3A_42] : memref<10016x16xf32, #tpu.memory_space<vmem_shared>> -> memref<10016x16xf32, #tpu.memory_space<vmem_shared>>
      %dma_start3A_44 = tpu.memref_slice %arg12[%dma_start3A] : memref<4x!tpu.dma_semaphore, #tpu.memory_space<semaphore_mem>> -> memref<1x!tpu.dma_semaphore, #tpu.memory_space<semaphore_mem>>
      %dma_start3A_45 = tpu.memref_squeeze %dma_start3A_44 : memref<1x!tpu.dma_semaphore, #tpu.memory_space<semaphore_mem>> -> memref<!tpu.dma_semaphore, #tpu.memory_space<semaphore_mem>>
      tpu.enqueue_indirect_dma source(%arg10 : memref<100x16xf32, #tpu.memory_space<vmem>>) target(%dma_start3A_43 : memref<10016x16xf32, #tpu.memory_space<vmem_shared>>) offsets(%dma_start3A_40 : memref<100xi32, #tpu.memory_space<vmem>>) semaphore(%dma_start3A_45 : memref<!tpu.dma_semaphore, #tpu.memory_space<semaphore_mem>>) {add = true}
      %mul3A_46 = arith.constant 4 : i32
      %mul3A_47 = arith.muli %scan3A_33, %mul3A_46 : i32
      %add3A_48 = arith.constant 1 : i32
      %add3A_49 = arith.addi %mul3A_47, %add3A_48 : i32
      %dma_start3A_50 = arith.constant 1 : i32
      %dma_start3A_51 = arith.constant 0 : i32
      %dma_start3A_52 = tpu.memref_slice %arg8[%add3A_49, %dma_start3A_51] : memref<100x100xi32, #tpu.memory_space<vmem>> -> memref<1x100xi32, #tpu.memory_space<vmem>>
      %dma_start3A_53 = tpu.memref_squeeze %dma_start3A_52 : memref<1x100xi32, #tpu.memory_space<vmem>> -> memref<100xi32, #tpu.memory_space<vmem>>
      %dma_start3A_54 = arith.constant 0 : i32
      %dma_start3A_55 = arith.constant 0 : i32
      %dma_start3A_56 = tpu.memref_slice %arg11[%dma_start3A_54, %dma_start3A_55] : memref<10016x16xf32, #tpu.memory_space<vmem_shared>> -> memref<10016x16xf32, #tpu.memory_space<vmem_shared>>
      %dma_start3A_57 = tpu.memref_slice %arg12[%dma_start3A_50] : memref<4x!tpu.dma_semaphore, #tpu.memory_space<semaphore_mem>> -> memref<1x!tpu.dma_semaphore, #tpu.memory_space<semaphore_mem>>
      %dma_start3A_58 = tpu.memref_squeeze %dma_start3A_57 : memref<1x!tpu.dma_semaphore, #tpu.memory_space<semaphore_mem>> -> memref<!tpu.dma_semaphore, #tpu.memory_space<semaphore_mem>>
      tpu.enqueue_indirect_dma source(%arg10 : memref<100x16xf32, #tpu.memory_space<vmem>>) target(%dma_start3A_56 : memref<10016x16xf32, #tpu.memory_space<vmem_shared>>) offsets(%dma_start3A_53 : memref<100xi32, #tpu.memory_space<vmem>>) semaphore(%dma_start3A_58 : memref<!tpu.dma_semaphore, #tpu.memory_space<semaphore_mem>>) {add = true}
      %mul3A_59 = arith.constant 4 : i32
      %mul3A_60 = arith.muli %scan3A_33, %mul3A_59 : i32
      %add3A_61 = arith.constant 2 : i32
      %add3A_62 = arith.addi %mul3A_60, %add3A_61 : i32
      %dma_start3A_63 = arith.constant 2 : i32
      %dma_start3A_64 = arith.constant 0 : i32
      %dma_start3A_65 = tpu.memref_slice %arg8[%add3A_62, %dma_start3A_64] : memref<100x100xi32, #tpu.memory_space<vmem>> -> memref<1x100xi32, #tpu.memory_space<vmem>>
      %dma_start3A_66 = tpu.memref_squeeze %dma_start3A_65 : memref<1x100xi32, #tpu.memory_space<vmem>> -> memref<100xi32, #tpu.memory_space<vmem>>
      %dma_start3A_67 = arith.constant 0 : i32
      %dma_start3A_68 = arith.constant 0 : i32
      %dma_start3A_69 = tpu.memref_slice %arg11[%dma_start3A_67, %dma_start3A_68] : memref<10016x16xf32, #tpu.memory_space<vmem_shared>> -> memref<10016x16xf32, #tpu.memory_space<vmem_shared>>
      %dma_start3A_70 = tpu.memref_slice %arg12[%dma_start3A_63] : memref<4x!tpu.dma_semaphore, #tpu.memory_space<semaphore_mem>> -> memref<1x!tpu.dma_semaphore, #tpu.memory_space<semaphore_mem>>
      %dma_start3A_71 = tpu.memref_squeeze %dma_start3A_70 : memref<1x!tpu.dma_semaphore, #tpu.memory_space<semaphore_mem>> -> memref<!tpu.dma_semaphore, #tpu.memory_space<semaphore_mem>>
      tpu.enqueue_indirect_dma source(%arg10 : memref<100x16xf32, #tpu.memory_space<vmem>>) target(%dma_start3A_69 : memref<10016x16xf32, #tpu.memory_space<vmem_shared>>) offsets(%dma_start3A_66 : memref<100xi32, #tpu.memory_space<vmem>>) semaphore(%dma_start3A_71 : memref<!tpu.dma_semaphore, #tpu.memory_space<semaphore_mem>>) {add = true}
      %mul3A_72 = arith.constant 4 : i32
      %mul3A_73 = arith.muli %scan3A_33, %mul3A_72 : i32
      %add3A_74 = arith.constant 3 : i32
      %add3A_75 = arith.addi %mul3A_73, %add3A_74 : i32
      %dma_start3A_76 = arith.constant 3 : i32
      %dma_start3A_77 = arith.constant 0 : i32
      %dma_start3A_78 = tpu.memref_slice %arg8[%add3A_75, %dma_start3A_77] : memref<100x100xi32, #tpu.memory_space<vmem>> -> memref<1x100xi32, #tpu.memory_space<vmem>>
      %dma_start3A_79 = tpu.memref_squeeze %dma_start3A_78 : memref<1x100xi32, #tpu.memory_space<vmem>> -> memref<100xi32, #tpu.memory_space<vmem>>
      %dma_start3A_80 = arith.constant 0 : i32
      %dma_start3A_81 = arith.constant 0 : i32
      %dma_start3A_82 = tpu.memref_slice %arg11[%dma_start3A_80, %dma_start3A_81] : memref<10016x16xf32, #tpu.memory_space<vmem_shared>> -> memref<10016x16xf32, #tpu.memory_space<vmem_shared>>
      %dma_start3A_83 = tpu.memref_slice %arg12[%dma_start3A_76] : memref<4x!tpu.dma_semaphore, #tpu.memory_space<semaphore_mem>> -> memref<1x!tpu.dma_semaphore, #tpu.memory_space<semaphore_mem>>
      %dma_start3A_84 = tpu.memref_squeeze %dma_start3A_83 : memref<1x!tpu.dma_semaphore, #tpu.memory_space<semaphore_mem>> -> memref<!tpu.dma_semaphore, #tpu.memory_space<semaphore_mem>>
      tpu.enqueue_indirect_dma source(%arg10 : memref<100x16xf32, #tpu.memory_space<vmem>>) target(%dma_start3A_82 : memref<10016x16xf32, #tpu.memory_space<vmem_shared>>) offsets(%dma_start3A_79 : memref<100xi32, #tpu.memory_space<vmem>>) semaphore(%dma_start3A_84 : memref<!tpu.dma_semaphore, #tpu.memory_space<semaphore_mem>>) {add = true}
      %mul3A_85 = arith.constant 4 : i32
      %mul3A_86 = arith.muli %scan3A_33, %mul3A_85 : i32
      %add3A_87 = arith.constant 0 : i32
      %add3A_88 = arith.addi %mul3A_86, %add3A_87 : i32
      %dma_wait3A = arith.constant 0 : i32
      %dma_wait3A_89 = arith.constant 0 : i32
      %dma_wait3A_90 = tpu.memref_slice %arg8[%add3A_88, %dma_wait3A_89] : memref<100x100xi32, #tpu.memory_space<vmem>> -> memref<1x100xi32, #tpu.memory_space<vmem>>
      %dma_wait3A_91 = tpu.memref_squeeze %dma_wait3A_90 : memref<1x100xi32, #tpu.memory_space<vmem>> -> memref<100xi32, #tpu.memory_space<vmem>>
      %dma_wait3A_92 = arith.constant 0 : i32
      %dma_wait3A_93 = arith.constant 0 : i32
      %dma_wait3A_94 = tpu.memref_slice %arg11[%dma_wait3A_92, %dma_wait3A_93] : memref<10016x16xf32, #tpu.memory_space<vmem_shared>> -> memref<10016x16xf32, #tpu.memory_space<vmem_shared>>
      %dma_wait3A_95 = tpu.memref_slice %arg12[%dma_wait3A] : memref<4x!tpu.dma_semaphore, #tpu.memory_space<semaphore_mem>> -> memref<1x!tpu.dma_semaphore, #tpu.memory_space<semaphore_mem>>
      %dma_wait3A_96 = tpu.memref_squeeze %dma_wait3A_95 : memref<1x!tpu.dma_semaphore, #tpu.memory_space<semaphore_mem>> -> memref<!tpu.dma_semaphore, #tpu.memory_space<semaphore_mem>>
      tpu.wait_indirect_dma semaphore(%dma_wait3A_96 : memref<!tpu.dma_semaphore, #tpu.memory_space<semaphore_mem>>) src(%arg10 : memref<100x16xf32, #tpu.memory_space<vmem>>) dst(%dma_wait3A_94 : memref<10016x16xf32, #tpu.memory_space<vmem_shared>>)
      %mul3A_97 = arith.constant 4 : i32
      %mul3A_98 = arith.muli %scan3A_33, %mul3A_97 : i32
      %add3A_99 = arith.constant 1 : i32
      %add3A_100 = arith.addi %mul3A_98, %add3A_99 : i32
      %dma_wait3A_101 = arith.constant 1 : i32
      %dma_wait3A_102 = arith.constant 0 : i32
      %dma_wait3A_103 = tpu.memref_slice %arg8[%add3A_100, %dma_wait3A_102] : memref<100x100xi32, #tpu.memory_space<vmem>> -> memref<1x100xi32, #tpu.memory_space<vmem>>
      %dma_wait3A_104 = tpu.memref_squeeze %dma_wait3A_103 : memref<1x100xi32, #tpu.memory_space<vmem>> -> memref<100xi32, #tpu.memory_space<vmem>>
      %dma_wait3A_105 = arith.constant 0 : i32
      %dma_wait3A_106 = arith.constant 0 : i32
      %dma_wait3A_107 = tpu.memref_slice %arg11[%dma_wait3A_105, %dma_wait3A_106] : memref<10016x16xf32, #tpu.memory_space<vmem_shared>> -> memref<10016x16xf32, #tpu.memory_space<vmem_shared>>
      %dma_wait3A_108 = tpu.memref_slice %arg12[%dma_wait3A_101] : memref<4x!tpu.dma_semaphore, #tpu.memory_space<semaphore_mem>> -> memref<1x!tpu.dma_semaphore, #tpu.memory_space<semaphore_mem>>
      %dma_wait3A_109 = tpu.memref_squeeze %dma_wait3A_108 : memref<1x!tpu.dma_semaphore, #tpu.memory_space<semaphore_mem>> -> memref<!tpu.dma_semaphore, #tpu.memory_space<semaphore_mem>>
      tpu.wait_indirect_dma semaphore(%dma_wait3A_109 : memref<!tpu.dma_semaphore, #tpu.memory_space<semaphore_mem>>) src(%arg10 : memref<100x16xf32, #tpu.memory_space<vmem>>) dst(%dma_wait3A_107 : memref<10016x16xf32, #tpu.memory_space<vmem_shared>>)
      %mul3A_110 = arith.constant 4 : i32
      %mul3A_111 = arith.muli %scan3A_33, %mul3A_110 : i32
      %add3A_112 = arith.constant 2 : i32
      %add3A_113 = arith.addi %mul3A_111, %add3A_112 : i32
      %dma_wait3A_114 = arith.constant 2 : i32
      %dma_wait3A_115 = arith.constant 0 : i32
      %dma_wait3A_116 = tpu.memref_slice %arg8[%add3A_113, %dma_wait3A_115] : memref<100x100xi32, #tpu.memory_space<vmem>> -> memref<1x100xi32, #tpu.memory_space<vmem>>
      %dma_wait3A_117 = tpu.memref_squeeze %dma_wait3A_116 : memref<1x100xi32, #tpu.memory_space<vmem>> -> memref<100xi32, #tpu.memory_space<vmem>>
      %dma_wait3A_118 = arith.constant 0 : i32
      %dma_wait3A_119 = arith.constant 0 : i32
      %dma_wait3A_120 = tpu.memref_slice %arg11[%dma_wait3A_118, %dma_wait3A_119] : memref<10016x16xf32, #tpu.memory_space<vmem_shared>> -> memref<10016x16xf32, #tpu.memory_space<vmem_shared>>
      %dma_wait3A_121 = tpu.memref_slice %arg12[%dma_wait3A_114] : memref<4x!tpu.dma_semaphore, #tpu.memory_space<semaphore_mem>> -> memref<1x!tpu.dma_semaphore, #tpu.memory_space<semaphore_mem>>
      %dma_wait3A_122 = tpu.memref_squeeze %dma_wait3A_121 : memref<1x!tpu.dma_semaphore, #tpu.memory_space<semaphore_mem>> -> memref<!tpu.dma_semaphore, #tpu.memory_space<semaphore_mem>>
      tpu.wait_indirect_dma semaphore(%dma_wait3A_122 : memref<!tpu.dma_semaphore, #tpu.memory_space<semaphore_mem>>) src(%arg10 : memref<100x16xf32, #tpu.memory_space<vmem>>) dst(%dma_wait3A_120 : memref<10016x16xf32, #tpu.memory_space<vmem_shared>>)
      %mul3A_123 = arith.constant 4 : i32
      %mul3A_124 = arith.muli %scan3A_33, %mul3A_123 : i32
      %add3A_125 = arith.constant 3 : i32
      %add3A_126 = arith.addi %mul3A_124, %add3A_125 : i32
      %dma_wait3A_127 = arith.constant 3 : i32
      %dma_wait3A_128 = arith.constant 0 : i32
      %dma_wait3A_129 = tpu.memref_slice %arg8[%add3A_126, %dma_wait3A_128] : memref<100x100xi32, #tpu.memory_space<vmem>> -> memref<1x100xi32, #tpu.memory_space<vmem>>
      %dma_wait3A_130 = tpu.memref_squeeze %dma_wait3A_129 : memref<1x100xi32, #tpu.memory_space<vmem>> -> memref<100xi32, #tpu.memory_space<vmem>>
      %dma_wait3A_131 = arith.constant 0 : i32
      %dma_wait3A_132 = arith.constant 0 : i32
      %dma_wait3A_133 = tpu.memref_slice %arg11[%dma_wait3A_131, %dma_wait3A_132] : memref<10016x16xf32, #tpu.memory_space<vmem_shared>> -> memref<10016x16xf32, #tpu.memory_space<vmem_shared>>
      %dma_wait3A_134 = tpu.memref_slice %arg12[%dma_wait3A_127] : memref<4x!tpu.dma_semaphore, #tpu.memory_space<semaphore_mem>> -> memref<1x!tpu.dma_semaphore, #tpu.memory_space<semaphore_mem>>
      %dma_wait3A_135 = tpu.memref_squeeze %dma_wait3A_134 : memref<1x!tpu.dma_semaphore, #tpu.memory_space<semaphore_mem>> -> memref<!tpu.dma_semaphore, #tpu.memory_space<semaphore_mem>>
      tpu.wait_indirect_dma semaphore(%dma_wait3A_135 : memref<!tpu.dma_semaphore, #tpu.memory_space<semaphore_mem>>) src(%arg10 : memref<100x16xf32, #tpu.memory_space<vmem>>) dst(%dma_wait3A_133 : memref<10016x16xf32, #tpu.memory_space<vmem_shared>>)
    }
    %scan3A_9 = arith.constant 25 : i32
    %barrier3A_10 = arith.constant 0 : index
    tpu.barrier barrier_id(%barrier3A_10)
    %mul3A_11 = arith.constant 626 : i32
    %mul3A_12 = arith.muli %arg1, %mul3A_11 : i32
    %mul3A_13 = arith.constant 626 : i32
    %mul3A_14 = arith.muli %arg1, %mul3A_13 : i32
    "tpu.region"() ({
      %run_scoped3A = tpu.sem_alloc : memref<!tpu.dma_semaphore, #tpu.memory_space<semaphore_mem>>
      %dma_start3A = arith.constant 0 : i32
      %dma_start3A_33 = tpu.memref_slice %arg6[%arg0, %mul3A_14, %dma_start3A] : memref<2x10016x16xf32, #tpu.memory_space<hbm>> -> memref<1x626x16xf32, #tpu.memory_space<hbm>>
      %dma_start3A_34 = tpu.memref_squeeze %dma_start3A_33 : memref<1x626x16xf32, #tpu.memory_space<hbm>> -> memref<626x16xf32, #tpu.memory_space<hbm>>
      %dma_start3A_35 = arith.constant 0 : i32
      %dma_start3A_36 = tpu.memref_slice %arg11[%mul3A_12, %dma_start3A_35] : memref<10016x16xf32, #tpu.memory_space<vmem_shared>> -> memref<626x16xf32, #tpu.memory_space<vmem_shared>>
      tpu.enqueue_dma source(%dma_start3A_36 : memref<626x16xf32, #tpu.memory_space<vmem_shared>>) target(%dma_start3A_34 : memref<626x16xf32, #tpu.memory_space<hbm>>) target_semaphore(%run_scoped3A : memref<!tpu.dma_semaphore, #tpu.memory_space<semaphore_mem>>)
      %dma_wait3A = arith.constant 0 : i32
      %dma_wait3A_37 = tpu.memref_slice %arg6[%arg0, %mul3A_14, %dma_wait3A] : memref<2x10016x16xf32, #tpu.memory_space<hbm>> -> memref<1x626x16xf32, #tpu.memory_space<hbm>>
      %dma_wait3A_38 = tpu.memref_squeeze %dma_wait3A_37 : memref<1x626x16xf32, #tpu.memory_space<hbm>> -> memref<626x16xf32, #tpu.memory_space<hbm>>
      %dma_wait3A_39 = arith.constant 0 : i32
      %dma_wait3A_40 = tpu.memref_slice %arg11[%mul3A_12, %dma_wait3A_39] : memref<10016x16xf32, #tpu.memory_space<vmem_shared>> -> memref<626x16xf32, #tpu.memory_space<vmem_shared>>
      tpu.wait_dma2 semaphore(%run_scoped3A : memref<!tpu.dma_semaphore, #tpu.memory_space<semaphore_mem>>) src(%dma_wait3A_40 : memref<626x16xf32, #tpu.memory_space<vmem_shared>>) dst(%dma_wait3A_38 : memref<626x16xf32, #tpu.memory_space<hbm>>)
      tpu.yield
    }) : () -> ()
    %barrier3A_15 = arith.constant 0 : index
    tpu.barrier barrier_id(%barrier3A_15)
    %mul3A_16 = arith.constant 626 : i32
    %mul3A_17 = arith.muli %arg1, %mul3A_16 : i32
    %mul3A_18 = arith.constant 626 : i32
    %mul3A_19 = arith.muli %arg1, %mul3A_18 : i32
    "tpu.region"() ({
      %run_scoped3A = tpu.sem_alloc : memref<!tpu.dma_semaphore, #tpu.memory_space<semaphore_mem>>
      %dma_start3A = arith.constant 0 : i32
      %dma_start3A_33 = tpu.memref_slice %arg11[%mul3A_19, %dma_start3A] : memref<10016x16xf32, #tpu.memory_space<vmem_shared>> -> memref<626x16xf32, #tpu.memory_space<vmem_shared>>
      %dma_start3A_34 = arith.constant 0 : i32
      %dma_start3A_35 = tpu.memref_slice %arg5[%mul3A_17, %dma_start3A_34] : memref<10016x16xf32, #tpu.memory_space<hbm>> -> memref<626x16xf32, #tpu.memory_space<hbm>>
      tpu.enqueue_dma source(%dma_start3A_35 : memref<626x16xf32, #tpu.memory_space<hbm>>) target(%dma_start3A_33 : memref<626x16xf32, #tpu.memory_space<vmem_shared>>) target_semaphore(%run_scoped3A : memref<!tpu.dma_semaphore, #tpu.memory_space<semaphore_mem>>)
      %dma_wait3A = arith.constant 0 : i32
      %dma_wait3A_36 = tpu.memref_slice %arg11[%mul3A_19, %dma_wait3A] : memref<10016x16xf32, #tpu.memory_space<vmem_shared>> -> memref<626x16xf32, #tpu.memory_space<vmem_shared>>
      %dma_wait3A_37 = arith.constant 0 : i32
      %dma_wait3A_38 = tpu.memref_slice %arg5[%mul3A_17, %dma_wait3A_37] : memref<10016x16xf32, #tpu.memory_space<hbm>> -> memref<626x16xf32, #tpu.memory_space<hbm>>
      tpu.wait_dma2 semaphore(%run_scoped3A : memref<!tpu.dma_semaphore, #tpu.memory_space<semaphore_mem>>) src(%dma_wait3A_38 : memref<626x16xf32, #tpu.memory_space<hbm>>) dst(%dma_wait3A_36 : memref<626x16xf32, #tpu.memory_space<vmem_shared>>)
      tpu.yield
    }) : () -> ()
    %barrier3A_20 = arith.constant 0 : index
    tpu.barrier barrier_id(%barrier3A_20)
    %scan3A_21 = arith.constant 0 : i32
    %scan3A_22 = arith.constant 0 : i32
    %scan3A_23 = arith.constant 25 : i32
    %scan3A_24 = arith.addi %scan3A_22, %scan3A_23 : i32
    %scan3A_25 = arith.constant 1 : i32
    scf.for %scan3A_33 = %scan3A_22 to %scan3A_24 step %scan3A_25  : i32 {
      %mul3A_34 = arith.constant 4 : i32
      %mul3A_35 = arith.muli %scan3A_33, %mul3A_34 : i32
      %add3A_36 = arith.constant 0 : i32
      %add3A_37 = arith.addi %mul3A_35, %add3A_36 : i32
      %dma_start3A = arith.constant 0 : i32
      %dma_start3A_38 = arith.constant 0 : i32
      %dma_start3A_39 = tpu.memref_slice %arg9[%add3A_37, %dma_start3A_38] : memref<100x100xi32, #tpu.memory_space<vmem>> -> memref<1x100xi32, #tpu.memory_space<vmem>>
      %dma_start3A_40 = tpu.memref_squeeze %dma_start3A_39 : memref<1x100xi32, #tpu.memory_space<vmem>> -> memref<100xi32, #tpu.memory_space<vmem>>
      %dma_start3A_41 = arith.constant 0 : i32
      %dma_start3A_42 = arith.constant 0 : i32
      %dma_start3A_43 = tpu.memref_slice %arg11[%dma_start3A_41, %dma_start3A_42] : memref<10016x16xf32, #tpu.memory_space<vmem_shared>> -> memref<10016x16xf32, #tpu.memory_space<vmem_shared>>
      %dma_start3A_44 = tpu.memref_slice %arg12[%dma_start3A] : memref<4x!tpu.dma_semaphore, #tpu.memory_space<semaphore_mem>> -> memref<1x!tpu.dma_semaphore, #tpu.memory_space<semaphore_mem>>
      %dma_start3A_45 = tpu.memref_squeeze %dma_start3A_44 : memref<1x!tpu.dma_semaphore, #tpu.memory_space<semaphore_mem>> -> memref<!tpu.dma_semaphore, #tpu.memory_space<semaphore_mem>>
      tpu.enqueue_indirect_dma source(%arg10 : memref<100x16xf32, #tpu.memory_space<vmem>>) target(%dma_start3A_43 : memref<10016x16xf32, #tpu.memory_space<vmem_shared>>) offsets(%dma_start3A_40 : memref<100xi32, #tpu.memory_space<vmem>>) semaphore(%dma_start3A_45 : memref<!tpu.dma_semaphore, #tpu.memory_space<semaphore_mem>>) {add = true}
      %mul3A_46 = arith.constant 4 : i32
      %mul3A_47 = arith.muli %scan3A_33, %mul3A_46 : i32
      %add3A_48 = arith.constant 1 : i32
      %add3A_49 = arith.addi %mul3A_47, %add3A_48 : i32
      %dma_start3A_50 = arith.constant 1 : i32
      %dma_start3A_51 = arith.constant 0 : i32
      %dma_start3A_52 = tpu.memref_slice %arg9[%add3A_49, %dma_start3A_51] : memref<100x100xi32, #tpu.memory_space<vmem>> -> memref<1x100xi32, #tpu.memory_space<vmem>>
      %dma_start3A_53 = tpu.memref_squeeze %dma_start3A_52 : memref<1x100xi32, #tpu.memory_space<vmem>> -> memref<100xi32, #tpu.memory_space<vmem>>
      %dma_start3A_54 = arith.constant 0 : i32
      %dma_start3A_55 = arith.constant 0 : i32
      %dma_start3A_56 = tpu.memref_slice %arg11[%dma_start3A_54, %dma_start3A_55] : memref<10016x16xf32, #tpu.memory_space<vmem_shared>> -> memref<10016x16xf32, #tpu.memory_space<vmem_shared>>
      %dma_start3A_57 = tpu.memref_slice %arg12[%dma_start3A_50] : memref<4x!tpu.dma_semaphore, #tpu.memory_space<semaphore_mem>> -> memref<1x!tpu.dma_semaphore, #tpu.memory_space<semaphore_mem>>
      %dma_start3A_58 = tpu.memref_squeeze %dma_start3A_57 : memref<1x!tpu.dma_semaphore, #tpu.memory_space<semaphore_mem>> -> memref<!tpu.dma_semaphore, #tpu.memory_space<semaphore_mem>>
      tpu.enqueue_indirect_dma source(%arg10 : memref<100x16xf32, #tpu.memory_space<vmem>>) target(%dma_start3A_56 : memref<10016x16xf32, #tpu.memory_space<vmem_shared>>) offsets(%dma_start3A_53 : memref<100xi32, #tpu.memory_space<vmem>>) semaphore(%dma_start3A_58 : memref<!tpu.dma_semaphore, #tpu.memory_space<semaphore_mem>>) {add = true}
      %mul3A_59 = arith.constant 4 : i32
      %mul3A_60 = arith.muli %scan3A_33, %mul3A_59 : i32
      %add3A_61 = arith.constant 2 : i32
      %add3A_62 = arith.addi %mul3A_60, %add3A_61 : i32
      %dma_start3A_63 = arith.constant 2 : i32
      %dma_start3A_64 = arith.constant 0 : i32
      %dma_start3A_65 = tpu.memref_slice %arg9[%add3A_62, %dma_start3A_64] : memref<100x100xi32, #tpu.memory_space<vmem>> -> memref<1x100xi32, #tpu.memory_space<vmem>>
      %dma_start3A_66 = tpu.memref_squeeze %dma_start3A_65 : memref<1x100xi32, #tpu.memory_space<vmem>> -> memref<100xi32, #tpu.memory_space<vmem>>
      %dma_start3A_67 = arith.constant 0 : i32
      %dma_start3A_68 = arith.constant 0 : i32
      %dma_start3A_69 = tpu.memref_slice %arg11[%dma_start3A_67, %dma_start3A_68] : memref<10016x16xf32, #tpu.memory_space<vmem_shared>> -> memref<10016x16xf32, #tpu.memory_space<vmem_shared>>
      %dma_start3A_70 = tpu.memref_slice %arg12[%dma_start3A_63] : memref<4x!tpu.dma_semaphore, #tpu.memory_space<semaphore_mem>> -> memref<1x!tpu.dma_semaphore, #tpu.memory_space<semaphore_mem>>
      %dma_start3A_71 = tpu.memref_squeeze %dma_start3A_70 : memref<1x!tpu.dma_semaphore, #tpu.memory_space<semaphore_mem>> -> memref<!tpu.dma_semaphore, #tpu.memory_space<semaphore_mem>>
      tpu.enqueue_indirect_dma source(%arg10 : memref<100x16xf32, #tpu.memory_space<vmem>>) target(%dma_start3A_69 : memref<10016x16xf32, #tpu.memory_space<vmem_shared>>) offsets(%dma_start3A_66 : memref<100xi32, #tpu.memory_space<vmem>>) semaphore(%dma_start3A_71 : memref<!tpu.dma_semaphore, #tpu.memory_space<semaphore_mem>>) {add = true}
      %mul3A_72 = arith.constant 4 : i32
      %mul3A_73 = arith.muli %scan3A_33, %mul3A_72 : i32
      %add3A_74 = arith.constant 3 : i32
      %add3A_75 = arith.addi %mul3A_73, %add3A_74 : i32
      %dma_start3A_76 = arith.constant 3 : i32
      %dma_start3A_77 = arith.constant 0 : i32
      %dma_start3A_78 = tpu.memref_slice %arg9[%add3A_75, %dma_start3A_77] : memref<100x100xi32, #tpu.memory_space<vmem>> -> memref<1x100xi32, #tpu.memory_space<vmem>>
      %dma_start3A_79 = tpu.memref_squeeze %dma_start3A_78 : memref<1x100xi32, #tpu.memory_space<vmem>> -> memref<100xi32, #tpu.memory_space<vmem>>
      %dma_start3A_80 = arith.constant 0 : i32
      %dma_start3A_81 = arith.constant 0 : i32
      %dma_start3A_82 = tpu.memref_slice %arg11[%dma_start3A_80, %dma_start3A_81] : memref<10016x16xf32, #tpu.memory_space<vmem_shared>> -> memref<10016x16xf32, #tpu.memory_space<vmem_shared>>
      %dma_start3A_83 = tpu.memref_slice %arg12[%dma_start3A_76] : memref<4x!tpu.dma_semaphore, #tpu.memory_space<semaphore_mem>> -> memref<1x!tpu.dma_semaphore, #tpu.memory_space<semaphore_mem>>
      %dma_start3A_84 = tpu.memref_squeeze %dma_start3A_83 : memref<1x!tpu.dma_semaphore, #tpu.memory_space<semaphore_mem>> -> memref<!tpu.dma_semaphore, #tpu.memory_space<semaphore_mem>>
      tpu.enqueue_indirect_dma source(%arg10 : memref<100x16xf32, #tpu.memory_space<vmem>>) target(%dma_start3A_82 : memref<10016x16xf32, #tpu.memory_space<vmem_shared>>) offsets(%dma_start3A_79 : memref<100xi32, #tpu.memory_space<vmem>>) semaphore(%dma_start3A_84 : memref<!tpu.dma_semaphore, #tpu.memory_space<semaphore_mem>>) {add = true}
      %mul3A_85 = arith.constant 4 : i32
      %mul3A_86 = arith.muli %scan3A_33, %mul3A_85 : i32
      %add3A_87 = arith.constant 0 : i32
      %add3A_88 = arith.addi %mul3A_86, %add3A_87 : i32
      %dma_wait3A = arith.constant 0 : i32
      %dma_wait3A_89 = arith.constant 0 : i32
      %dma_wait3A_90 = tpu.memref_slice %arg9[%add3A_88, %dma_wait3A_89] : memref<100x100xi32, #tpu.memory_space<vmem>> -> memref<1x100xi32, #tpu.memory_space<vmem>>
      %dma_wait3A_91 = tpu.memref_squeeze %dma_wait3A_90 : memref<1x100xi32, #tpu.memory_space<vmem>> -> memref<100xi32, #tpu.memory_space<vmem>>
      %dma_wait3A_92 = arith.constant 0 : i32
      %dma_wait3A_93 = arith.constant 0 : i32
      %dma_wait3A_94 = tpu.memref_slice %arg11[%dma_wait3A_92, %dma_wait3A_93] : memref<10016x16xf32, #tpu.memory_space<vmem_shared>> -> memref<10016x16xf32, #tpu.memory_space<vmem_shared>>
      %dma_wait3A_95 = tpu.memref_slice %arg12[%dma_wait3A] : memref<4x!tpu.dma_semaphore, #tpu.memory_space<semaphore_mem>> -> memref<1x!tpu.dma_semaphore, #tpu.memory_space<semaphore_mem>>
      %dma_wait3A_96 = tpu.memref_squeeze %dma_wait3A_95 : memref<1x!tpu.dma_semaphore, #tpu.memory_space<semaphore_mem>> -> memref<!tpu.dma_semaphore, #tpu.memory_space<semaphore_mem>>
      tpu.wait_indirect_dma semaphore(%dma_wait3A_96 : memref<!tpu.dma_semaphore, #tpu.memory_space<semaphore_mem>>) src(%arg10 : memref<100x16xf32, #tpu.memory_space<vmem>>) dst(%dma_wait3A_94 : memref<10016x16xf32, #tpu.memory_space<vmem_shared>>)
      %mul3A_97 = arith.constant 4 : i32
      %mul3A_98 = arith.muli %scan3A_33, %mul3A_97 : i32
      %add3A_99 = arith.constant 1 : i32
      %add3A_100 = arith.addi %mul3A_98, %add3A_99 : i32
      %dma_wait3A_101 = arith.constant 1 : i32
      %dma_wait3A_102 = arith.constant 0 : i32
      %dma_wait3A_103 = tpu.memref_slice %arg9[%add3A_100, %dma_wait3A_102] : memref<100x100xi32, #tpu.memory_space<vmem>> -> memref<1x100xi32, #tpu.memory_space<vmem>>
      %dma_wait3A_104 = tpu.memref_squeeze %dma_wait3A_103 : memref<1x100xi32, #tpu.memory_space<vmem>> -> memref<100xi32, #tpu.memory_space<vmem>>
      %dma_wait3A_105 = arith.constant 0 : i32
      %dma_wait3A_106 = arith.constant 0 : i32
      %dma_wait3A_107 = tpu.memref_slice %arg11[%dma_wait3A_105, %dma_wait3A_106] : memref<10016x16xf32, #tpu.memory_space<vmem_shared>> -> memref<10016x16xf32, #tpu.memory_space<vmem_shared>>
      %dma_wait3A_108 = tpu.memref_slice %arg12[%dma_wait3A_101] : memref<4x!tpu.dma_semaphore, #tpu.memory_space<semaphore_mem>> -> memref<1x!tpu.dma_semaphore, #tpu.memory_space<semaphore_mem>>
      %dma_wait3A_109 = tpu.memref_squeeze %dma_wait3A_108 : memref<1x!tpu.dma_semaphore, #tpu.memory_space<semaphore_mem>> -> memref<!tpu.dma_semaphore, #tpu.memory_space<semaphore_mem>>
      tpu.wait_indirect_dma semaphore(%dma_wait3A_109 : memref<!tpu.dma_semaphore, #tpu.memory_space<semaphore_mem>>) src(%arg10 : memref<100x16xf32, #tpu.memory_space<vmem>>) dst(%dma_wait3A_107 : memref<10016x16xf32, #tpu.memory_space<vmem_shared>>)
      %mul3A_110 = arith.constant 4 : i32
      %mul3A_111 = arith.muli %scan3A_33, %mul3A_110 : i32
      %add3A_112 = arith.constant 2 : i32
      %add3A_113 = arith.addi %mul3A_111, %add3A_112 : i32
      %dma_wait3A_114 = arith.constant 2 : i32
      %dma_wait3A_115 = arith.constant 0 : i32
      %dma_wait3A_116 = tpu.memref_slice %arg9[%add3A_113, %dma_wait3A_115] : memref<100x100xi32, #tpu.memory_space<vmem>> -> memref<1x100xi32, #tpu.memory_space<vmem>>
      %dma_wait3A_117 = tpu.memref_squeeze %dma_wait3A_116 : memref<1x100xi32, #tpu.memory_space<vmem>> -> memref<100xi32, #tpu.memory_space<vmem>>
      %dma_wait3A_118 = arith.constant 0 : i32
      %dma_wait3A_119 = arith.constant 0 : i32
      %dma_wait3A_120 = tpu.memref_slice %arg11[%dma_wait3A_118, %dma_wait3A_119] : memref<10016x16xf32, #tpu.memory_space<vmem_shared>> -> memref<10016x16xf32, #tpu.memory_space<vmem_shared>>
      %dma_wait3A_121 = tpu.memref_slice %arg12[%dma_wait3A_114] : memref<4x!tpu.dma_semaphore, #tpu.memory_space<semaphore_mem>> -> memref<1x!tpu.dma_semaphore, #tpu.memory_space<semaphore_mem>>
      %dma_wait3A_122 = tpu.memref_squeeze %dma_wait3A_121 : memref<1x!tpu.dma_semaphore, #tpu.memory_space<semaphore_mem>> -> memref<!tpu.dma_semaphore, #tpu.memory_space<semaphore_mem>>
      tpu.wait_indirect_dma semaphore(%dma_wait3A_122 : memref<!tpu.dma_semaphore, #tpu.memory_space<semaphore_mem>>) src(%arg10 : memref<100x16xf32, #tpu.memory_space<vmem>>) dst(%dma_wait3A_120 : memref<10016x16xf32, #tpu.memory_space<vmem_shared>>)
      %mul3A_123 = arith.constant 4 : i32
      %mul3A_124 = arith.muli %scan3A_33, %mul3A_123 : i32
      %add3A_125 = arith.constant 3 : i32
      %add3A_126 = arith.addi %mul3A_124, %add3A_125 : i32
      %dma_wait3A_127 = arith.constant 3 : i32
      %dma_wait3A_128 = arith.constant 0 : i32
      %dma_wait3A_129 = tpu.memref_slice %arg9[%add3A_126, %dma_wait3A_128] : memref<100x100xi32, #tpu.memory_space<vmem>> -> memref<1x100xi32, #tpu.memory_space<vmem>>
      %dma_wait3A_130 = tpu.memref_squeeze %dma_wait3A_129 : memref<1x100xi32, #tpu.memory_space<vmem>> -> memref<100xi32, #tpu.memory_space<vmem>>
      %dma_wait3A_131 = arith.constant 0 : i32
      %dma_wait3A_132 = arith.constant 0 : i32
      %dma_wait3A_133 = tpu.memref_slice %arg11[%dma_wait3A_131, %dma_wait3A_132] : memref<10016x16xf32, #tpu.memory_space<vmem_shared>> -> memref<10016x16xf32, #tpu.memory_space<vmem_shared>>
      %dma_wait3A_134 = tpu.memref_slice %arg12[%dma_wait3A_127] : memref<4x!tpu.dma_semaphore, #tpu.memory_space<semaphore_mem>> -> memref<1x!tpu.dma_semaphore, #tpu.memory_space<semaphore_mem>>
      %dma_wait3A_135 = tpu.memref_squeeze %dma_wait3A_134 : memref<1x!tpu.dma_semaphore, #tpu.memory_space<semaphore_mem>> -> memref<!tpu.dma_semaphore, #tpu.memory_space<semaphore_mem>>
      tpu.wait_indirect_dma semaphore(%dma_wait3A_135 : memref<!tpu.dma_semaphore, #tpu.memory_space<semaphore_mem>>) src(%arg10 : memref<100x16xf32, #tpu.memory_space<vmem>>) dst(%dma_wait3A_133 : memref<10016x16xf32, #tpu.memory_space<vmem_shared>>)
    }
    %scan3A_26 = arith.constant 25 : i32
    %barrier3A_27 = arith.constant 0 : index
    tpu.barrier barrier_id(%barrier3A_27)
    %mul3A_28 = arith.constant 626 : i32
    %mul3A_29 = arith.muli %arg1, %mul3A_28 : i32
    %mul3A_30 = arith.constant 626 : i32
    %mul3A_31 = arith.muli %arg1, %mul3A_30 : i32
    "tpu.region"() ({
      %run_scoped3A = tpu.sem_alloc : memref<!tpu.dma_semaphore, #tpu.memory_space<semaphore_mem>>
      %dma_start3A = arith.constant 0 : i32
      %dma_start3A_33 = tpu.memref_slice %arg7[%arg0, %mul3A_31, %dma_start3A] : memref<2x10016x16xf32, #tpu.memory_space<hbm>> -> memref<1x626x16xf32, #tpu.memory_space<hbm>>
      %dma_start3A_34 = tpu.memref_squeeze %dma_start3A_33 : memref<1x626x16xf32, #tpu.memory_space<hbm>> -> memref<626x16xf32, #tpu.memory_space<hbm>>
      %dma_start3A_35 = arith.constant 0 : i32
      %dma_start3A_36 = tpu.memref_slice %arg11[%mul3A_29, %dma_start3A_35] : memref<10016x16xf32, #tpu.memory_space<vmem_shared>> -> memref<626x16xf32, #tpu.memory_space<vmem_shared>>
      tpu.enqueue_dma source(%dma_start3A_36 : memref<626x16xf32, #tpu.memory_space<vmem_shared>>) target(%dma_start3A_34 : memref<626x16xf32, #tpu.memory_space<hbm>>) target_semaphore(%run_scoped3A : memref<!tpu.dma_semaphore, #tpu.memory_space<semaphore_mem>>)
      %dma_wait3A = arith.constant 0 : i32
      %dma_wait3A_37 = tpu.memref_slice %arg7[%arg0, %mul3A_31, %dma_wait3A] : memref<2x10016x16xf32, #tpu.memory_space<hbm>> -> memref<1x626x16xf32, #tpu.memory_space<hbm>>
      %dma_wait3A_38 = tpu.memref_squeeze %dma_wait3A_37 : memref<1x626x16xf32, #tpu.memory_space<hbm>> -> memref<626x16xf32, #tpu.memory_space<hbm>>
      %dma_wait3A_39 = arith.constant 0 : i32
      %dma_wait3A_40 = tpu.memref_slice %arg11[%mul3A_29, %dma_wait3A_39] : memref<10016x16xf32, #tpu.memory_space<vmem_shared>> -> memref<626x16xf32, #tpu.memory_space<vmem_shared>>
      tpu.wait_dma2 semaphore(%run_scoped3A : memref<!tpu.dma_semaphore, #tpu.memory_space<semaphore_mem>>) src(%dma_wait3A_40 : memref<626x16xf32, #tpu.memory_space<vmem_shared>>) dst(%dma_wait3A_38 : memref<626x16xf32, #tpu.memory_space<hbm>>)
      tpu.yield
    }) : () -> ()
    %barrier3A_32 = arith.constant 0 : index
    tpu.barrier barrier_id(%barrier3A_32)
    return
  }
}

#map = affine_map<(d0, d1) -> (0, 0)>
#map1 = affine_map<(d0, d1) -> (0, 0, 0)>
module attributes {stable_mosaic.version = 14 : i64} {
  func.func @agg(%arg0: i32, %arg1: i32, %arg2: memref<10016x64xf32, #tpu.memory_space<hbm>>, %arg3: memref<32x100x100xi32, #tpu.memory_space<hbm>>, %arg4: memref<32x100x100xi32, #tpu.memory_space<hbm>>, %arg5: memref<10016x64xf32, #tpu.memory_space<hbm>>, %arg6: memref<2x10016x64xf32, #tpu.memory_space<hbm>>, %arg7: memref<100x100xi32, #tpu.memory_space<vmem>>, %arg8: memref<100x100xi32, #tpu.memory_space<vmem>>, %arg9: memref<100x64xf32, #tpu.memory_space<vmem>>, %arg10: memref<100x64xf32, #tpu.memory_space<vmem>>, %arg11: memref<100x64xf32, #tpu.memory_space<vmem>>, %arg12: memref<100x64xf32, #tpu.memory_space<vmem>>, %arg13: memref<10016x64xf32, #tpu.memory_space<vmem_shared>>, %arg14: memref<4x!tpu.dma_semaphore, #tpu.memory_space<semaphore_mem>>, %arg15: memref<4x!tpu.dma_semaphore, #tpu.memory_space<semaphore_mem>>) attributes {dimension_semantics = [#tpu.dimension_semantics<core_parallel>, #tpu.dimension_semantics<subcore_parallel>], iteration_bounds = array<i64: 2, 16>, scalar_prefetch = 0 : i64, scratch_operands = 9 : i64, tpu.core_type = #tpu.core_type<sc_vector_subcore>, window_params = [{transform_indices = #map}, {transform_indices = #map1}, {transform_indices = #map1}, {transform_indices = #map}, {transform_indices = #map1}]} {
    %mul3A = arith.constant 2 : i32
    %mul3A_0 = arith.muli %arg1, %mul3A : i32
    %add3A = arith.addi %mul3A_0, %arg0 : i32
    %mul3A_1 = arith.constant 626 : i32
    %mul3A_2 = arith.muli %arg1, %mul3A_1 : i32
    %mul3A_3 = arith.constant 626 : i32
    %mul3A_4 = arith.muli %arg1, %mul3A_3 : i32
    "tpu.region"() ({
      %run_scoped3A = tpu.sem_alloc : memref<!tpu.dma_semaphore, #tpu.memory_space<semaphore_mem>>
      %dma_start3A_54 = arith.constant 0 : i32
      %dma_start3A_55 = tpu.memref_slice %arg13[%mul3A_4, %dma_start3A_54] : memref<10016x64xf32, #tpu.memory_space<vmem_shared>> -> memref<626x64xf32, #tpu.memory_space<vmem_shared>>
      %dma_start3A_56 = arith.constant 0 : i32
      %dma_start3A_57 = tpu.memref_slice %arg5[%mul3A_2, %dma_start3A_56] : memref<10016x64xf32, #tpu.memory_space<hbm>> -> memref<626x64xf32, #tpu.memory_space<hbm>>
      tpu.enqueue_dma source(%dma_start3A_57 : memref<626x64xf32, #tpu.memory_space<hbm>>) target(%dma_start3A_55 : memref<626x64xf32, #tpu.memory_space<vmem_shared>>) target_semaphore(%run_scoped3A : memref<!tpu.dma_semaphore, #tpu.memory_space<semaphore_mem>>)
      %dma_wait3A = arith.constant 0 : i32
      %dma_wait3A_58 = tpu.memref_slice %arg13[%mul3A_4, %dma_wait3A] : memref<10016x64xf32, #tpu.memory_space<vmem_shared>> -> memref<626x64xf32, #tpu.memory_space<vmem_shared>>
      %dma_wait3A_59 = arith.constant 0 : i32
      %dma_wait3A_60 = tpu.memref_slice %arg5[%mul3A_2, %dma_wait3A_59] : memref<10016x64xf32, #tpu.memory_space<hbm>> -> memref<626x64xf32, #tpu.memory_space<hbm>>
      tpu.wait_dma2 semaphore(%run_scoped3A : memref<!tpu.dma_semaphore, #tpu.memory_space<semaphore_mem>>) src(%dma_wait3A_60 : memref<626x64xf32, #tpu.memory_space<hbm>>) dst(%dma_wait3A_58 : memref<626x64xf32, #tpu.memory_space<vmem_shared>>)
      tpu.yield
    }) : () -> ()
    "tpu.region"() ({
      %run_scoped3A = tpu.sem_alloc : memref<!tpu.dma_semaphore, #tpu.memory_space<semaphore_mem>>
      %dma_start3A_54 = arith.constant 0 : i32
      %dma_start3A_55 = arith.constant 0 : i32
      %dma_start3A_56 = tpu.memref_slice %arg3[%add3A, %dma_start3A_54, %dma_start3A_55] : memref<32x100x100xi32, #tpu.memory_space<hbm>> -> memref<1x100x100xi32, #tpu.memory_space<hbm>>
      %dma_start3A_57 = tpu.memref_squeeze %dma_start3A_56 : memref<1x100x100xi32, #tpu.memory_space<hbm>> -> memref<100x100xi32, #tpu.memory_space<hbm>>
      %dma_start3A_58 = arith.constant 0 : i32
      %dma_start3A_59 = arith.constant 0 : i32
      %dma_start3A_60 = tpu.memref_slice %arg3[%add3A, %dma_start3A_58, %dma_start3A_59] : memref<32x100x100xi32, #tpu.memory_space<hbm>> -> memref<1x100x100xi32, #tpu.memory_space<hbm>>
      %dma_start3A_61 = tpu.memref_squeeze %dma_start3A_60 : memref<1x100x100xi32, #tpu.memory_space<hbm>> -> memref<100x100xi32, #tpu.memory_space<hbm>>
      tpu.enqueue_dma source(%dma_start3A_61 : memref<100x100xi32, #tpu.memory_space<hbm>>) target(%arg7 : memref<100x100xi32, #tpu.memory_space<vmem>>) target_semaphore(%run_scoped3A : memref<!tpu.dma_semaphore, #tpu.memory_space<semaphore_mem>>)
      %dma_wait3A = arith.constant 0 : i32
      %dma_wait3A_62 = arith.constant 0 : i32
      %dma_wait3A_63 = tpu.memref_slice %arg3[%add3A, %dma_wait3A, %dma_wait3A_62] : memref<32x100x100xi32, #tpu.memory_space<hbm>> -> memref<1x100x100xi32, #tpu.memory_space<hbm>>
      %dma_wait3A_64 = tpu.memref_squeeze %dma_wait3A_63 : memref<1x100x100xi32, #tpu.memory_space<hbm>> -> memref<100x100xi32, #tpu.memory_space<hbm>>
      %dma_wait3A_65 = arith.constant 0 : i32
      %dma_wait3A_66 = arith.constant 0 : i32
      %dma_wait3A_67 = tpu.memref_slice %arg3[%add3A, %dma_wait3A_65, %dma_wait3A_66] : memref<32x100x100xi32, #tpu.memory_space<hbm>> -> memref<1x100x100xi32, #tpu.memory_space<hbm>>
      %dma_wait3A_68 = tpu.memref_squeeze %dma_wait3A_67 : memref<1x100x100xi32, #tpu.memory_space<hbm>> -> memref<100x100xi32, #tpu.memory_space<hbm>>
      tpu.wait_dma2 semaphore(%run_scoped3A : memref<!tpu.dma_semaphore, #tpu.memory_space<semaphore_mem>>) src(%dma_wait3A_68 : memref<100x100xi32, #tpu.memory_space<hbm>>) dst(%arg7 : memref<100x100xi32, #tpu.memory_space<vmem>>)
      tpu.yield
    }) : () -> ()
    "tpu.region"() ({
      %run_scoped3A = tpu.sem_alloc : memref<!tpu.dma_semaphore, #tpu.memory_space<semaphore_mem>>
      %dma_start3A_54 = arith.constant 0 : i32
      %dma_start3A_55 = arith.constant 0 : i32
      %dma_start3A_56 = tpu.memref_slice %arg4[%add3A, %dma_start3A_54, %dma_start3A_55] : memref<32x100x100xi32, #tpu.memory_space<hbm>> -> memref<1x100x100xi32, #tpu.memory_space<hbm>>
      %dma_start3A_57 = tpu.memref_squeeze %dma_start3A_56 : memref<1x100x100xi32, #tpu.memory_space<hbm>> -> memref<100x100xi32, #tpu.memory_space<hbm>>
      %dma_start3A_58 = arith.constant 0 : i32
      %dma_start3A_59 = arith.constant 0 : i32
      %dma_start3A_60 = tpu.memref_slice %arg4[%add3A, %dma_start3A_58, %dma_start3A_59] : memref<32x100x100xi32, #tpu.memory_space<hbm>> -> memref<1x100x100xi32, #tpu.memory_space<hbm>>
      %dma_start3A_61 = tpu.memref_squeeze %dma_start3A_60 : memref<1x100x100xi32, #tpu.memory_space<hbm>> -> memref<100x100xi32, #tpu.memory_space<hbm>>
      tpu.enqueue_dma source(%dma_start3A_61 : memref<100x100xi32, #tpu.memory_space<hbm>>) target(%arg8 : memref<100x100xi32, #tpu.memory_space<vmem>>) target_semaphore(%run_scoped3A : memref<!tpu.dma_semaphore, #tpu.memory_space<semaphore_mem>>)
      %dma_wait3A = arith.constant 0 : i32
      %dma_wait3A_62 = arith.constant 0 : i32
      %dma_wait3A_63 = tpu.memref_slice %arg4[%add3A, %dma_wait3A, %dma_wait3A_62] : memref<32x100x100xi32, #tpu.memory_space<hbm>> -> memref<1x100x100xi32, #tpu.memory_space<hbm>>
      %dma_wait3A_64 = tpu.memref_squeeze %dma_wait3A_63 : memref<1x100x100xi32, #tpu.memory_space<hbm>> -> memref<100x100xi32, #tpu.memory_space<hbm>>
      %dma_wait3A_65 = arith.constant 0 : i32
      %dma_wait3A_66 = arith.constant 0 : i32
      %dma_wait3A_67 = tpu.memref_slice %arg4[%add3A, %dma_wait3A_65, %dma_wait3A_66] : memref<32x100x100xi32, #tpu.memory_space<hbm>> -> memref<1x100x100xi32, #tpu.memory_space<hbm>>
      %dma_wait3A_68 = tpu.memref_squeeze %dma_wait3A_67 : memref<1x100x100xi32, #tpu.memory_space<hbm>> -> memref<100x100xi32, #tpu.memory_space<hbm>>
      tpu.wait_dma2 semaphore(%run_scoped3A : memref<!tpu.dma_semaphore, #tpu.memory_space<semaphore_mem>>) src(%dma_wait3A_68 : memref<100x100xi32, #tpu.memory_space<hbm>>) dst(%arg8 : memref<100x100xi32, #tpu.memory_space<vmem>>)
      tpu.yield
    }) : () -> ()
    %barrier3A = arith.constant 0 : index
    tpu.barrier barrier_id(%barrier3A)
    %dma_start3A = arith.constant 0 : i32
    %dma_start3A_5 = arith.constant 0 : i32
    %dma_start3A_6 = arith.constant 0 : i32
    %dma_start3A_7 = tpu.memref_slice %arg7[%dma_start3A, %dma_start3A_6] : memref<100x100xi32, #tpu.memory_space<vmem>> -> memref<1x100xi32, #tpu.memory_space<vmem>>
    %dma_start3A_8 = tpu.memref_squeeze %dma_start3A_7 : memref<1x100xi32, #tpu.memory_space<vmem>> -> memref<100xi32, #tpu.memory_space<vmem>>
    %dma_start3A_9 = arith.constant 0 : i32
    %dma_start3A_10 = arith.constant 0 : i32
    %dma_start3A_11 = tpu.memref_slice %arg2[%dma_start3A_9, %dma_start3A_10] : memref<10016x64xf32, #tpu.memory_space<hbm>> -> memref<10016x64xf32, #tpu.memory_space<hbm>>
    %dma_start3A_12 = tpu.memref_slice %arg14[%dma_start3A_5] : memref<4x!tpu.dma_semaphore, #tpu.memory_space<semaphore_mem>> -> memref<1x!tpu.dma_semaphore, #tpu.memory_space<semaphore_mem>>
    %dma_start3A_13 = tpu.memref_squeeze %dma_start3A_12 : memref<1x!tpu.dma_semaphore, #tpu.memory_space<semaphore_mem>> -> memref<!tpu.dma_semaphore, #tpu.memory_space<semaphore_mem>>
    tpu.enqueue_indirect_dma source(%dma_start3A_11 : memref<10016x64xf32, #tpu.memory_space<hbm>>) target(%arg9 : memref<100x64xf32, #tpu.memory_space<vmem>>) offsets(%dma_start3A_8 : memref<100xi32, #tpu.memory_space<vmem>>) semaphore(%dma_start3A_13 : memref<!tpu.dma_semaphore, #tpu.memory_space<semaphore_mem>>)
    %dma_start3A_14 = arith.constant 1 : i32
    %dma_start3A_15 = arith.constant 1 : i32
    %dma_start3A_16 = arith.constant 0 : i32
    %dma_start3A_17 = tpu.memref_slice %arg7[%dma_start3A_14, %dma_start3A_16] : memref<100x100xi32, #tpu.memory_space<vmem>> -> memref<1x100xi32, #tpu.memory_space<vmem>>
    %dma_start3A_18 = tpu.memref_squeeze %dma_start3A_17 : memref<1x100xi32, #tpu.memory_space<vmem>> -> memref<100xi32, #tpu.memory_space<vmem>>
    %dma_start3A_19 = arith.constant 0 : i32
    %dma_start3A_20 = arith.constant 0 : i32
    %dma_start3A_21 = tpu.memref_slice %arg2[%dma_start3A_19, %dma_start3A_20] : memref<10016x64xf32, #tpu.memory_space<hbm>> -> memref<10016x64xf32, #tpu.memory_space<hbm>>
    %dma_start3A_22 = tpu.memref_slice %arg14[%dma_start3A_15] : memref<4x!tpu.dma_semaphore, #tpu.memory_space<semaphore_mem>> -> memref<1x!tpu.dma_semaphore, #tpu.memory_space<semaphore_mem>>
    %dma_start3A_23 = tpu.memref_squeeze %dma_start3A_22 : memref<1x!tpu.dma_semaphore, #tpu.memory_space<semaphore_mem>> -> memref<!tpu.dma_semaphore, #tpu.memory_space<semaphore_mem>>
    tpu.enqueue_indirect_dma source(%dma_start3A_21 : memref<10016x64xf32, #tpu.memory_space<hbm>>) target(%arg10 : memref<100x64xf32, #tpu.memory_space<vmem>>) offsets(%dma_start3A_18 : memref<100xi32, #tpu.memory_space<vmem>>) semaphore(%dma_start3A_23 : memref<!tpu.dma_semaphore, #tpu.memory_space<semaphore_mem>>)
    %dma_start3A_24 = arith.constant 2 : i32
    %dma_start3A_25 = arith.constant 2 : i32
    %dma_start3A_26 = arith.constant 0 : i32
    %dma_start3A_27 = tpu.memref_slice %arg7[%dma_start3A_24, %dma_start3A_26] : memref<100x100xi32, #tpu.memory_space<vmem>> -> memref<1x100xi32, #tpu.memory_space<vmem>>
    %dma_start3A_28 = tpu.memref_squeeze %dma_start3A_27 : memref<1x100xi32, #tpu.memory_space<vmem>> -> memref<100xi32, #tpu.memory_space<vmem>>
    %dma_start3A_29 = arith.constant 0 : i32
    %dma_start3A_30 = arith.constant 0 : i32
    %dma_start3A_31 = tpu.memref_slice %arg2[%dma_start3A_29, %dma_start3A_30] : memref<10016x64xf32, #tpu.memory_space<hbm>> -> memref<10016x64xf32, #tpu.memory_space<hbm>>
    %dma_start3A_32 = tpu.memref_slice %arg14[%dma_start3A_25] : memref<4x!tpu.dma_semaphore, #tpu.memory_space<semaphore_mem>> -> memref<1x!tpu.dma_semaphore, #tpu.memory_space<semaphore_mem>>
    %dma_start3A_33 = tpu.memref_squeeze %dma_start3A_32 : memref<1x!tpu.dma_semaphore, #tpu.memory_space<semaphore_mem>> -> memref<!tpu.dma_semaphore, #tpu.memory_space<semaphore_mem>>
    tpu.enqueue_indirect_dma source(%dma_start3A_31 : memref<10016x64xf32, #tpu.memory_space<hbm>>) target(%arg11 : memref<100x64xf32, #tpu.memory_space<vmem>>) offsets(%dma_start3A_28 : memref<100xi32, #tpu.memory_space<vmem>>) semaphore(%dma_start3A_33 : memref<!tpu.dma_semaphore, #tpu.memory_space<semaphore_mem>>)
    %dma_start3A_34 = arith.constant 3 : i32
    %dma_start3A_35 = arith.constant 3 : i32
    %dma_start3A_36 = arith.constant 0 : i32
    %dma_start3A_37 = tpu.memref_slice %arg7[%dma_start3A_34, %dma_start3A_36] : memref<100x100xi32, #tpu.memory_space<vmem>> -> memref<1x100xi32, #tpu.memory_space<vmem>>
    %dma_start3A_38 = tpu.memref_squeeze %dma_start3A_37 : memref<1x100xi32, #tpu.memory_space<vmem>> -> memref<100xi32, #tpu.memory_space<vmem>>
    %dma_start3A_39 = arith.constant 0 : i32
    %dma_start3A_40 = arith.constant 0 : i32
    %dma_start3A_41 = tpu.memref_slice %arg2[%dma_start3A_39, %dma_start3A_40] : memref<10016x64xf32, #tpu.memory_space<hbm>> -> memref<10016x64xf32, #tpu.memory_space<hbm>>
    %dma_start3A_42 = tpu.memref_slice %arg14[%dma_start3A_35] : memref<4x!tpu.dma_semaphore, #tpu.memory_space<semaphore_mem>> -> memref<1x!tpu.dma_semaphore, #tpu.memory_space<semaphore_mem>>
    %dma_start3A_43 = tpu.memref_squeeze %dma_start3A_42 : memref<1x!tpu.dma_semaphore, #tpu.memory_space<semaphore_mem>> -> memref<!tpu.dma_semaphore, #tpu.memory_space<semaphore_mem>>
    tpu.enqueue_indirect_dma source(%dma_start3A_41 : memref<10016x64xf32, #tpu.memory_space<hbm>>) target(%arg12 : memref<100x64xf32, #tpu.memory_space<vmem>>) offsets(%dma_start3A_38 : memref<100xi32, #tpu.memory_space<vmem>>) semaphore(%dma_start3A_43 : memref<!tpu.dma_semaphore, #tpu.memory_space<semaphore_mem>>)
    %scan3A = arith.constant 0 : i32
    %scan3A_44 = arith.constant 0 : i32
    %scan3A_45 = arith.constant 25 : i32
    %scan3A_46 = arith.addi %scan3A_44, %scan3A_45 : i32
    %scan3A_47 = arith.constant 1 : i32
    scf.for %scan3A_54 = %scan3A_44 to %scan3A_46 step %scan3A_47  : i32 {
      %mul3A_55 = arith.constant 4 : i32
      %mul3A_56 = arith.muli %scan3A_54, %mul3A_55 : i32
      %add3A_57 = arith.constant 0 : i32
      %add3A_58 = arith.addi %mul3A_56, %add3A_57 : i32
      %dma_wait3A = arith.constant 0 : i32
      %dma_wait3A_59 = arith.constant 0 : i32
      %dma_wait3A_60 = tpu.memref_slice %arg7[%add3A_58, %dma_wait3A_59] : memref<100x100xi32, #tpu.memory_space<vmem>> -> memref<1x100xi32, #tpu.memory_space<vmem>>
      %dma_wait3A_61 = tpu.memref_squeeze %dma_wait3A_60 : memref<1x100xi32, #tpu.memory_space<vmem>> -> memref<100xi32, #tpu.memory_space<vmem>>
      %dma_wait3A_62 = arith.constant 0 : i32
      %dma_wait3A_63 = arith.constant 0 : i32
      %dma_wait3A_64 = tpu.memref_slice %arg2[%dma_wait3A_62, %dma_wait3A_63] : memref<10016x64xf32, #tpu.memory_space<hbm>> -> memref<10016x64xf32, #tpu.memory_space<hbm>>
      %dma_wait3A_65 = tpu.memref_slice %arg14[%dma_wait3A] : memref<4x!tpu.dma_semaphore, #tpu.memory_space<semaphore_mem>> -> memref<1x!tpu.dma_semaphore, #tpu.memory_space<semaphore_mem>>
      %dma_wait3A_66 = tpu.memref_squeeze %dma_wait3A_65 : memref<1x!tpu.dma_semaphore, #tpu.memory_space<semaphore_mem>> -> memref<!tpu.dma_semaphore, #tpu.memory_space<semaphore_mem>>
      tpu.wait_indirect_dma semaphore(%dma_wait3A_66 : memref<!tpu.dma_semaphore, #tpu.memory_space<semaphore_mem>>) src(%dma_wait3A_64 : memref<10016x64xf32, #tpu.memory_space<hbm>>) dst(%arg9 : memref<100x64xf32, #tpu.memory_space<vmem>>)
      "tpu.region"() ({
        %run_scoped3A = tpu.sem_alloc : memref<!tpu.dma_semaphore, #tpu.memory_space<semaphore_mem>>
        %dma_start3A_123 = arith.constant 0 : i32
        %dma_start3A_124 = tpu.memref_slice %arg8[%add3A_58, %dma_start3A_123] : memref<100x100xi32, #tpu.memory_space<vmem>> -> memref<1x100xi32, #tpu.memory_space<vmem>>
        %dma_start3A_125 = tpu.memref_squeeze %dma_start3A_124 : memref<1x100xi32, #tpu.memory_space<vmem>> -> memref<100xi32, #tpu.memory_space<vmem>>
        %dma_start3A_126 = arith.constant 0 : i32
        %dma_start3A_127 = arith.constant 0 : i32
        %dma_start3A_128 = tpu.memref_slice %arg13[%dma_start3A_126, %dma_start3A_127] : memref<10016x64xf32, #tpu.memory_space<vmem_shared>> -> memref<10016x64xf32, #tpu.memory_space<vmem_shared>>
        tpu.enqueue_indirect_dma source(%arg9 : memref<100x64xf32, #tpu.memory_space<vmem>>) target(%dma_start3A_128 : memref<10016x64xf32, #tpu.memory_space<vmem_shared>>) offsets(%dma_start3A_125 : memref<100xi32, #tpu.memory_space<vmem>>) semaphore(%run_scoped3A : memref<!tpu.dma_semaphore, #tpu.memory_space<semaphore_mem>>) {add = true}
        %dma_wait3A_129 = arith.constant 0 : i32
        %dma_wait3A_130 = tpu.memref_slice %arg8[%add3A_58, %dma_wait3A_129] : memref<100x100xi32, #tpu.memory_space<vmem>> -> memref<1x100xi32, #tpu.memory_space<vmem>>
        %dma_wait3A_131 = tpu.memref_squeeze %dma_wait3A_130 : memref<1x100xi32, #tpu.memory_space<vmem>> -> memref<100xi32, #tpu.memory_space<vmem>>
        %dma_wait3A_132 = arith.constant 0 : i32
        %dma_wait3A_133 = arith.constant 0 : i32
        %dma_wait3A_134 = tpu.memref_slice %arg13[%dma_wait3A_132, %dma_wait3A_133] : memref<10016x64xf32, #tpu.memory_space<vmem_shared>> -> memref<10016x64xf32, #tpu.memory_space<vmem_shared>>
        tpu.wait_indirect_dma semaphore(%run_scoped3A : memref<!tpu.dma_semaphore, #tpu.memory_space<semaphore_mem>>) src(%arg9 : memref<100x64xf32, #tpu.memory_space<vmem>>) dst(%dma_wait3A_134 : memref<10016x64xf32, #tpu.memory_space<vmem_shared>>)
        tpu.yield
      }) : () -> ()
      %lt3A = arith.constant 24 : i32
      %lt3A_67 = arith.cmpi slt, %scan3A_54, %lt3A : i32
      %convert_element_type3A = arith.extui %lt3A_67 : i1 to i32
      %cond3A = arith.constant 0 : i32
      %cond3A_68 = arith.cmpi ne, %convert_element_type3A, %cond3A : i32
      scf.if %cond3A_68 {
        %add3A_123 = arith.constant 4 : i32
        %add3A_124 = arith.addi %add3A_58, %add3A_123 : i32
        %dma_start3A_125 = arith.constant 0 : i32
        %dma_start3A_126 = arith.constant 0 : i32
        %dma_start3A_127 = tpu.memref_slice %arg7[%add3A_124, %dma_start3A_126] : memref<100x100xi32, #tpu.memory_space<vmem>> -> memref<1x100xi32, #tpu.memory_space<vmem>>
        %dma_start3A_128 = tpu.memref_squeeze %dma_start3A_127 : memref<1x100xi32, #tpu.memory_space<vmem>> -> memref<100xi32, #tpu.memory_space<vmem>>
        %dma_start3A_129 = arith.constant 0 : i32
        %dma_start3A_130 = arith.constant 0 : i32
        %dma_start3A_131 = tpu.memref_slice %arg2[%dma_start3A_129, %dma_start3A_130] : memref<10016x64xf32, #tpu.memory_space<hbm>> -> memref<10016x64xf32, #tpu.memory_space<hbm>>
        %dma_start3A_132 = tpu.memref_slice %arg14[%dma_start3A_125] : memref<4x!tpu.dma_semaphore, #tpu.memory_space<semaphore_mem>> -> memref<1x!tpu.dma_semaphore, #tpu.memory_space<semaphore_mem>>
        %dma_start3A_133 = tpu.memref_squeeze %dma_start3A_132 : memref<1x!tpu.dma_semaphore, #tpu.memory_space<semaphore_mem>> -> memref<!tpu.dma_semaphore, #tpu.memory_space<semaphore_mem>>
        tpu.enqueue_indirect_dma source(%dma_start3A_131 : memref<10016x64xf32, #tpu.memory_space<hbm>>) target(%arg9 : memref<100x64xf32, #tpu.memory_space<vmem>>) offsets(%dma_start3A_128 : memref<100xi32, #tpu.memory_space<vmem>>) semaphore(%dma_start3A_133 : memref<!tpu.dma_semaphore, #tpu.memory_space<semaphore_mem>>)
      } else {
      }
      %mul3A_69 = arith.constant 4 : i32
      %mul3A_70 = arith.muli %scan3A_54, %mul3A_69 : i32
      %add3A_71 = arith.constant 1 : i32
      %add3A_72 = arith.addi %mul3A_70, %add3A_71 : i32
      %dma_wait3A_73 = arith.constant 1 : i32
      %dma_wait3A_74 = arith.constant 0 : i32
      %dma_wait3A_75 = tpu.memref_slice %arg7[%add3A_72, %dma_wait3A_74] : memref<100x100xi32, #tpu.memory_space<vmem>> -> memref<1x100xi32, #tpu.memory_space<vmem>>
      %dma_wait3A_76 = tpu.memref_squeeze %dma_wait3A_75 : memref<1x100xi32, #tpu.memory_space<vmem>> -> memref<100xi32, #tpu.memory_space<vmem>>
      %dma_wait3A_77 = arith.constant 0 : i32
      %dma_wait3A_78 = arith.constant 0 : i32
      %dma_wait3A_79 = tpu.memref_slice %arg2[%dma_wait3A_77, %dma_wait3A_78] : memref<10016x64xf32, #tpu.memory_space<hbm>> -> memref<10016x64xf32, #tpu.memory_space<hbm>>
      %dma_wait3A_80 = tpu.memref_slice %arg14[%dma_wait3A_73] : memref<4x!tpu.dma_semaphore, #tpu.memory_space<semaphore_mem>> -> memref<1x!tpu.dma_semaphore, #tpu.memory_space<semaphore_mem>>
      %dma_wait3A_81 = tpu.memref_squeeze %dma_wait3A_80 : memref<1x!tpu.dma_semaphore, #tpu.memory_space<semaphore_mem>> -> memref<!tpu.dma_semaphore, #tpu.memory_space<semaphore_mem>>
      tpu.wait_indirect_dma semaphore(%dma_wait3A_81 : memref<!tpu.dma_semaphore, #tpu.memory_space<semaphore_mem>>) src(%dma_wait3A_79 : memref<10016x64xf32, #tpu.memory_space<hbm>>) dst(%arg10 : memref<100x64xf32, #tpu.memory_space<vmem>>)
      "tpu.region"() ({
        %run_scoped3A = tpu.sem_alloc : memref<!tpu.dma_semaphore, #tpu.memory_space<semaphore_mem>>
        %dma_start3A_123 = arith.constant 0 : i32
        %dma_start3A_124 = tpu.memref_slice %arg8[%add3A_72, %dma_start3A_123] : memref<100x100xi32, #tpu.memory_space<vmem>> -> memref<1x100xi32, #tpu.memory_space<vmem>>
        %dma_start3A_125 = tpu.memref_squeeze %dma_start3A_124 : memref<1x100xi32, #tpu.memory_space<vmem>> -> memref<100xi32, #tpu.memory_space<vmem>>
        %dma_start3A_126 = arith.constant 0 : i32
        %dma_start3A_127 = arith.constant 0 : i32
        %dma_start3A_128 = tpu.memref_slice %arg13[%dma_start3A_126, %dma_start3A_127] : memref<10016x64xf32, #tpu.memory_space<vmem_shared>> -> memref<10016x64xf32, #tpu.memory_space<vmem_shared>>
        tpu.enqueue_indirect_dma source(%arg10 : memref<100x64xf32, #tpu.memory_space<vmem>>) target(%dma_start3A_128 : memref<10016x64xf32, #tpu.memory_space<vmem_shared>>) offsets(%dma_start3A_125 : memref<100xi32, #tpu.memory_space<vmem>>) semaphore(%run_scoped3A : memref<!tpu.dma_semaphore, #tpu.memory_space<semaphore_mem>>) {add = true}
        %dma_wait3A_129 = arith.constant 0 : i32
        %dma_wait3A_130 = tpu.memref_slice %arg8[%add3A_72, %dma_wait3A_129] : memref<100x100xi32, #tpu.memory_space<vmem>> -> memref<1x100xi32, #tpu.memory_space<vmem>>
        %dma_wait3A_131 = tpu.memref_squeeze %dma_wait3A_130 : memref<1x100xi32, #tpu.memory_space<vmem>> -> memref<100xi32, #tpu.memory_space<vmem>>
        %dma_wait3A_132 = arith.constant 0 : i32
        %dma_wait3A_133 = arith.constant 0 : i32
        %dma_wait3A_134 = tpu.memref_slice %arg13[%dma_wait3A_132, %dma_wait3A_133] : memref<10016x64xf32, #tpu.memory_space<vmem_shared>> -> memref<10016x64xf32, #tpu.memory_space<vmem_shared>>
        tpu.wait_indirect_dma semaphore(%run_scoped3A : memref<!tpu.dma_semaphore, #tpu.memory_space<semaphore_mem>>) src(%arg10 : memref<100x64xf32, #tpu.memory_space<vmem>>) dst(%dma_wait3A_134 : memref<10016x64xf32, #tpu.memory_space<vmem_shared>>)
        tpu.yield
      }) : () -> ()
      %lt3A_82 = arith.constant 24 : i32
      %lt3A_83 = arith.cmpi slt, %scan3A_54, %lt3A_82 : i32
      %convert_element_type3A_84 = arith.extui %lt3A_83 : i1 to i32
      %cond3A_85 = arith.constant 0 : i32
      %cond3A_86 = arith.cmpi ne, %convert_element_type3A_84, %cond3A_85 : i32
      scf.if %cond3A_86 {
        %add3A_123 = arith.constant 4 : i32
        %add3A_124 = arith.addi %add3A_72, %add3A_123 : i32
        %dma_start3A_125 = arith.constant 1 : i32
        %dma_start3A_126 = arith.constant 0 : i32
        %dma_start3A_127 = tpu.memref_slice %arg7[%add3A_124, %dma_start3A_126] : memref<100x100xi32, #tpu.memory_space<vmem>> -> memref<1x100xi32, #tpu.memory_space<vmem>>
        %dma_start3A_128 = tpu.memref_squeeze %dma_start3A_127 : memref<1x100xi32, #tpu.memory_space<vmem>> -> memref<100xi32, #tpu.memory_space<vmem>>
        %dma_start3A_129 = arith.constant 0 : i32
        %dma_start3A_130 = arith.constant 0 : i32
        %dma_start3A_131 = tpu.memref_slice %arg2[%dma_start3A_129, %dma_start3A_130] : memref<10016x64xf32, #tpu.memory_space<hbm>> -> memref<10016x64xf32, #tpu.memory_space<hbm>>
        %dma_start3A_132 = tpu.memref_slice %arg14[%dma_start3A_125] : memref<4x!tpu.dma_semaphore, #tpu.memory_space<semaphore_mem>> -> memref<1x!tpu.dma_semaphore, #tpu.memory_space<semaphore_mem>>
        %dma_start3A_133 = tpu.memref_squeeze %dma_start3A_132 : memref<1x!tpu.dma_semaphore, #tpu.memory_space<semaphore_mem>> -> memref<!tpu.dma_semaphore, #tpu.memory_space<semaphore_mem>>
        tpu.enqueue_indirect_dma source(%dma_start3A_131 : memref<10016x64xf32, #tpu.memory_space<hbm>>) target(%arg10 : memref<100x64xf32, #tpu.memory_space<vmem>>) offsets(%dma_start3A_128 : memref<100xi32, #tpu.memory_space<vmem>>) semaphore(%dma_start3A_133 : memref<!tpu.dma_semaphore, #tpu.memory_space<semaphore_mem>>)
      } else {
      }
      %mul3A_87 = arith.constant 4 : i32
      %mul3A_88 = arith.muli %scan3A_54, %mul3A_87 : i32
      %add3A_89 = arith.constant 2 : i32
      %add3A_90 = arith.addi %mul3A_88, %add3A_89 : i32
      %dma_wait3A_91 = arith.constant 2 : i32
      %dma_wait3A_92 = arith.constant 0 : i32
      %dma_wait3A_93 = tpu.memref_slice %arg7[%add3A_90, %dma_wait3A_92] : memref<100x100xi32, #tpu.memory_space<vmem>> -> memref<1x100xi32, #tpu.memory_space<vmem>>
      %dma_wait3A_94 = tpu.memref_squeeze %dma_wait3A_93 : memref<1x100xi32, #tpu.memory_space<vmem>> -> memref<100xi32, #tpu.memory_space<vmem>>
      %dma_wait3A_95 = arith.constant 0 : i32
      %dma_wait3A_96 = arith.constant 0 : i32
      %dma_wait3A_97 = tpu.memref_slice %arg2[%dma_wait3A_95, %dma_wait3A_96] : memref<10016x64xf32, #tpu.memory_space<hbm>> -> memref<10016x64xf32, #tpu.memory_space<hbm>>
      %dma_wait3A_98 = tpu.memref_slice %arg14[%dma_wait3A_91] : memref<4x!tpu.dma_semaphore, #tpu.memory_space<semaphore_mem>> -> memref<1x!tpu.dma_semaphore, #tpu.memory_space<semaphore_mem>>
      %dma_wait3A_99 = tpu.memref_squeeze %dma_wait3A_98 : memref<1x!tpu.dma_semaphore, #tpu.memory_space<semaphore_mem>> -> memref<!tpu.dma_semaphore, #tpu.memory_space<semaphore_mem>>
      tpu.wait_indirect_dma semaphore(%dma_wait3A_99 : memref<!tpu.dma_semaphore, #tpu.memory_space<semaphore_mem>>) src(%dma_wait3A_97 : memref<10016x64xf32, #tpu.memory_space<hbm>>) dst(%arg11 : memref<100x64xf32, #tpu.memory_space<vmem>>)
      "tpu.region"() ({
        %run_scoped3A = tpu.sem_alloc : memref<!tpu.dma_semaphore, #tpu.memory_space<semaphore_mem>>
        %dma_start3A_123 = arith.constant 0 : i32
        %dma_start3A_124 = tpu.memref_slice %arg8[%add3A_90, %dma_start3A_123] : memref<100x100xi32, #tpu.memory_space<vmem>> -> memref<1x100xi32, #tpu.memory_space<vmem>>
        %dma_start3A_125 = tpu.memref_squeeze %dma_start3A_124 : memref<1x100xi32, #tpu.memory_space<vmem>> -> memref<100xi32, #tpu.memory_space<vmem>>
        %dma_start3A_126 = arith.constant 0 : i32
        %dma_start3A_127 = arith.constant 0 : i32
        %dma_start3A_128 = tpu.memref_slice %arg13[%dma_start3A_126, %dma_start3A_127] : memref<10016x64xf32, #tpu.memory_space<vmem_shared>> -> memref<10016x64xf32, #tpu.memory_space<vmem_shared>>
        tpu.enqueue_indirect_dma source(%arg11 : memref<100x64xf32, #tpu.memory_space<vmem>>) target(%dma_start3A_128 : memref<10016x64xf32, #tpu.memory_space<vmem_shared>>) offsets(%dma_start3A_125 : memref<100xi32, #tpu.memory_space<vmem>>) semaphore(%run_scoped3A : memref<!tpu.dma_semaphore, #tpu.memory_space<semaphore_mem>>) {add = true}
        %dma_wait3A_129 = arith.constant 0 : i32
        %dma_wait3A_130 = tpu.memref_slice %arg8[%add3A_90, %dma_wait3A_129] : memref<100x100xi32, #tpu.memory_space<vmem>> -> memref<1x100xi32, #tpu.memory_space<vmem>>
        %dma_wait3A_131 = tpu.memref_squeeze %dma_wait3A_130 : memref<1x100xi32, #tpu.memory_space<vmem>> -> memref<100xi32, #tpu.memory_space<vmem>>
        %dma_wait3A_132 = arith.constant 0 : i32
        %dma_wait3A_133 = arith.constant 0 : i32
        %dma_wait3A_134 = tpu.memref_slice %arg13[%dma_wait3A_132, %dma_wait3A_133] : memref<10016x64xf32, #tpu.memory_space<vmem_shared>> -> memref<10016x64xf32, #tpu.memory_space<vmem_shared>>
        tpu.wait_indirect_dma semaphore(%run_scoped3A : memref<!tpu.dma_semaphore, #tpu.memory_space<semaphore_mem>>) src(%arg11 : memref<100x64xf32, #tpu.memory_space<vmem>>) dst(%dma_wait3A_134 : memref<10016x64xf32, #tpu.memory_space<vmem_shared>>)
        tpu.yield
      }) : () -> ()
      %lt3A_100 = arith.constant 24 : i32
      %lt3A_101 = arith.cmpi slt, %scan3A_54, %lt3A_100 : i32
      %convert_element_type3A_102 = arith.extui %lt3A_101 : i1 to i32
      %cond3A_103 = arith.constant 0 : i32
      %cond3A_104 = arith.cmpi ne, %convert_element_type3A_102, %cond3A_103 : i32
      scf.if %cond3A_104 {
        %add3A_123 = arith.constant 4 : i32
        %add3A_124 = arith.addi %add3A_90, %add3A_123 : i32
        %dma_start3A_125 = arith.constant 2 : i32
        %dma_start3A_126 = arith.constant 0 : i32
        %dma_start3A_127 = tpu.memref_slice %arg7[%add3A_124, %dma_start3A_126] : memref<100x100xi32, #tpu.memory_space<vmem>> -> memref<1x100xi32, #tpu.memory_space<vmem>>
        %dma_start3A_128 = tpu.memref_squeeze %dma_start3A_127 : memref<1x100xi32, #tpu.memory_space<vmem>> -> memref<100xi32, #tpu.memory_space<vmem>>
        %dma_start3A_129 = arith.constant 0 : i32
        %dma_start3A_130 = arith.constant 0 : i32
        %dma_start3A_131 = tpu.memref_slice %arg2[%dma_start3A_129, %dma_start3A_130] : memref<10016x64xf32, #tpu.memory_space<hbm>> -> memref<10016x64xf32, #tpu.memory_space<hbm>>
        %dma_start3A_132 = tpu.memref_slice %arg14[%dma_start3A_125] : memref<4x!tpu.dma_semaphore, #tpu.memory_space<semaphore_mem>> -> memref<1x!tpu.dma_semaphore, #tpu.memory_space<semaphore_mem>>
        %dma_start3A_133 = tpu.memref_squeeze %dma_start3A_132 : memref<1x!tpu.dma_semaphore, #tpu.memory_space<semaphore_mem>> -> memref<!tpu.dma_semaphore, #tpu.memory_space<semaphore_mem>>
        tpu.enqueue_indirect_dma source(%dma_start3A_131 : memref<10016x64xf32, #tpu.memory_space<hbm>>) target(%arg11 : memref<100x64xf32, #tpu.memory_space<vmem>>) offsets(%dma_start3A_128 : memref<100xi32, #tpu.memory_space<vmem>>) semaphore(%dma_start3A_133 : memref<!tpu.dma_semaphore, #tpu.memory_space<semaphore_mem>>)
      } else {
      }
      %mul3A_105 = arith.constant 4 : i32
      %mul3A_106 = arith.muli %scan3A_54, %mul3A_105 : i32
      %add3A_107 = arith.constant 3 : i32
      %add3A_108 = arith.addi %mul3A_106, %add3A_107 : i32
      %dma_wait3A_109 = arith.constant 3 : i32
      %dma_wait3A_110 = arith.constant 0 : i32
      %dma_wait3A_111 = tpu.memref_slice %arg7[%add3A_108, %dma_wait3A_110] : memref<100x100xi32, #tpu.memory_space<vmem>> -> memref<1x100xi32, #tpu.memory_space<vmem>>
      %dma_wait3A_112 = tpu.memref_squeeze %dma_wait3A_111 : memref<1x100xi32, #tpu.memory_space<vmem>> -> memref<100xi32, #tpu.memory_space<vmem>>
      %dma_wait3A_113 = arith.constant 0 : i32
      %dma_wait3A_114 = arith.constant 0 : i32
      %dma_wait3A_115 = tpu.memref_slice %arg2[%dma_wait3A_113, %dma_wait3A_114] : memref<10016x64xf32, #tpu.memory_space<hbm>> -> memref<10016x64xf32, #tpu.memory_space<hbm>>
      %dma_wait3A_116 = tpu.memref_slice %arg14[%dma_wait3A_109] : memref<4x!tpu.dma_semaphore, #tpu.memory_space<semaphore_mem>> -> memref<1x!tpu.dma_semaphore, #tpu.memory_space<semaphore_mem>>
      %dma_wait3A_117 = tpu.memref_squeeze %dma_wait3A_116 : memref<1x!tpu.dma_semaphore, #tpu.memory_space<semaphore_mem>> -> memref<!tpu.dma_semaphore, #tpu.memory_space<semaphore_mem>>
      tpu.wait_indirect_dma semaphore(%dma_wait3A_117 : memref<!tpu.dma_semaphore, #tpu.memory_space<semaphore_mem>>) src(%dma_wait3A_115 : memref<10016x64xf32, #tpu.memory_space<hbm>>) dst(%arg12 : memref<100x64xf32, #tpu.memory_space<vmem>>)
      "tpu.region"() ({
        %run_scoped3A = tpu.sem_alloc : memref<!tpu.dma_semaphore, #tpu.memory_space<semaphore_mem>>
        %dma_start3A_123 = arith.constant 0 : i32
        %dma_start3A_124 = tpu.memref_slice %arg8[%add3A_108, %dma_start3A_123] : memref<100x100xi32, #tpu.memory_space<vmem>> -> memref<1x100xi32, #tpu.memory_space<vmem>>
        %dma_start3A_125 = tpu.memref_squeeze %dma_start3A_124 : memref<1x100xi32, #tpu.memory_space<vmem>> -> memref<100xi32, #tpu.memory_space<vmem>>
        %dma_start3A_126 = arith.constant 0 : i32
        %dma_start3A_127 = arith.constant 0 : i32
        %dma_start3A_128 = tpu.memref_slice %arg13[%dma_start3A_126, %dma_start3A_127] : memref<10016x64xf32, #tpu.memory_space<vmem_shared>> -> memref<10016x64xf32, #tpu.memory_space<vmem_shared>>
        tpu.enqueue_indirect_dma source(%arg12 : memref<100x64xf32, #tpu.memory_space<vmem>>) target(%dma_start3A_128 : memref<10016x64xf32, #tpu.memory_space<vmem_shared>>) offsets(%dma_start3A_125 : memref<100xi32, #tpu.memory_space<vmem>>) semaphore(%run_scoped3A : memref<!tpu.dma_semaphore, #tpu.memory_space<semaphore_mem>>) {add = true}
        %dma_wait3A_129 = arith.constant 0 : i32
        %dma_wait3A_130 = tpu.memref_slice %arg8[%add3A_108, %dma_wait3A_129] : memref<100x100xi32, #tpu.memory_space<vmem>> -> memref<1x100xi32, #tpu.memory_space<vmem>>
        %dma_wait3A_131 = tpu.memref_squeeze %dma_wait3A_130 : memref<1x100xi32, #tpu.memory_space<vmem>> -> memref<100xi32, #tpu.memory_space<vmem>>
        %dma_wait3A_132 = arith.constant 0 : i32
        %dma_wait3A_133 = arith.constant 0 : i32
        %dma_wait3A_134 = tpu.memref_slice %arg13[%dma_wait3A_132, %dma_wait3A_133] : memref<10016x64xf32, #tpu.memory_space<vmem_shared>> -> memref<10016x64xf32, #tpu.memory_space<vmem_shared>>
        tpu.wait_indirect_dma semaphore(%run_scoped3A : memref<!tpu.dma_semaphore, #tpu.memory_space<semaphore_mem>>) src(%arg12 : memref<100x64xf32, #tpu.memory_space<vmem>>) dst(%dma_wait3A_134 : memref<10016x64xf32, #tpu.memory_space<vmem_shared>>)
        tpu.yield
      }) : () -> ()
      %lt3A_118 = arith.constant 24 : i32
      %lt3A_119 = arith.cmpi slt, %scan3A_54, %lt3A_118 : i32
      %convert_element_type3A_120 = arith.extui %lt3A_119 : i1 to i32
      %cond3A_121 = arith.constant 0 : i32
      %cond3A_122 = arith.cmpi ne, %convert_element_type3A_120, %cond3A_121 : i32
      scf.if %cond3A_122 {
        %add3A_123 = arith.constant 4 : i32
        %add3A_124 = arith.addi %add3A_108, %add3A_123 : i32
        %dma_start3A_125 = arith.constant 3 : i32
        %dma_start3A_126 = arith.constant 0 : i32
        %dma_start3A_127 = tpu.memref_slice %arg7[%add3A_124, %dma_start3A_126] : memref<100x100xi32, #tpu.memory_space<vmem>> -> memref<1x100xi32, #tpu.memory_space<vmem>>
        %dma_start3A_128 = tpu.memref_squeeze %dma_start3A_127 : memref<1x100xi32, #tpu.memory_space<vmem>> -> memref<100xi32, #tpu.memory_space<vmem>>
        %dma_start3A_129 = arith.constant 0 : i32
        %dma_start3A_130 = arith.constant 0 : i32
        %dma_start3A_131 = tpu.memref_slice %arg2[%dma_start3A_129, %dma_start3A_130] : memref<10016x64xf32, #tpu.memory_space<hbm>> -> memref<10016x64xf32, #tpu.memory_space<hbm>>
        %dma_start3A_132 = tpu.memref_slice %arg14[%dma_start3A_125] : memref<4x!tpu.dma_semaphore, #tpu.memory_space<semaphore_mem>> -> memref<1x!tpu.dma_semaphore, #tpu.memory_space<semaphore_mem>>
        %dma_start3A_133 = tpu.memref_squeeze %dma_start3A_132 : memref<1x!tpu.dma_semaphore, #tpu.memory_space<semaphore_mem>> -> memref<!tpu.dma_semaphore, #tpu.memory_space<semaphore_mem>>
        tpu.enqueue_indirect_dma source(%dma_start3A_131 : memref<10016x64xf32, #tpu.memory_space<hbm>>) target(%arg12 : memref<100x64xf32, #tpu.memory_space<vmem>>) offsets(%dma_start3A_128 : memref<100xi32, #tpu.memory_space<vmem>>) semaphore(%dma_start3A_133 : memref<!tpu.dma_semaphore, #tpu.memory_space<semaphore_mem>>)
      } else {
      }
    }
    %scan3A_48 = arith.constant 25 : i32
    %barrier3A_49 = arith.constant 0 : index
    tpu.barrier barrier_id(%barrier3A_49)
    %mul3A_50 = arith.constant 626 : i32
    %mul3A_51 = arith.muli %arg1, %mul3A_50 : i32
    %mul3A_52 = arith.constant 626 : i32
    %mul3A_53 = arith.muli %arg1, %mul3A_52 : i32
    "tpu.region"() ({
      %run_scoped3A = tpu.sem_alloc : memref<!tpu.dma_semaphore, #tpu.memory_space<semaphore_mem>>
      %dma_start3A_54 = arith.constant 0 : i32
      %dma_start3A_55 = tpu.memref_slice %arg6[%arg0, %mul3A_53, %dma_start3A_54] : memref<2x10016x64xf32, #tpu.memory_space<hbm>> -> memref<1x626x64xf32, #tpu.memory_space<hbm>>
      %dma_start3A_56 = tpu.memref_squeeze %dma_start3A_55 : memref<1x626x64xf32, #tpu.memory_space<hbm>> -> memref<626x64xf32, #tpu.memory_space<hbm>>
      %dma_start3A_57 = arith.constant 0 : i32
      %dma_start3A_58 = tpu.memref_slice %arg13[%mul3A_51, %dma_start3A_57] : memref<10016x64xf32, #tpu.memory_space<vmem_shared>> -> memref<626x64xf32, #tpu.memory_space<vmem_shared>>
      tpu.enqueue_dma source(%dma_start3A_58 : memref<626x64xf32, #tpu.memory_space<vmem_shared>>) target(%dma_start3A_56 : memref<626x64xf32, #tpu.memory_space<hbm>>) target_semaphore(%run_scoped3A : memref<!tpu.dma_semaphore, #tpu.memory_space<semaphore_mem>>)
      %dma_wait3A = arith.constant 0 : i32
      %dma_wait3A_59 = tpu.memref_slice %arg6[%arg0, %mul3A_53, %dma_wait3A] : memref<2x10016x64xf32, #tpu.memory_space<hbm>> -> memref<1x626x64xf32, #tpu.memory_space<hbm>>
      %dma_wait3A_60 = tpu.memref_squeeze %dma_wait3A_59 : memref<1x626x64xf32, #tpu.memory_space<hbm>> -> memref<626x64xf32, #tpu.memory_space<hbm>>
      %dma_wait3A_61 = arith.constant 0 : i32
      %dma_wait3A_62 = tpu.memref_slice %arg13[%mul3A_51, %dma_wait3A_61] : memref<10016x64xf32, #tpu.memory_space<vmem_shared>> -> memref<626x64xf32, #tpu.memory_space<vmem_shared>>
      tpu.wait_dma2 semaphore(%run_scoped3A : memref<!tpu.dma_semaphore, #tpu.memory_space<semaphore_mem>>) src(%dma_wait3A_62 : memref<626x64xf32, #tpu.memory_space<vmem_shared>>) dst(%dma_wait3A_60 : memref<626x64xf32, #tpu.memory_space<hbm>>)
      tpu.yield
    }) : () -> ()
    return
  }
}

#map = affine_map<(d0, d1) -> (0, 0)>
#map1 = affine_map<(d0, d1) -> (0, 0, 0)>
module attributes {stable_mosaic.version = 14 : i64} {
  func.func @agg(%arg0: i32, %arg1: i32, %arg2: memref<10016x128xf32, #tpu.memory_space<hbm>>, %arg3: memref<32x200x50xi32, #tpu.memory_space<hbm>>, %arg4: memref<32x200x50xi32, #tpu.memory_space<hbm>>, %arg5: memref<10016x128xf32, #tpu.memory_space<hbm>>, %arg6: memref<2x10016x128xf32, #tpu.memory_space<hbm>>, %arg7: memref<200x50xi32, #tpu.memory_space<vmem>>, %arg8: memref<200x50xi32, #tpu.memory_space<vmem>>, %arg9: memref<50x128xf32, #tpu.memory_space<vmem>>, %arg10: memref<50x128xf32, #tpu.memory_space<vmem>>, %arg11: memref<50x128xf32, #tpu.memory_space<vmem>>, %arg12: memref<50x128xf32, #tpu.memory_space<vmem>>, %arg13: memref<10016x128xf32, #tpu.memory_space<vmem_shared>>, %arg14: memref<4x!tpu.dma_semaphore, #tpu.memory_space<semaphore_mem>>, %arg15: memref<4x!tpu.dma_semaphore, #tpu.memory_space<semaphore_mem>>) attributes {dimension_semantics = [#tpu.dimension_semantics<core_parallel>, #tpu.dimension_semantics<subcore_parallel>], iteration_bounds = array<i64: 2, 16>, scalar_prefetch = 0 : i64, scratch_operands = 9 : i64, tpu.core_type = #tpu.core_type<sc_vector_subcore>, window_params = [{transform_indices = #map}, {transform_indices = #map1}, {transform_indices = #map1}, {transform_indices = #map}, {transform_indices = #map1}]} {
    %mul3A = arith.constant 2 : i32
    %mul3A_0 = arith.muli %arg1, %mul3A : i32
    %add3A = arith.addi %mul3A_0, %arg0 : i32
    %mul3A_1 = arith.constant 626 : i32
    %mul3A_2 = arith.muli %arg1, %mul3A_1 : i32
    %mul3A_3 = arith.constant 626 : i32
    %mul3A_4 = arith.muli %arg1, %mul3A_3 : i32
    "tpu.region"() ({
      %run_scoped3A = tpu.sem_alloc : memref<!tpu.dma_semaphore, #tpu.memory_space<semaphore_mem>>
      %dma_start3A_54 = arith.constant 0 : i32
      %dma_start3A_55 = tpu.memref_slice %arg13[%mul3A_4, %dma_start3A_54] : memref<10016x128xf32, #tpu.memory_space<vmem_shared>> -> memref<626x128xf32, #tpu.memory_space<vmem_shared>>
      %dma_start3A_56 = arith.constant 0 : i32
      %dma_start3A_57 = tpu.memref_slice %arg5[%mul3A_2, %dma_start3A_56] : memref<10016x128xf32, #tpu.memory_space<hbm>> -> memref<626x128xf32, #tpu.memory_space<hbm>>
      tpu.enqueue_dma source(%dma_start3A_57 : memref<626x128xf32, #tpu.memory_space<hbm>>) target(%dma_start3A_55 : memref<626x128xf32, #tpu.memory_space<vmem_shared>>) target_semaphore(%run_scoped3A : memref<!tpu.dma_semaphore, #tpu.memory_space<semaphore_mem>>)
      %dma_wait3A = arith.constant 0 : i32
      %dma_wait3A_58 = tpu.memref_slice %arg13[%mul3A_4, %dma_wait3A] : memref<10016x128xf32, #tpu.memory_space<vmem_shared>> -> memref<626x128xf32, #tpu.memory_space<vmem_shared>>
      %dma_wait3A_59 = arith.constant 0 : i32
      %dma_wait3A_60 = tpu.memref_slice %arg5[%mul3A_2, %dma_wait3A_59] : memref<10016x128xf32, #tpu.memory_space<hbm>> -> memref<626x128xf32, #tpu.memory_space<hbm>>
      tpu.wait_dma2 semaphore(%run_scoped3A : memref<!tpu.dma_semaphore, #tpu.memory_space<semaphore_mem>>) src(%dma_wait3A_60 : memref<626x128xf32, #tpu.memory_space<hbm>>) dst(%dma_wait3A_58 : memref<626x128xf32, #tpu.memory_space<vmem_shared>>)
      tpu.yield
    }) : () -> ()
    "tpu.region"() ({
      %run_scoped3A = tpu.sem_alloc : memref<!tpu.dma_semaphore, #tpu.memory_space<semaphore_mem>>
      %dma_start3A_54 = arith.constant 0 : i32
      %dma_start3A_55 = arith.constant 0 : i32
      %dma_start3A_56 = tpu.memref_slice %arg3[%add3A, %dma_start3A_54, %dma_start3A_55] : memref<32x200x50xi32, #tpu.memory_space<hbm>> -> memref<1x200x50xi32, #tpu.memory_space<hbm>>
      %dma_start3A_57 = tpu.memref_squeeze %dma_start3A_56 : memref<1x200x50xi32, #tpu.memory_space<hbm>> -> memref<200x50xi32, #tpu.memory_space<hbm>>
      %dma_start3A_58 = arith.constant 0 : i32
      %dma_start3A_59 = arith.constant 0 : i32
      %dma_start3A_60 = tpu.memref_slice %arg3[%add3A, %dma_start3A_58, %dma_start3A_59] : memref<32x200x50xi32, #tpu.memory_space<hbm>> -> memref<1x200x50xi32, #tpu.memory_space<hbm>>
      %dma_start3A_61 = tpu.memref_squeeze %dma_start3A_60 : memref<1x200x50xi32, #tpu.memory_space<hbm>> -> memref<200x50xi32, #tpu.memory_space<hbm>>
      tpu.enqueue_dma source(%dma_start3A_61 : memref<200x50xi32, #tpu.memory_space<hbm>>) target(%arg7 : memref<200x50xi32, #tpu.memory_space<vmem>>) target_semaphore(%run_scoped3A : memref<!tpu.dma_semaphore, #tpu.memory_space<semaphore_mem>>)
      %dma_wait3A = arith.constant 0 : i32
      %dma_wait3A_62 = arith.constant 0 : i32
      %dma_wait3A_63 = tpu.memref_slice %arg3[%add3A, %dma_wait3A, %dma_wait3A_62] : memref<32x200x50xi32, #tpu.memory_space<hbm>> -> memref<1x200x50xi32, #tpu.memory_space<hbm>>
      %dma_wait3A_64 = tpu.memref_squeeze %dma_wait3A_63 : memref<1x200x50xi32, #tpu.memory_space<hbm>> -> memref<200x50xi32, #tpu.memory_space<hbm>>
      %dma_wait3A_65 = arith.constant 0 : i32
      %dma_wait3A_66 = arith.constant 0 : i32
      %dma_wait3A_67 = tpu.memref_slice %arg3[%add3A, %dma_wait3A_65, %dma_wait3A_66] : memref<32x200x50xi32, #tpu.memory_space<hbm>> -> memref<1x200x50xi32, #tpu.memory_space<hbm>>
      %dma_wait3A_68 = tpu.memref_squeeze %dma_wait3A_67 : memref<1x200x50xi32, #tpu.memory_space<hbm>> -> memref<200x50xi32, #tpu.memory_space<hbm>>
      tpu.wait_dma2 semaphore(%run_scoped3A : memref<!tpu.dma_semaphore, #tpu.memory_space<semaphore_mem>>) src(%dma_wait3A_68 : memref<200x50xi32, #tpu.memory_space<hbm>>) dst(%arg7 : memref<200x50xi32, #tpu.memory_space<vmem>>)
      tpu.yield
    }) : () -> ()
    "tpu.region"() ({
      %run_scoped3A = tpu.sem_alloc : memref<!tpu.dma_semaphore, #tpu.memory_space<semaphore_mem>>
      %dma_start3A_54 = arith.constant 0 : i32
      %dma_start3A_55 = arith.constant 0 : i32
      %dma_start3A_56 = tpu.memref_slice %arg4[%add3A, %dma_start3A_54, %dma_start3A_55] : memref<32x200x50xi32, #tpu.memory_space<hbm>> -> memref<1x200x50xi32, #tpu.memory_space<hbm>>
      %dma_start3A_57 = tpu.memref_squeeze %dma_start3A_56 : memref<1x200x50xi32, #tpu.memory_space<hbm>> -> memref<200x50xi32, #tpu.memory_space<hbm>>
      %dma_start3A_58 = arith.constant 0 : i32
      %dma_start3A_59 = arith.constant 0 : i32
      %dma_start3A_60 = tpu.memref_slice %arg4[%add3A, %dma_start3A_58, %dma_start3A_59] : memref<32x200x50xi32, #tpu.memory_space<hbm>> -> memref<1x200x50xi32, #tpu.memory_space<hbm>>
      %dma_start3A_61 = tpu.memref_squeeze %dma_start3A_60 : memref<1x200x50xi32, #tpu.memory_space<hbm>> -> memref<200x50xi32, #tpu.memory_space<hbm>>
      tpu.enqueue_dma source(%dma_start3A_61 : memref<200x50xi32, #tpu.memory_space<hbm>>) target(%arg8 : memref<200x50xi32, #tpu.memory_space<vmem>>) target_semaphore(%run_scoped3A : memref<!tpu.dma_semaphore, #tpu.memory_space<semaphore_mem>>)
      %dma_wait3A = arith.constant 0 : i32
      %dma_wait3A_62 = arith.constant 0 : i32
      %dma_wait3A_63 = tpu.memref_slice %arg4[%add3A, %dma_wait3A, %dma_wait3A_62] : memref<32x200x50xi32, #tpu.memory_space<hbm>> -> memref<1x200x50xi32, #tpu.memory_space<hbm>>
      %dma_wait3A_64 = tpu.memref_squeeze %dma_wait3A_63 : memref<1x200x50xi32, #tpu.memory_space<hbm>> -> memref<200x50xi32, #tpu.memory_space<hbm>>
      %dma_wait3A_65 = arith.constant 0 : i32
      %dma_wait3A_66 = arith.constant 0 : i32
      %dma_wait3A_67 = tpu.memref_slice %arg4[%add3A, %dma_wait3A_65, %dma_wait3A_66] : memref<32x200x50xi32, #tpu.memory_space<hbm>> -> memref<1x200x50xi32, #tpu.memory_space<hbm>>
      %dma_wait3A_68 = tpu.memref_squeeze %dma_wait3A_67 : memref<1x200x50xi32, #tpu.memory_space<hbm>> -> memref<200x50xi32, #tpu.memory_space<hbm>>
      tpu.wait_dma2 semaphore(%run_scoped3A : memref<!tpu.dma_semaphore, #tpu.memory_space<semaphore_mem>>) src(%dma_wait3A_68 : memref<200x50xi32, #tpu.memory_space<hbm>>) dst(%arg8 : memref<200x50xi32, #tpu.memory_space<vmem>>)
      tpu.yield
    }) : () -> ()
    %barrier3A = arith.constant 0 : index
    tpu.barrier barrier_id(%barrier3A)
    %dma_start3A = arith.constant 0 : i32
    %dma_start3A_5 = arith.constant 0 : i32
    %dma_start3A_6 = arith.constant 0 : i32
    %dma_start3A_7 = tpu.memref_slice %arg7[%dma_start3A, %dma_start3A_6] : memref<200x50xi32, #tpu.memory_space<vmem>> -> memref<1x50xi32, #tpu.memory_space<vmem>>
    %dma_start3A_8 = tpu.memref_squeeze %dma_start3A_7 : memref<1x50xi32, #tpu.memory_space<vmem>> -> memref<50xi32, #tpu.memory_space<vmem>>
    %dma_start3A_9 = arith.constant 0 : i32
    %dma_start3A_10 = arith.constant 0 : i32
    %dma_start3A_11 = tpu.memref_slice %arg2[%dma_start3A_9, %dma_start3A_10] : memref<10016x128xf32, #tpu.memory_space<hbm>> -> memref<10016x128xf32, #tpu.memory_space<hbm>>
    %dma_start3A_12 = tpu.memref_slice %arg14[%dma_start3A_5] : memref<4x!tpu.dma_semaphore, #tpu.memory_space<semaphore_mem>> -> memref<1x!tpu.dma_semaphore, #tpu.memory_space<semaphore_mem>>
    %dma_start3A_13 = tpu.memref_squeeze %dma_start3A_12 : memref<1x!tpu.dma_semaphore, #tpu.memory_space<semaphore_mem>> -> memref<!tpu.dma_semaphore, #tpu.memory_space<semaphore_mem>>
    tpu.enqueue_indirect_dma source(%dma_start3A_11 : memref<10016x128xf32, #tpu.memory_space<hbm>>) target(%arg9 : memref<50x128xf32, #tpu.memory_space<vmem>>) offsets(%dma_start3A_8 : memref<50xi32, #tpu.memory_space<vmem>>) semaphore(%dma_start3A_13 : memref<!tpu.dma_semaphore, #tpu.memory_space<semaphore_mem>>)
    %dma_start3A_14 = arith.constant 1 : i32
    %dma_start3A_15 = arith.constant 1 : i32
    %dma_start3A_16 = arith.constant 0 : i32
    %dma_start3A_17 = tpu.memref_slice %arg7[%dma_start3A_14, %dma_start3A_16] : memref<200x50xi32, #tpu.memory_space<vmem>> -> memref<1x50xi32, #tpu.memory_space<vmem>>
    %dma_start3A_18 = tpu.memref_squeeze %dma_start3A_17 : memref<1x50xi32, #tpu.memory_space<vmem>> -> memref<50xi32, #tpu.memory_space<vmem>>
    %dma_start3A_19 = arith.constant 0 : i32
    %dma_start3A_20 = arith.constant 0 : i32
    %dma_start3A_21 = tpu.memref_slice %arg2[%dma_start3A_19, %dma_start3A_20] : memref<10016x128xf32, #tpu.memory_space<hbm>> -> memref<10016x128xf32, #tpu.memory_space<hbm>>
    %dma_start3A_22 = tpu.memref_slice %arg14[%dma_start3A_15] : memref<4x!tpu.dma_semaphore, #tpu.memory_space<semaphore_mem>> -> memref<1x!tpu.dma_semaphore, #tpu.memory_space<semaphore_mem>>
    %dma_start3A_23 = tpu.memref_squeeze %dma_start3A_22 : memref<1x!tpu.dma_semaphore, #tpu.memory_space<semaphore_mem>> -> memref<!tpu.dma_semaphore, #tpu.memory_space<semaphore_mem>>
    tpu.enqueue_indirect_dma source(%dma_start3A_21 : memref<10016x128xf32, #tpu.memory_space<hbm>>) target(%arg10 : memref<50x128xf32, #tpu.memory_space<vmem>>) offsets(%dma_start3A_18 : memref<50xi32, #tpu.memory_space<vmem>>) semaphore(%dma_start3A_23 : memref<!tpu.dma_semaphore, #tpu.memory_space<semaphore_mem>>)
    %dma_start3A_24 = arith.constant 2 : i32
    %dma_start3A_25 = arith.constant 2 : i32
    %dma_start3A_26 = arith.constant 0 : i32
    %dma_start3A_27 = tpu.memref_slice %arg7[%dma_start3A_24, %dma_start3A_26] : memref<200x50xi32, #tpu.memory_space<vmem>> -> memref<1x50xi32, #tpu.memory_space<vmem>>
    %dma_start3A_28 = tpu.memref_squeeze %dma_start3A_27 : memref<1x50xi32, #tpu.memory_space<vmem>> -> memref<50xi32, #tpu.memory_space<vmem>>
    %dma_start3A_29 = arith.constant 0 : i32
    %dma_start3A_30 = arith.constant 0 : i32
    %dma_start3A_31 = tpu.memref_slice %arg2[%dma_start3A_29, %dma_start3A_30] : memref<10016x128xf32, #tpu.memory_space<hbm>> -> memref<10016x128xf32, #tpu.memory_space<hbm>>
    %dma_start3A_32 = tpu.memref_slice %arg14[%dma_start3A_25] : memref<4x!tpu.dma_semaphore, #tpu.memory_space<semaphore_mem>> -> memref<1x!tpu.dma_semaphore, #tpu.memory_space<semaphore_mem>>
    %dma_start3A_33 = tpu.memref_squeeze %dma_start3A_32 : memref<1x!tpu.dma_semaphore, #tpu.memory_space<semaphore_mem>> -> memref<!tpu.dma_semaphore, #tpu.memory_space<semaphore_mem>>
    tpu.enqueue_indirect_dma source(%dma_start3A_31 : memref<10016x128xf32, #tpu.memory_space<hbm>>) target(%arg11 : memref<50x128xf32, #tpu.memory_space<vmem>>) offsets(%dma_start3A_28 : memref<50xi32, #tpu.memory_space<vmem>>) semaphore(%dma_start3A_33 : memref<!tpu.dma_semaphore, #tpu.memory_space<semaphore_mem>>)
    %dma_start3A_34 = arith.constant 3 : i32
    %dma_start3A_35 = arith.constant 3 : i32
    %dma_start3A_36 = arith.constant 0 : i32
    %dma_start3A_37 = tpu.memref_slice %arg7[%dma_start3A_34, %dma_start3A_36] : memref<200x50xi32, #tpu.memory_space<vmem>> -> memref<1x50xi32, #tpu.memory_space<vmem>>
    %dma_start3A_38 = tpu.memref_squeeze %dma_start3A_37 : memref<1x50xi32, #tpu.memory_space<vmem>> -> memref<50xi32, #tpu.memory_space<vmem>>
    %dma_start3A_39 = arith.constant 0 : i32
    %dma_start3A_40 = arith.constant 0 : i32
    %dma_start3A_41 = tpu.memref_slice %arg2[%dma_start3A_39, %dma_start3A_40] : memref<10016x128xf32, #tpu.memory_space<hbm>> -> memref<10016x128xf32, #tpu.memory_space<hbm>>
    %dma_start3A_42 = tpu.memref_slice %arg14[%dma_start3A_35] : memref<4x!tpu.dma_semaphore, #tpu.memory_space<semaphore_mem>> -> memref<1x!tpu.dma_semaphore, #tpu.memory_space<semaphore_mem>>
    %dma_start3A_43 = tpu.memref_squeeze %dma_start3A_42 : memref<1x!tpu.dma_semaphore, #tpu.memory_space<semaphore_mem>> -> memref<!tpu.dma_semaphore, #tpu.memory_space<semaphore_mem>>
    tpu.enqueue_indirect_dma source(%dma_start3A_41 : memref<10016x128xf32, #tpu.memory_space<hbm>>) target(%arg12 : memref<50x128xf32, #tpu.memory_space<vmem>>) offsets(%dma_start3A_38 : memref<50xi32, #tpu.memory_space<vmem>>) semaphore(%dma_start3A_43 : memref<!tpu.dma_semaphore, #tpu.memory_space<semaphore_mem>>)
    %scan3A = arith.constant 0 : i32
    %scan3A_44 = arith.constant 0 : i32
    %scan3A_45 = arith.constant 50 : i32
    %scan3A_46 = arith.addi %scan3A_44, %scan3A_45 : i32
    %scan3A_47 = arith.constant 1 : i32
    scf.for %scan3A_54 = %scan3A_44 to %scan3A_46 step %scan3A_47  : i32 {
      %mul3A_55 = arith.constant 4 : i32
      %mul3A_56 = arith.muli %scan3A_54, %mul3A_55 : i32
      %add3A_57 = arith.constant 0 : i32
      %add3A_58 = arith.addi %mul3A_56, %add3A_57 : i32
      %dma_wait3A = arith.constant 0 : i32
      %dma_wait3A_59 = arith.constant 0 : i32
      %dma_wait3A_60 = tpu.memref_slice %arg7[%add3A_58, %dma_wait3A_59] : memref<200x50xi32, #tpu.memory_space<vmem>> -> memref<1x50xi32, #tpu.memory_space<vmem>>
      %dma_wait3A_61 = tpu.memref_squeeze %dma_wait3A_60 : memref<1x50xi32, #tpu.memory_space<vmem>> -> memref<50xi32, #tpu.memory_space<vmem>>
      %dma_wait3A_62 = arith.constant 0 : i32
      %dma_wait3A_63 = arith.constant 0 : i32
      %dma_wait3A_64 = tpu.memref_slice %arg2[%dma_wait3A_62, %dma_wait3A_63] : memref<10016x128xf32, #tpu.memory_space<hbm>> -> memref<10016x128xf32, #tpu.memory_space<hbm>>
      %dma_wait3A_65 = tpu.memref_slice %arg14[%dma_wait3A] : memref<4x!tpu.dma_semaphore, #tpu.memory_space<semaphore_mem>> -> memref<1x!tpu.dma_semaphore, #tpu.memory_space<semaphore_mem>>
      %dma_wait3A_66 = tpu.memref_squeeze %dma_wait3A_65 : memref<1x!tpu.dma_semaphore, #tpu.memory_space<semaphore_mem>> -> memref<!tpu.dma_semaphore, #tpu.memory_space<semaphore_mem>>
      tpu.wait_indirect_dma semaphore(%dma_wait3A_66 : memref<!tpu.dma_semaphore, #tpu.memory_space<semaphore_mem>>) src(%dma_wait3A_64 : memref<10016x128xf32, #tpu.memory_space<hbm>>) dst(%arg9 : memref<50x128xf32, #tpu.memory_space<vmem>>)
      "tpu.region"() ({
        %run_scoped3A = tpu.sem_alloc : memref<!tpu.dma_semaphore, #tpu.memory_space<semaphore_mem>>
        %dma_start3A_123 = arith.constant 0 : i32
        %dma_start3A_124 = tpu.memref_slice %arg8[%add3A_58, %dma_start3A_123] : memref<200x50xi32, #tpu.memory_space<vmem>> -> memref<1x50xi32, #tpu.memory_space<vmem>>
        %dma_start3A_125 = tpu.memref_squeeze %dma_start3A_124 : memref<1x50xi32, #tpu.memory_space<vmem>> -> memref<50xi32, #tpu.memory_space<vmem>>
        %dma_start3A_126 = arith.constant 0 : i32
        %dma_start3A_127 = arith.constant 0 : i32
        %dma_start3A_128 = tpu.memref_slice %arg13[%dma_start3A_126, %dma_start3A_127] : memref<10016x128xf32, #tpu.memory_space<vmem_shared>> -> memref<10016x128xf32, #tpu.memory_space<vmem_shared>>
        tpu.enqueue_indirect_dma source(%arg9 : memref<50x128xf32, #tpu.memory_space<vmem>>) target(%dma_start3A_128 : memref<10016x128xf32, #tpu.memory_space<vmem_shared>>) offsets(%dma_start3A_125 : memref<50xi32, #tpu.memory_space<vmem>>) semaphore(%run_scoped3A : memref<!tpu.dma_semaphore, #tpu.memory_space<semaphore_mem>>) {add = true}
        %dma_wait3A_129 = arith.constant 0 : i32
        %dma_wait3A_130 = tpu.memref_slice %arg8[%add3A_58, %dma_wait3A_129] : memref<200x50xi32, #tpu.memory_space<vmem>> -> memref<1x50xi32, #tpu.memory_space<vmem>>
        %dma_wait3A_131 = tpu.memref_squeeze %dma_wait3A_130 : memref<1x50xi32, #tpu.memory_space<vmem>> -> memref<50xi32, #tpu.memory_space<vmem>>
        %dma_wait3A_132 = arith.constant 0 : i32
        %dma_wait3A_133 = arith.constant 0 : i32
        %dma_wait3A_134 = tpu.memref_slice %arg13[%dma_wait3A_132, %dma_wait3A_133] : memref<10016x128xf32, #tpu.memory_space<vmem_shared>> -> memref<10016x128xf32, #tpu.memory_space<vmem_shared>>
        tpu.wait_indirect_dma semaphore(%run_scoped3A : memref<!tpu.dma_semaphore, #tpu.memory_space<semaphore_mem>>) src(%arg9 : memref<50x128xf32, #tpu.memory_space<vmem>>) dst(%dma_wait3A_134 : memref<10016x128xf32, #tpu.memory_space<vmem_shared>>)
        tpu.yield
      }) : () -> ()
      %lt3A = arith.constant 49 : i32
      %lt3A_67 = arith.cmpi slt, %scan3A_54, %lt3A : i32
      %convert_element_type3A = arith.extui %lt3A_67 : i1 to i32
      %cond3A = arith.constant 0 : i32
      %cond3A_68 = arith.cmpi ne, %convert_element_type3A, %cond3A : i32
      scf.if %cond3A_68 {
        %add3A_123 = arith.constant 4 : i32
        %add3A_124 = arith.addi %add3A_58, %add3A_123 : i32
        %dma_start3A_125 = arith.constant 0 : i32
        %dma_start3A_126 = arith.constant 0 : i32
        %dma_start3A_127 = tpu.memref_slice %arg7[%add3A_124, %dma_start3A_126] : memref<200x50xi32, #tpu.memory_space<vmem>> -> memref<1x50xi32, #tpu.memory_space<vmem>>
        %dma_start3A_128 = tpu.memref_squeeze %dma_start3A_127 : memref<1x50xi32, #tpu.memory_space<vmem>> -> memref<50xi32, #tpu.memory_space<vmem>>
        %dma_start3A_129 = arith.constant 0 : i32
        %dma_start3A_130 = arith.constant 0 : i32
        %dma_start3A_131 = tpu.memref_slice %arg2[%dma_start3A_129, %dma_start3A_130] : memref<10016x128xf32, #tpu.memory_space<hbm>> -> memref<10016x128xf32, #tpu.memory_space<hbm>>
        %dma_start3A_132 = tpu.memref_slice %arg14[%dma_start3A_125] : memref<4x!tpu.dma_semaphore, #tpu.memory_space<semaphore_mem>> -> memref<1x!tpu.dma_semaphore, #tpu.memory_space<semaphore_mem>>
        %dma_start3A_133 = tpu.memref_squeeze %dma_start3A_132 : memref<1x!tpu.dma_semaphore, #tpu.memory_space<semaphore_mem>> -> memref<!tpu.dma_semaphore, #tpu.memory_space<semaphore_mem>>
        tpu.enqueue_indirect_dma source(%dma_start3A_131 : memref<10016x128xf32, #tpu.memory_space<hbm>>) target(%arg9 : memref<50x128xf32, #tpu.memory_space<vmem>>) offsets(%dma_start3A_128 : memref<50xi32, #tpu.memory_space<vmem>>) semaphore(%dma_start3A_133 : memref<!tpu.dma_semaphore, #tpu.memory_space<semaphore_mem>>)
      } else {
      }
      %mul3A_69 = arith.constant 4 : i32
      %mul3A_70 = arith.muli %scan3A_54, %mul3A_69 : i32
      %add3A_71 = arith.constant 1 : i32
      %add3A_72 = arith.addi %mul3A_70, %add3A_71 : i32
      %dma_wait3A_73 = arith.constant 1 : i32
      %dma_wait3A_74 = arith.constant 0 : i32
      %dma_wait3A_75 = tpu.memref_slice %arg7[%add3A_72, %dma_wait3A_74] : memref<200x50xi32, #tpu.memory_space<vmem>> -> memref<1x50xi32, #tpu.memory_space<vmem>>
      %dma_wait3A_76 = tpu.memref_squeeze %dma_wait3A_75 : memref<1x50xi32, #tpu.memory_space<vmem>> -> memref<50xi32, #tpu.memory_space<vmem>>
      %dma_wait3A_77 = arith.constant 0 : i32
      %dma_wait3A_78 = arith.constant 0 : i32
      %dma_wait3A_79 = tpu.memref_slice %arg2[%dma_wait3A_77, %dma_wait3A_78] : memref<10016x128xf32, #tpu.memory_space<hbm>> -> memref<10016x128xf32, #tpu.memory_space<hbm>>
      %dma_wait3A_80 = tpu.memref_slice %arg14[%dma_wait3A_73] : memref<4x!tpu.dma_semaphore, #tpu.memory_space<semaphore_mem>> -> memref<1x!tpu.dma_semaphore, #tpu.memory_space<semaphore_mem>>
      %dma_wait3A_81 = tpu.memref_squeeze %dma_wait3A_80 : memref<1x!tpu.dma_semaphore, #tpu.memory_space<semaphore_mem>> -> memref<!tpu.dma_semaphore, #tpu.memory_space<semaphore_mem>>
      tpu.wait_indirect_dma semaphore(%dma_wait3A_81 : memref<!tpu.dma_semaphore, #tpu.memory_space<semaphore_mem>>) src(%dma_wait3A_79 : memref<10016x128xf32, #tpu.memory_space<hbm>>) dst(%arg10 : memref<50x128xf32, #tpu.memory_space<vmem>>)
      "tpu.region"() ({
        %run_scoped3A = tpu.sem_alloc : memref<!tpu.dma_semaphore, #tpu.memory_space<semaphore_mem>>
        %dma_start3A_123 = arith.constant 0 : i32
        %dma_start3A_124 = tpu.memref_slice %arg8[%add3A_72, %dma_start3A_123] : memref<200x50xi32, #tpu.memory_space<vmem>> -> memref<1x50xi32, #tpu.memory_space<vmem>>
        %dma_start3A_125 = tpu.memref_squeeze %dma_start3A_124 : memref<1x50xi32, #tpu.memory_space<vmem>> -> memref<50xi32, #tpu.memory_space<vmem>>
        %dma_start3A_126 = arith.constant 0 : i32
        %dma_start3A_127 = arith.constant 0 : i32
        %dma_start3A_128 = tpu.memref_slice %arg13[%dma_start3A_126, %dma_start3A_127] : memref<10016x128xf32, #tpu.memory_space<vmem_shared>> -> memref<10016x128xf32, #tpu.memory_space<vmem_shared>>
        tpu.enqueue_indirect_dma source(%arg10 : memref<50x128xf32, #tpu.memory_space<vmem>>) target(%dma_start3A_128 : memref<10016x128xf32, #tpu.memory_space<vmem_shared>>) offsets(%dma_start3A_125 : memref<50xi32, #tpu.memory_space<vmem>>) semaphore(%run_scoped3A : memref<!tpu.dma_semaphore, #tpu.memory_space<semaphore_mem>>) {add = true}
        %dma_wait3A_129 = arith.constant 0 : i32
        %dma_wait3A_130 = tpu.memref_slice %arg8[%add3A_72, %dma_wait3A_129] : memref<200x50xi32, #tpu.memory_space<vmem>> -> memref<1x50xi32, #tpu.memory_space<vmem>>
        %dma_wait3A_131 = tpu.memref_squeeze %dma_wait3A_130 : memref<1x50xi32, #tpu.memory_space<vmem>> -> memref<50xi32, #tpu.memory_space<vmem>>
        %dma_wait3A_132 = arith.constant 0 : i32
        %dma_wait3A_133 = arith.constant 0 : i32
        %dma_wait3A_134 = tpu.memref_slice %arg13[%dma_wait3A_132, %dma_wait3A_133] : memref<10016x128xf32, #tpu.memory_space<vmem_shared>> -> memref<10016x128xf32, #tpu.memory_space<vmem_shared>>
        tpu.wait_indirect_dma semaphore(%run_scoped3A : memref<!tpu.dma_semaphore, #tpu.memory_space<semaphore_mem>>) src(%arg10 : memref<50x128xf32, #tpu.memory_space<vmem>>) dst(%dma_wait3A_134 : memref<10016x128xf32, #tpu.memory_space<vmem_shared>>)
        tpu.yield
      }) : () -> ()
      %lt3A_82 = arith.constant 49 : i32
      %lt3A_83 = arith.cmpi slt, %scan3A_54, %lt3A_82 : i32
      %convert_element_type3A_84 = arith.extui %lt3A_83 : i1 to i32
      %cond3A_85 = arith.constant 0 : i32
      %cond3A_86 = arith.cmpi ne, %convert_element_type3A_84, %cond3A_85 : i32
      scf.if %cond3A_86 {
        %add3A_123 = arith.constant 4 : i32
        %add3A_124 = arith.addi %add3A_72, %add3A_123 : i32
        %dma_start3A_125 = arith.constant 1 : i32
        %dma_start3A_126 = arith.constant 0 : i32
        %dma_start3A_127 = tpu.memref_slice %arg7[%add3A_124, %dma_start3A_126] : memref<200x50xi32, #tpu.memory_space<vmem>> -> memref<1x50xi32, #tpu.memory_space<vmem>>
        %dma_start3A_128 = tpu.memref_squeeze %dma_start3A_127 : memref<1x50xi32, #tpu.memory_space<vmem>> -> memref<50xi32, #tpu.memory_space<vmem>>
        %dma_start3A_129 = arith.constant 0 : i32
        %dma_start3A_130 = arith.constant 0 : i32
        %dma_start3A_131 = tpu.memref_slice %arg2[%dma_start3A_129, %dma_start3A_130] : memref<10016x128xf32, #tpu.memory_space<hbm>> -> memref<10016x128xf32, #tpu.memory_space<hbm>>
        %dma_start3A_132 = tpu.memref_slice %arg14[%dma_start3A_125] : memref<4x!tpu.dma_semaphore, #tpu.memory_space<semaphore_mem>> -> memref<1x!tpu.dma_semaphore, #tpu.memory_space<semaphore_mem>>
        %dma_start3A_133 = tpu.memref_squeeze %dma_start3A_132 : memref<1x!tpu.dma_semaphore, #tpu.memory_space<semaphore_mem>> -> memref<!tpu.dma_semaphore, #tpu.memory_space<semaphore_mem>>
        tpu.enqueue_indirect_dma source(%dma_start3A_131 : memref<10016x128xf32, #tpu.memory_space<hbm>>) target(%arg10 : memref<50x128xf32, #tpu.memory_space<vmem>>) offsets(%dma_start3A_128 : memref<50xi32, #tpu.memory_space<vmem>>) semaphore(%dma_start3A_133 : memref<!tpu.dma_semaphore, #tpu.memory_space<semaphore_mem>>)
      } else {
      }
      %mul3A_87 = arith.constant 4 : i32
      %mul3A_88 = arith.muli %scan3A_54, %mul3A_87 : i32
      %add3A_89 = arith.constant 2 : i32
      %add3A_90 = arith.addi %mul3A_88, %add3A_89 : i32
      %dma_wait3A_91 = arith.constant 2 : i32
      %dma_wait3A_92 = arith.constant 0 : i32
      %dma_wait3A_93 = tpu.memref_slice %arg7[%add3A_90, %dma_wait3A_92] : memref<200x50xi32, #tpu.memory_space<vmem>> -> memref<1x50xi32, #tpu.memory_space<vmem>>
      %dma_wait3A_94 = tpu.memref_squeeze %dma_wait3A_93 : memref<1x50xi32, #tpu.memory_space<vmem>> -> memref<50xi32, #tpu.memory_space<vmem>>
      %dma_wait3A_95 = arith.constant 0 : i32
      %dma_wait3A_96 = arith.constant 0 : i32
      %dma_wait3A_97 = tpu.memref_slice %arg2[%dma_wait3A_95, %dma_wait3A_96] : memref<10016x128xf32, #tpu.memory_space<hbm>> -> memref<10016x128xf32, #tpu.memory_space<hbm>>
      %dma_wait3A_98 = tpu.memref_slice %arg14[%dma_wait3A_91] : memref<4x!tpu.dma_semaphore, #tpu.memory_space<semaphore_mem>> -> memref<1x!tpu.dma_semaphore, #tpu.memory_space<semaphore_mem>>
      %dma_wait3A_99 = tpu.memref_squeeze %dma_wait3A_98 : memref<1x!tpu.dma_semaphore, #tpu.memory_space<semaphore_mem>> -> memref<!tpu.dma_semaphore, #tpu.memory_space<semaphore_mem>>
      tpu.wait_indirect_dma semaphore(%dma_wait3A_99 : memref<!tpu.dma_semaphore, #tpu.memory_space<semaphore_mem>>) src(%dma_wait3A_97 : memref<10016x128xf32, #tpu.memory_space<hbm>>) dst(%arg11 : memref<50x128xf32, #tpu.memory_space<vmem>>)
      "tpu.region"() ({
        %run_scoped3A = tpu.sem_alloc : memref<!tpu.dma_semaphore, #tpu.memory_space<semaphore_mem>>
        %dma_start3A_123 = arith.constant 0 : i32
        %dma_start3A_124 = tpu.memref_slice %arg8[%add3A_90, %dma_start3A_123] : memref<200x50xi32, #tpu.memory_space<vmem>> -> memref<1x50xi32, #tpu.memory_space<vmem>>
        %dma_start3A_125 = tpu.memref_squeeze %dma_start3A_124 : memref<1x50xi32, #tpu.memory_space<vmem>> -> memref<50xi32, #tpu.memory_space<vmem>>
        %dma_start3A_126 = arith.constant 0 : i32
        %dma_start3A_127 = arith.constant 0 : i32
        %dma_start3A_128 = tpu.memref_slice %arg13[%dma_start3A_126, %dma_start3A_127] : memref<10016x128xf32, #tpu.memory_space<vmem_shared>> -> memref<10016x128xf32, #tpu.memory_space<vmem_shared>>
        tpu.enqueue_indirect_dma source(%arg11 : memref<50x128xf32, #tpu.memory_space<vmem>>) target(%dma_start3A_128 : memref<10016x128xf32, #tpu.memory_space<vmem_shared>>) offsets(%dma_start3A_125 : memref<50xi32, #tpu.memory_space<vmem>>) semaphore(%run_scoped3A : memref<!tpu.dma_semaphore, #tpu.memory_space<semaphore_mem>>) {add = true}
        %dma_wait3A_129 = arith.constant 0 : i32
        %dma_wait3A_130 = tpu.memref_slice %arg8[%add3A_90, %dma_wait3A_129] : memref<200x50xi32, #tpu.memory_space<vmem>> -> memref<1x50xi32, #tpu.memory_space<vmem>>
        %dma_wait3A_131 = tpu.memref_squeeze %dma_wait3A_130 : memref<1x50xi32, #tpu.memory_space<vmem>> -> memref<50xi32, #tpu.memory_space<vmem>>
        %dma_wait3A_132 = arith.constant 0 : i32
        %dma_wait3A_133 = arith.constant 0 : i32
        %dma_wait3A_134 = tpu.memref_slice %arg13[%dma_wait3A_132, %dma_wait3A_133] : memref<10016x128xf32, #tpu.memory_space<vmem_shared>> -> memref<10016x128xf32, #tpu.memory_space<vmem_shared>>
        tpu.wait_indirect_dma semaphore(%run_scoped3A : memref<!tpu.dma_semaphore, #tpu.memory_space<semaphore_mem>>) src(%arg11 : memref<50x128xf32, #tpu.memory_space<vmem>>) dst(%dma_wait3A_134 : memref<10016x128xf32, #tpu.memory_space<vmem_shared>>)
        tpu.yield
      }) : () -> ()
      %lt3A_100 = arith.constant 49 : i32
      %lt3A_101 = arith.cmpi slt, %scan3A_54, %lt3A_100 : i32
      %convert_element_type3A_102 = arith.extui %lt3A_101 : i1 to i32
      %cond3A_103 = arith.constant 0 : i32
      %cond3A_104 = arith.cmpi ne, %convert_element_type3A_102, %cond3A_103 : i32
      scf.if %cond3A_104 {
        %add3A_123 = arith.constant 4 : i32
        %add3A_124 = arith.addi %add3A_90, %add3A_123 : i32
        %dma_start3A_125 = arith.constant 2 : i32
        %dma_start3A_126 = arith.constant 0 : i32
        %dma_start3A_127 = tpu.memref_slice %arg7[%add3A_124, %dma_start3A_126] : memref<200x50xi32, #tpu.memory_space<vmem>> -> memref<1x50xi32, #tpu.memory_space<vmem>>
        %dma_start3A_128 = tpu.memref_squeeze %dma_start3A_127 : memref<1x50xi32, #tpu.memory_space<vmem>> -> memref<50xi32, #tpu.memory_space<vmem>>
        %dma_start3A_129 = arith.constant 0 : i32
        %dma_start3A_130 = arith.constant 0 : i32
        %dma_start3A_131 = tpu.memref_slice %arg2[%dma_start3A_129, %dma_start3A_130] : memref<10016x128xf32, #tpu.memory_space<hbm>> -> memref<10016x128xf32, #tpu.memory_space<hbm>>
        %dma_start3A_132 = tpu.memref_slice %arg14[%dma_start3A_125] : memref<4x!tpu.dma_semaphore, #tpu.memory_space<semaphore_mem>> -> memref<1x!tpu.dma_semaphore, #tpu.memory_space<semaphore_mem>>
        %dma_start3A_133 = tpu.memref_squeeze %dma_start3A_132 : memref<1x!tpu.dma_semaphore, #tpu.memory_space<semaphore_mem>> -> memref<!tpu.dma_semaphore, #tpu.memory_space<semaphore_mem>>
        tpu.enqueue_indirect_dma source(%dma_start3A_131 : memref<10016x128xf32, #tpu.memory_space<hbm>>) target(%arg11 : memref<50x128xf32, #tpu.memory_space<vmem>>) offsets(%dma_start3A_128 : memref<50xi32, #tpu.memory_space<vmem>>) semaphore(%dma_start3A_133 : memref<!tpu.dma_semaphore, #tpu.memory_space<semaphore_mem>>)
      } else {
      }
      %mul3A_105 = arith.constant 4 : i32
      %mul3A_106 = arith.muli %scan3A_54, %mul3A_105 : i32
      %add3A_107 = arith.constant 3 : i32
      %add3A_108 = arith.addi %mul3A_106, %add3A_107 : i32
      %dma_wait3A_109 = arith.constant 3 : i32
      %dma_wait3A_110 = arith.constant 0 : i32
      %dma_wait3A_111 = tpu.memref_slice %arg7[%add3A_108, %dma_wait3A_110] : memref<200x50xi32, #tpu.memory_space<vmem>> -> memref<1x50xi32, #tpu.memory_space<vmem>>
      %dma_wait3A_112 = tpu.memref_squeeze %dma_wait3A_111 : memref<1x50xi32, #tpu.memory_space<vmem>> -> memref<50xi32, #tpu.memory_space<vmem>>
      %dma_wait3A_113 = arith.constant 0 : i32
      %dma_wait3A_114 = arith.constant 0 : i32
      %dma_wait3A_115 = tpu.memref_slice %arg2[%dma_wait3A_113, %dma_wait3A_114] : memref<10016x128xf32, #tpu.memory_space<hbm>> -> memref<10016x128xf32, #tpu.memory_space<hbm>>
      %dma_wait3A_116 = tpu.memref_slice %arg14[%dma_wait3A_109] : memref<4x!tpu.dma_semaphore, #tpu.memory_space<semaphore_mem>> -> memref<1x!tpu.dma_semaphore, #tpu.memory_space<semaphore_mem>>
      %dma_wait3A_117 = tpu.memref_squeeze %dma_wait3A_116 : memref<1x!tpu.dma_semaphore, #tpu.memory_space<semaphore_mem>> -> memref<!tpu.dma_semaphore, #tpu.memory_space<semaphore_mem>>
      tpu.wait_indirect_dma semaphore(%dma_wait3A_117 : memref<!tpu.dma_semaphore, #tpu.memory_space<semaphore_mem>>) src(%dma_wait3A_115 : memref<10016x128xf32, #tpu.memory_space<hbm>>) dst(%arg12 : memref<50x128xf32, #tpu.memory_space<vmem>>)
      "tpu.region"() ({
        %run_scoped3A = tpu.sem_alloc : memref<!tpu.dma_semaphore, #tpu.memory_space<semaphore_mem>>
        %dma_start3A_123 = arith.constant 0 : i32
        %dma_start3A_124 = tpu.memref_slice %arg8[%add3A_108, %dma_start3A_123] : memref<200x50xi32, #tpu.memory_space<vmem>> -> memref<1x50xi32, #tpu.memory_space<vmem>>
        %dma_start3A_125 = tpu.memref_squeeze %dma_start3A_124 : memref<1x50xi32, #tpu.memory_space<vmem>> -> memref<50xi32, #tpu.memory_space<vmem>>
        %dma_start3A_126 = arith.constant 0 : i32
        %dma_start3A_127 = arith.constant 0 : i32
        %dma_start3A_128 = tpu.memref_slice %arg13[%dma_start3A_126, %dma_start3A_127] : memref<10016x128xf32, #tpu.memory_space<vmem_shared>> -> memref<10016x128xf32, #tpu.memory_space<vmem_shared>>
        tpu.enqueue_indirect_dma source(%arg12 : memref<50x128xf32, #tpu.memory_space<vmem>>) target(%dma_start3A_128 : memref<10016x128xf32, #tpu.memory_space<vmem_shared>>) offsets(%dma_start3A_125 : memref<50xi32, #tpu.memory_space<vmem>>) semaphore(%run_scoped3A : memref<!tpu.dma_semaphore, #tpu.memory_space<semaphore_mem>>) {add = true}
        %dma_wait3A_129 = arith.constant 0 : i32
        %dma_wait3A_130 = tpu.memref_slice %arg8[%add3A_108, %dma_wait3A_129] : memref<200x50xi32, #tpu.memory_space<vmem>> -> memref<1x50xi32, #tpu.memory_space<vmem>>
        %dma_wait3A_131 = tpu.memref_squeeze %dma_wait3A_130 : memref<1x50xi32, #tpu.memory_space<vmem>> -> memref<50xi32, #tpu.memory_space<vmem>>
        %dma_wait3A_132 = arith.constant 0 : i32
        %dma_wait3A_133 = arith.constant 0 : i32
        %dma_wait3A_134 = tpu.memref_slice %arg13[%dma_wait3A_132, %dma_wait3A_133] : memref<10016x128xf32, #tpu.memory_space<vmem_shared>> -> memref<10016x128xf32, #tpu.memory_space<vmem_shared>>
        tpu.wait_indirect_dma semaphore(%run_scoped3A : memref<!tpu.dma_semaphore, #tpu.memory_space<semaphore_mem>>) src(%arg12 : memref<50x128xf32, #tpu.memory_space<vmem>>) dst(%dma_wait3A_134 : memref<10016x128xf32, #tpu.memory_space<vmem_shared>>)
        tpu.yield
      }) : () -> ()
      %lt3A_118 = arith.constant 49 : i32
      %lt3A_119 = arith.cmpi slt, %scan3A_54, %lt3A_118 : i32
      %convert_element_type3A_120 = arith.extui %lt3A_119 : i1 to i32
      %cond3A_121 = arith.constant 0 : i32
      %cond3A_122 = arith.cmpi ne, %convert_element_type3A_120, %cond3A_121 : i32
      scf.if %cond3A_122 {
        %add3A_123 = arith.constant 4 : i32
        %add3A_124 = arith.addi %add3A_108, %add3A_123 : i32
        %dma_start3A_125 = arith.constant 3 : i32
        %dma_start3A_126 = arith.constant 0 : i32
        %dma_start3A_127 = tpu.memref_slice %arg7[%add3A_124, %dma_start3A_126] : memref<200x50xi32, #tpu.memory_space<vmem>> -> memref<1x50xi32, #tpu.memory_space<vmem>>
        %dma_start3A_128 = tpu.memref_squeeze %dma_start3A_127 : memref<1x50xi32, #tpu.memory_space<vmem>> -> memref<50xi32, #tpu.memory_space<vmem>>
        %dma_start3A_129 = arith.constant 0 : i32
        %dma_start3A_130 = arith.constant 0 : i32
        %dma_start3A_131 = tpu.memref_slice %arg2[%dma_start3A_129, %dma_start3A_130] : memref<10016x128xf32, #tpu.memory_space<hbm>> -> memref<10016x128xf32, #tpu.memory_space<hbm>>
        %dma_start3A_132 = tpu.memref_slice %arg14[%dma_start3A_125] : memref<4x!tpu.dma_semaphore, #tpu.memory_space<semaphore_mem>> -> memref<1x!tpu.dma_semaphore, #tpu.memory_space<semaphore_mem>>
        %dma_start3A_133 = tpu.memref_squeeze %dma_start3A_132 : memref<1x!tpu.dma_semaphore, #tpu.memory_space<semaphore_mem>> -> memref<!tpu.dma_semaphore, #tpu.memory_space<semaphore_mem>>
        tpu.enqueue_indirect_dma source(%dma_start3A_131 : memref<10016x128xf32, #tpu.memory_space<hbm>>) target(%arg12 : memref<50x128xf32, #tpu.memory_space<vmem>>) offsets(%dma_start3A_128 : memref<50xi32, #tpu.memory_space<vmem>>) semaphore(%dma_start3A_133 : memref<!tpu.dma_semaphore, #tpu.memory_space<semaphore_mem>>)
      } else {
      }
    }
    %scan3A_48 = arith.constant 50 : i32
    %barrier3A_49 = arith.constant 0 : index
    tpu.barrier barrier_id(%barrier3A_49)
    %mul3A_50 = arith.constant 626 : i32
    %mul3A_51 = arith.muli %arg1, %mul3A_50 : i32
    %mul3A_52 = arith.constant 626 : i32
    %mul3A_53 = arith.muli %arg1, %mul3A_52 : i32
    "tpu.region"() ({
      %run_scoped3A = tpu.sem_alloc : memref<!tpu.dma_semaphore, #tpu.memory_space<semaphore_mem>>
      %dma_start3A_54 = arith.constant 0 : i32
      %dma_start3A_55 = tpu.memref_slice %arg6[%arg0, %mul3A_53, %dma_start3A_54] : memref<2x10016x128xf32, #tpu.memory_space<hbm>> -> memref<1x626x128xf32, #tpu.memory_space<hbm>>
      %dma_start3A_56 = tpu.memref_squeeze %dma_start3A_55 : memref<1x626x128xf32, #tpu.memory_space<hbm>> -> memref<626x128xf32, #tpu.memory_space<hbm>>
      %dma_start3A_57 = arith.constant 0 : i32
      %dma_start3A_58 = tpu.memref_slice %arg13[%mul3A_51, %dma_start3A_57] : memref<10016x128xf32, #tpu.memory_space<vmem_shared>> -> memref<626x128xf32, #tpu.memory_space<vmem_shared>>
      tpu.enqueue_dma source(%dma_start3A_58 : memref<626x128xf32, #tpu.memory_space<vmem_shared>>) target(%dma_start3A_56 : memref<626x128xf32, #tpu.memory_space<hbm>>) target_semaphore(%run_scoped3A : memref<!tpu.dma_semaphore, #tpu.memory_space<semaphore_mem>>)
      %dma_wait3A = arith.constant 0 : i32
      %dma_wait3A_59 = tpu.memref_slice %arg6[%arg0, %mul3A_53, %dma_wait3A] : memref<2x10016x128xf32, #tpu.memory_space<hbm>> -> memref<1x626x128xf32, #tpu.memory_space<hbm>>
      %dma_wait3A_60 = tpu.memref_squeeze %dma_wait3A_59 : memref<1x626x128xf32, #tpu.memory_space<hbm>> -> memref<626x128xf32, #tpu.memory_space<hbm>>
      %dma_wait3A_61 = arith.constant 0 : i32
      %dma_wait3A_62 = tpu.memref_slice %arg13[%mul3A_51, %dma_wait3A_61] : memref<10016x128xf32, #tpu.memory_space<vmem_shared>> -> memref<626x128xf32, #tpu.memory_space<vmem_shared>>
      tpu.wait_dma2 semaphore(%run_scoped3A : memref<!tpu.dma_semaphore, #tpu.memory_space<semaphore_mem>>) src(%dma_wait3A_62 : memref<626x128xf32, #tpu.memory_space<vmem_shared>>) dst(%dma_wait3A_60 : memref<626x128xf32, #tpu.memory_space<hbm>>)
      tpu.yield
    }) : () -> ()
    return
  }
}

module attributes {stable_mosaic.version = 14 : i64} {
  func.func @_feat_body(%arg0: i32, %arg1: memref<2504x128xf32, #tpu.memory_space<vmem>>, %arg2: memref<2x2504x16xf32, #tpu.memory_space<vmem>>, %arg3: memref<2504x128xf32, #tpu.memory_space<vmem>>) attributes {dimension_semantics = [#tpu.dimension_semantics<arbitrary>], iteration_bounds = array<i64: 4>, scalar_prefetch = 0 : i64, scratch_operands = 0 : i64, tpu.core_type = #tpu.core_type<tc>, window_params = [{transform_indices = @transform_0, window_bounds = array<i64: 2504, 128>}, {transform_indices = @transform_1, window_bounds = array<i64: 2, 2504, 16>}, {transform_indices = @transform_2, window_bounds = array<i64: 2504, 128>}]} {
    %get3A = arith.constant 0 : index
    %get3A_0 = arith.constant 0 : index
    %get3A_1 = arith.constant 0 : index
    %get3A_2 = vector.load %arg2[%get3A, %get3A_0, %get3A_1] : memref<2x2504x16xf32, #tpu.memory_space<vmem>>, vector<1x2504x1xf32>
    %get3A_3 = vector.shape_cast %get3A_2 : vector<1x2504x1xf32> to vector<2504x1xf32>
    %get3A_4 = arith.constant 1 : index
    %get3A_5 = arith.constant 0 : index
    %get3A_6 = arith.constant 0 : index
    %get3A_7 = vector.load %arg2[%get3A_4, %get3A_5, %get3A_6] : memref<2x2504x16xf32, #tpu.memory_space<vmem>>, vector<1x2504x1xf32>
    %get3A_8 = vector.shape_cast %get3A_7 : vector<1x2504x1xf32> to vector<2504x1xf32>
    %add3A = arith.addf %get3A_3, %get3A_8 : vector<2504x1xf32>
    %get3A_9 = arith.constant 0 : index
    %get3A_10 = arith.constant 0 : index
    %get3A_11 = vector.load %arg1[%get3A_9, %get3A_10] : memref<2504x128xf32, #tpu.memory_space<vmem>>, vector<2504x128xf32>
    %max3A = arith.constant 1.000000e+00 : f32
    %max3A_12 = vector.broadcast %max3A : f32 to vector<2504x1xf32>
    %max3A_13 = arith.maximumf %add3A, %max3A_12 : vector<2504x1xf32>
    %rsqrt3A = math.rsqrt %max3A_13 : vector<2504x1xf32>
    %mul3A = vector.broadcast %rsqrt3A : vector<2504x1xf32> to vector<2504x128xf32>
    %mul3A_14 = arith.mulf %get3A_11, %mul3A : vector<2504x128xf32>
    %swap3A = arith.constant 0 : index
    %swap3A_15 = arith.constant 0 : index
    %swap3A_16 = vector.load %arg3[%swap3A, %swap3A_15] : memref<2504x128xf32, #tpu.memory_space<vmem>>, vector<2504x128xf32>
    tpu.vector_store %arg3[%swap3A, %swap3A_15], %mul3A_14 {strides = array<i32>} : memref<2504x128xf32, #tpu.memory_space<vmem>>, vector<2504x128xf32>,
    return
  }
  func.func @transform_0(%arg0: i32) -> (i32, i32) {
    %c0_i32 = arith.constant 0 : i32
    %c0_i32_0 = arith.constant 0 : i32
    return %arg0, %c0_i32 : i32, i32
  }
  func.func @transform_1(%arg0: i32) -> (i32, i32, i32) {
    %c0_i32 = arith.constant 0 : i32
    %c0_i32_0 = arith.constant 0 : i32
    %c0_i32_1 = arith.constant 0 : i32
    return %c0_i32, %arg0, %c0_i32_0 : i32, i32, i32
  }
  func.func @transform_2(%arg0: i32) -> (i32, i32) {
    %c0_i32 = arith.constant 0 : i32
    %c0_i32_0 = arith.constant 0 : i32
    return %arg0, %c0_i32 : i32, i32
  }
}

module attributes {stable_mosaic.version = 14 : i64} {
  func.func @_mid_body(%arg0: i32, %arg1: memref<2x2504x128xf32, #tpu.memory_space<vmem>>, %arg2: memref<2x2504x16xf32, #tpu.memory_space<vmem>>, %arg3: memref<2x2504x16xf32, #tpu.memory_space<vmem>>, %arg4: memref<128x256xf32, #tpu.memory_space<vmem>>, %arg5: memref<1x256xf32, #tpu.memory_space<vmem>>, %arg6: memref<256x64xf32, #tpu.memory_space<vmem>>, %arg7: memref<2504x64xf32, #tpu.memory_space<vmem>>) attributes {dimension_semantics = [#tpu.dimension_semantics<arbitrary>], iteration_bounds = array<i64: 4>, scalar_prefetch = 0 : i64, scratch_operands = 0 : i64, tpu.core_type = #tpu.core_type<tc>, window_params = [{transform_indices = @transform_0, window_bounds = array<i64: 2, 2504, 128>}, {transform_indices = @transform_1, window_bounds = array<i64: 2, 2504, 16>}, {transform_indices = @transform_2, window_bounds = array<i64: 2, 2504, 16>}, {pipeline_mode = #tpu.pipeline_mode<synchronous>, transform_indices = @transform_3, window_bounds = array<i64: 128, 256>}, {pipeline_mode = #tpu.pipeline_mode<synchronous>, transform_indices = @transform_4, window_bounds = array<i64: 1, 256>}, {pipeline_mode = #tpu.pipeline_mode<synchronous>, transform_indices = @transform_5, window_bounds = array<i64: 256, 64>}, {transform_indices = @transform_6, window_bounds = array<i64: 2504, 64>}]} {
    %get3A = arith.constant 0 : index
    %get3A_0 = arith.constant 0 : index
    %get3A_1 = arith.constant 0 : index
    %get3A_2 = vector.load %arg1[%get3A, %get3A_0, %get3A_1] : memref<2x2504x128xf32, #tpu.memory_space<vmem>>, vector<1x2504x128xf32>
    %get3A_3 = vector.shape_cast %get3A_2 : vector<1x2504x128xf32> to vector<2504x128xf32>
    %get3A_4 = arith.constant 1 : index
    %get3A_5 = arith.constant 0 : index
    %get3A_6 = arith.constant 0 : index
    %get3A_7 = vector.load %arg1[%get3A_4, %get3A_5, %get3A_6] : memref<2x2504x128xf32, #tpu.memory_space<vmem>>, vector<1x2504x128xf32>
    %get3A_8 = vector.shape_cast %get3A_7 : vector<1x2504x128xf32> to vector<2504x128xf32>
    %add3A = arith.addf %get3A_3, %get3A_8 : vector<2504x128xf32>
    %get3A_9 = arith.constant 0 : index
    %get3A_10 = arith.constant 0 : index
    %get3A_11 = arith.constant 0 : index
    %get3A_12 = vector.load %arg2[%get3A_9, %get3A_10, %get3A_11] : memref<2x2504x16xf32, #tpu.memory_space<vmem>>, vector<1x2504x1xf32>
    %get3A_13 = vector.shape_cast %get3A_12 : vector<1x2504x1xf32> to vector<2504x1xf32>
    %get3A_14 = arith.constant 1 : index
    %get3A_15 = arith.constant 0 : index
    %get3A_16 = arith.constant 0 : index
    %get3A_17 = vector.load %arg2[%get3A_14, %get3A_15, %get3A_16] : memref<2x2504x16xf32, #tpu.memory_space<vmem>>, vector<1x2504x1xf32>
    %get3A_18 = vector.shape_cast %get3A_17 : vector<1x2504x1xf32> to vector<2504x1xf32>
    %add3A_19 = arith.addf %get3A_13, %get3A_18 : vector<2504x1xf32>
    %max3A = arith.constant 1.000000e+00 : f32
    %max3A_20 = vector.broadcast %max3A : f32 to vector<2504x1xf32>
    %max3A_21 = arith.maximumf %add3A_19, %max3A_20 : vector<2504x1xf32>
    %rsqrt3A = math.rsqrt %max3A_21 : vector<2504x1xf32>
    %mul3A = vector.broadcast %rsqrt3A : vector<2504x1xf32> to vector<2504x128xf32>
    %mul3A_22 = arith.mulf %add3A, %mul3A : vector<2504x128xf32>
    %get3A_23 = arith.constant 0 : index
    %get3A_24 = arith.constant 0 : index
    %get3A_25 = vector.load %arg4[%get3A_23, %get3A_24] : memref<128x256xf32, #tpu.memory_space<vmem>>, vector<128x256xf32>
    %dot_general3A = arith.constant dense<0.000000e+00> : vector<2504x256xf32>
    %dot_general3A_26 = tpu.matmul %mul3A_22, %get3A_25, %dot_general3A {dimension_numbers = #tpu.dot_dimension_numbers<[1], [0], [0], [1], [0, 0, 1, 1], [], []>, transpose_lhs_hint = false} : vector<2504x128xf32>, vector<128x256xf32>, vector<2504x256xf32> -> vector<2504x256xf32>
    %get3A_27 = arith.constant 0 : index
    %get3A_28 = arith.constant 0 : index
    %get3A_29 = vector.load %arg5[%get3A_27, %get3A_28] : memref<1x256xf32, #tpu.memory_space<vmem>>, vector<1x256xf32>
    %add3A_30 = vector.broadcast %get3A_29 : vector<1x256xf32> to vector<2504x256xf32>
    %add3A_31 = arith.addf %dot_general3A_26, %add3A_30 : vector<2504x256xf32>
    %max3A_32 = arith.constant 0.000000e+00 : f32
    %max3A_33 = vector.broadcast %max3A_32 : f32 to vector<2504x256xf32>
    %max3A_34 = arith.maximumf %add3A_31, %max3A_33 : vector<2504x256xf32>
    %get3A_35 = arith.constant 0 : index
    %get3A_36 = arith.constant 0 : index
    %get3A_37 = arith.constant 0 : index
    %get3A_38 = vector.load %arg3[%get3A_35, %get3A_36, %get3A_37] : memref<2x2504x16xf32, #tpu.memory_space<vmem>>, vector<1x2504x1xf32>
    %get3A_39 = vector.shape_cast %get3A_38 : vector<1x2504x1xf32> to vector<2504x1xf32>
    %get3A_40 = arith.constant 1 : index
    %get3A_41 = arith.constant 0 : index
    %get3A_42 = arith.constant 0 : index
    %get3A_43 = vector.load %arg3[%get3A_40, %get3A_41, %get3A_42] : memref<2x2504x16xf32, #tpu.memory_space<vmem>>, vector<1x2504x1xf32>
    %get3A_44 = vector.shape_cast %get3A_43 : vector<1x2504x1xf32> to vector<2504x1xf32>
    %add3A_45 = arith.addf %get3A_39, %get3A_44 : vector<2504x1xf32>
    %max3A_46 = arith.constant 1.000000e+00 : f32
    %max3A_47 = vector.broadcast %max3A_46 : f32 to vector<2504x1xf32>
    %max3A_48 = arith.maximumf %add3A_45, %max3A_47 : vector<2504x1xf32>
    %rsqrt3A_49 = math.rsqrt %max3A_48 : vector<2504x1xf32>
    %mul3A_50 = vector.broadcast %rsqrt3A_49 : vector<2504x1xf32> to vector<2504x256xf32>
    %mul3A_51 = arith.mulf %max3A_34, %mul3A_50 : vector<2504x256xf32>
    %get3A_52 = arith.constant 0 : index
    %get3A_53 = arith.constant 0 : index
    %get3A_54 = vector.load %arg6[%get3A_52, %get3A_53] : memref<256x64xf32, #tpu.memory_space<vmem>>, vector<256x64xf32>
    %dot_general3A_55 = arith.constant dense<0.000000e+00> : vector<2504x64xf32>
    %dot_general3A_56 = tpu.matmul %mul3A_51, %get3A_54, %dot_general3A_55 {dimension_numbers = #tpu.dot_dimension_numbers<[1], [0], [0], [1], [0, 0, 1, 1], [], []>, transpose_lhs_hint = false} : vector<2504x256xf32>, vector<256x64xf32>, vector<2504x64xf32> -> vector<2504x64xf32>
    %swap3A = arith.constant 0 : index
    %swap3A_57 = arith.constant 0 : index
    %swap3A_58 = vector.load %arg7[%swap3A, %swap3A_57] : memref<2504x64xf32, #tpu.memory_space<vmem>>, vector<2504x64xf32>
    tpu.vector_store %arg7[%swap3A, %swap3A_57], %dot_general3A_56 {strides = array<i32>} : memref<2504x64xf32, #tpu.memory_space<vmem>>, vector<2504x64xf32>,
    return
  }
  func.func @transform_0(%arg0: i32) -> (i32, i32, i32) {
    %c0_i32 = arith.constant 0 : i32
    %c0_i32_0 = arith.constant 0 : i32
    %c0_i32_1 = arith.constant 0 : i32
    return %c0_i32, %arg0, %c0_i32_0 : i32, i32, i32
  }
  func.func @transform_1(%arg0: i32) -> (i32, i32, i32) {
    %c0_i32 = arith.constant 0 : i32
    %c0_i32_0 = arith.constant 0 : i32
    %c0_i32_1 = arith.constant 0 : i32
    return %c0_i32, %arg0, %c0_i32_0 : i32, i32, i32
  }
  func.func @transform_2(%arg0: i32) -> (i32, i32, i32) {
    %c0_i32 = arith.constant 0 : i32
    %c0_i32_0 = arith.constant 0 : i32
    %c0_i32_1 = arith.constant 0 : i32
    return %c0_i32, %arg0, %c0_i32_0 : i32, i32, i32
  }
  func.func @transform_3(%arg0: i32) -> (i32, i32) {
    %c0_i32 = arith.constant 0 : i32
    %c0_i32_0 = arith.constant 0 : i32
    %c0_i32_1 = arith.constant 0 : i32
    return %c0_i32, %c0_i32_0 : i32, i32
  }
  func.func @transform_4(%arg0: i32) -> (i32, i32) {
    %c0_i32 = arith.constant 0 : i32
    %c0_i32_0 = arith.constant 0 : i32
    %c0_i32_1 = arith.constant 0 : i32
    return %c0_i32, %c0_i32_0 : i32, i32
  }
  func.func @transform_5(%arg0: i32) -> (i32, i32) {
    %c0_i32 = arith.constant 0 : i32
    %c0_i32_0 = arith.constant 0 : i32
    %c0_i32_1 = arith.constant 0 : i32
    return %c0_i32, %c0_i32_0 : i32, i32
  }
  func.func @transform_6(%arg0: i32) -> (i32, i32) {
    %c0_i32 = arith.constant 0 : i32
    %c0_i32_0 = arith.constant 0 : i32
    return %arg0, %c0_i32 : i32, i32
  }
}

module attributes {stable_mosaic.version = 14 : i64} {
  func.func @_fin_body(%arg0: i32, %arg1: memref<2x2000x64xf32, #tpu.memory_space<vmem>>, %arg2: memref<2x2000x16xf32, #tpu.memory_space<vmem>>, %arg3: memref<2000x128xf32, #tpu.memory_space<vmem>>, %arg4: memref<1x64xf32, #tpu.memory_space<vmem>>, %arg5: memref<2000x64xf32, #tpu.memory_space<vmem>>, %arg6: memref<1x128xf32, #tpu.memory_space<vmem>>) attributes {dimension_semantics = [#tpu.dimension_semantics<arbitrary>], iteration_bounds = array<i64: 5>, scalar_prefetch = 0 : i64, scratch_operands = 0 : i64, tpu.core_type = #tpu.core_type<tc>, window_params = [{transform_indices = @transform_0, window_bounds = array<i64: 2, 2000, 64>}, {transform_indices = @transform_1, window_bounds = array<i64: 2, 2000, 16>}, {transform_indices = @transform_2, window_bounds = array<i64: 2000, 128>}, {pipeline_mode = #tpu.pipeline_mode<synchronous>, transform_indices = @transform_3, window_bounds = array<i64: 1, 64>}, {transform_indices = @transform_4, window_bounds = array<i64: 2000, 64>}, {pipeline_mode = #tpu.pipeline_mode<synchronous>, transform_indices = @transform_5, window_bounds = array<i64: 1, 128>}]} {
    %get3A = arith.constant 0 : index
    %get3A_0 = arith.constant 0 : index
    %get3A_1 = arith.constant 0 : index
    %get3A_2 = vector.load %arg2[%get3A, %get3A_0, %get3A_1] : memref<2x2000x16xf32, #tpu.memory_space<vmem>>, vector<1x2000x1xf32>
    %get3A_3 = vector.shape_cast %get3A_2 : vector<1x2000x1xf32> to vector<2000x1xf32>
    %get3A_4 = arith.constant 1 : index
    %get3A_5 = arith.constant 0 : index
    %get3A_6 = arith.constant 0 : index
    %get3A_7 = vector.load %arg2[%get3A_4, %get3A_5, %get3A_6] : memref<2x2000x16xf32, #tpu.memory_space<vmem>>, vector<1x2000x1xf32>
    %get3A_8 = vector.shape_cast %get3A_7 : vector<1x2000x1xf32> to vector<2000x1xf32>
    %add3A = arith.addf %get3A_3, %get3A_8 : vector<2000x1xf32>
    %max3A = arith.constant 1.000000e+00 : f32
    %max3A_9 = vector.broadcast %max3A : f32 to vector<2000x1xf32>
    %max3A_10 = arith.maximumf %add3A, %max3A_9 : vector<2000x1xf32>
    %rsqrt3A = math.rsqrt %max3A_10 : vector<2000x1xf32>
    %get3A_11 = arith.constant 0 : index
    %get3A_12 = arith.constant 0 : index
    %get3A_13 = arith.constant 0 : index
    %get3A_14 = vector.load %arg1[%get3A_11, %get3A_12, %get3A_13] : memref<2x2000x64xf32, #tpu.memory_space<vmem>>, vector<1x2000x64xf32>
    %get3A_15 = vector.shape_cast %get3A_14 : vector<1x2000x64xf32> to vector<2000x64xf32>
    %get3A_16 = arith.constant 1 : index
    %get3A_17 = arith.constant 0 : index
    %get3A_18 = arith.constant 0 : index
    %get3A_19 = vector.load %arg1[%get3A_16, %get3A_17, %get3A_18] : memref<2x2000x64xf32, #tpu.memory_space<vmem>>, vector<1x2000x64xf32>
    %get3A_20 = vector.shape_cast %get3A_19 : vector<1x2000x64xf32> to vector<2000x64xf32>
    %add3A_21 = arith.addf %get3A_15, %get3A_20 : vector<2000x64xf32>
    %mul3A = vector.broadcast %rsqrt3A : vector<2000x1xf32> to vector<2000x64xf32>
    %mul3A_22 = arith.mulf %add3A_21, %mul3A : vector<2000x64xf32>
    %get3A_23 = arith.constant 0 : index
    %get3A_24 = arith.constant 0 : index
    %get3A_25 = vector.load %arg4[%get3A_23, %get3A_24] : memref<1x64xf32, #tpu.memory_space<vmem>>, vector<1x64xf32>
    %add3A_26 = vector.broadcast %get3A_25 : vector<1x64xf32> to vector<2000x64xf32>
    %add3A_27 = arith.addf %mul3A_22, %add3A_26 : vector<2000x64xf32>
    %swap3A = arith.constant 0 : index
    %swap3A_28 = arith.constant 0 : index
    %swap3A_29 = vector.load %arg5[%swap3A, %swap3A_28] : memref<2000x64xf32, #tpu.memory_space<vmem>>, vector<2000x64xf32>
    tpu.vector_store %arg5[%swap3A, %swap3A_28], %add3A_27 {strides = array<i32>} : memref<2000x64xf32, #tpu.memory_space<vmem>>, vector<2000x64xf32>,
    %get3A_30 = arith.constant 0 : index
    %get3A_31 = arith.constant 0 : index
    %get3A_32 = vector.load %arg3[%get3A_30, %get3A_31] : memref<2000x128xf32, #tpu.memory_space<vmem>>, vector<2000x128xf32>
    %reduce_max3A = arith.constant dense<0xFF800000> : vector<128xf32>
    %reduce_max3A_33 = vector.multi_reduction <maximumf>, %get3A_32, %reduce_max3A [0] : vector<2000x128xf32> to vector<128xf32>
    %broadcast_in_dim3A = vector.shape_cast %reduce_max3A_33 : vector<128xf32> to vector<1x128xf32>
    %eq3A = arith.constant 0 : i32
    %eq3A_34 = arith.cmpi eq, %arg0, %eq3A : i32
    %convert_element_type3A = arith.extui %eq3A_34 : i1 to i32
    %cond3A = arith.constant 0 : i32
    %cond3A_35 = arith.cmpi ne, %convert_element_type3A, %cond3A : i32
    scf.if %cond3A_35 {
      %swap3A_40 = arith.constant 0 : index
      %swap3A_41 = arith.constant 0 : index
      %swap3A_42 = vector.load %arg6[%swap3A_40, %swap3A_41] : memref<1x128xf32, #tpu.memory_space<vmem>>, vector<1x128xf32>
      tpu.vector_store %arg6[%swap3A_40, %swap3A_41], %broadcast_in_dim3A {strides = array<i32>} : memref<1x128xf32, #tpu.memory_space<vmem>>, vector<1x128xf32>,
    } else {
    }
    %ne3A = arith.constant 0 : i32
    %ne3A_36 = arith.cmpi ne, %arg0, %ne3A : i32
    %convert_element_type3A_37 = arith.extui %ne3A_36 : i1 to i32
    %cond3A_38 = arith.constant 0 : i32
    %cond3A_39 = arith.cmpi ne, %convert_element_type3A_37, %cond3A_38 : i32
    scf.if %cond3A_39 {
      %get3A_40 = arith.constant 0 : index
      %get3A_41 = arith.constant 0 : index
      %get3A_42 = vector.load %arg6[%get3A_40, %get3A_41] : memref<1x128xf32, #tpu.memory_space<vmem>>, vector<1x128xf32>
      %max3A_43 = arith.maximumf %get3A_42, %broadcast_in_dim3A : vector<1x128xf32>
      %swap3A_44 = arith.constant 0 : index
      %swap3A_45 = arith.constant 0 : index
      %swap3A_46 = vector.load %arg6[%swap3A_44, %swap3A_45] : memref<1x128xf32, #tpu.memory_space<vmem>>, vector<1x128xf32>
      tpu.vector_store %arg6[%swap3A_44, %swap3A_45], %max3A_43 {strides = array<i32>} : memref<1x128xf32, #tpu.memory_space<vmem>>, vector<1x128xf32>,
    } else {
    }
    return
  }
  func.func @transform_0(%arg0: i32) -> (i32, i32, i32) {
    %c0_i32 = arith.constant 0 : i32
    %c0_i32_0 = arith.constant 0 : i32
    %c0_i32_1 = arith.constant 0 : i32
    return %c0_i32, %arg0, %c0_i32_0 : i32, i32, i32
  }
  func.func @transform_1(%arg0: i32) -> (i32, i32, i32) {
    %c0_i32 = arith.constant 0 : i32
    %c0_i32_0 = arith.constant 0 : i32
    %c0_i32_1 = arith.constant 0 : i32
    return %c0_i32, %arg0, %c0_i32_0 : i32, i32, i32
  }
  func.func @transform_2(%arg0: i32) -> (i32, i32) {
    %c0_i32 = arith.constant 0 : i32
    %c0_i32_0 = arith.constant 0 : i32
    return %arg0, %c0_i32 : i32, i32
  }
  func.func @transform_3(%arg0: i32) -> (i32, i32) {
    %c0_i32 = arith.constant 0 : i32
    %c0_i32_0 = arith.constant 0 : i32
    %c0_i32_1 = arith.constant 0 : i32
    return %c0_i32, %c0_i32_0 : i32, i32
  }
  func.func @transform_4(%arg0: i32) -> (i32, i32) {
    %c0_i32 = arith.constant 0 : i32
    %c0_i32_0 = arith.constant 0 : i32
    return %arg0, %c0_i32 : i32, i32
  }
  func.func @transform_5(%arg0: i32) -> (i32, i32) {
    %c0_i32 = arith.constant 0 : i32
    %c0_i32_0 = arith.constant 0 : i32
    %c0_i32_1 = arith.constant 0 : i32
    return %c0_i32, %c0_i32_0 : i32, i32
  }
}

</mosaic_0001>

<sc_bundles>
// kernel: kernel.11.cloned.1.call-start
scs
__scs_entry_jumppad:
0x0: {  	(pc) =	sbr.rel $0x88, $3  }
0x1: {  	(tag) =	ssettag $0x0;
	lr =	simm.s32 $0x1  }
0x2: {  	[smem:$0x3F9B] =	sst lr;
	_ =	strace $0xD0000000  }
0x3: {  	_ = 	snop  }
0x4: {  	_ = 	snop  }
0x5: {  	_ = 	snop  }
0x6: {  	_ = 	snop  }
0x7: {  	_ = 	snop  }
__scs_overlays_trampoline_lowered:
0x8: {  	[smem:$0x3FAA] =	sst s0  }
0x9: {  	[smem:$0x3FAB] =	sst s1  }
0xa: {  	[smem:$0x3FAC] =	sst s2  }
0xb: {  	[smem:$0x3FAD] =	sst s3  }
0xc: {  	[smem:$0x3FAE] =	sst s4  }
0xd: {  	[smem:$0x3FAF] =	sst s5  }
0xe: {  	[smem:$0x3FB0] =	sst s6  }
0xf: {  	[smem:$0x3FB1] =	sst s7  }
0x10: {  	[smem:$0x3FB2] =	sst s8  }
0x11: {  	[smem:$0x3FB3] =	sst s9;
	s0 =	simm.s32 @!p0 $0x0  }
0x12: {  	s1 =	sld [smem:$0x3F99];
	s0 =	simm.s32 @p0 $0x1  }
0x13: {  	[smem:$0x3FB4] =	sst s0;
	s0 =	simm.s32 @!p1 $0x0  }
0x14: {  	s2 =	sld [smem:$0x3F98];
	s0 =	simm.s32 @p1 $0x1  }
0x15: {  	[smem:$0x3FB5] =	sst s0;
	s0 =	simm.s32 @!p2 $0x0  }
0x16: {  	s3 =	sld [smem:$0x3FDB];
	s0 =	simm.s32 @p2 $0x1  }
0x17: {  	s4 =	simm.s32 $0x1BF5;
	[smem:$0x3FB7] =	sst s0  }
0x18: {  	s0 =	sld [smem:$0x3F9A];
	_ =	swait.ge [sflag:s4], $0x0  }
0x19: {  	s7 =	sld [smem:$0x3F9B]  }
0x1a: {  	s8 =	sadd.s32 $0xFFFFE003, lr  }
0x1b: {  	s9 =	sadd.s32 $0xFFFFFEF7, lr;
	s5 =	simm.s32 $0xFFFFFFFF;
	p2 =	slt.u32 s8, $0xFFFFF086  }
0x1c: {  	p1 =	slt.u32 s9, $0xF7A;
	s5 =	simm.s32 @!p2 $0x0  }
0x1d: {  	s5 =	simm.s32 @p1 $0x1;
	p0 =	seq.s32 s7, s2  }
0x1e: {  	s7 =	smul.u32 @!p0 $0xF7A, s2;
	p2 =	seq.s32 @!p0 s5, $0x0  }
0x1f: {  	s9 =	smul.u32 $0xF7A, s1;
	s8 =	simm.s32 @!p0 $0x1BF5;
	p2 =	por !p2, p0  }
0x20: {  	[sflag:s8] =	ssyncset.s32 @!p0 $0xFFFFF086;
	s6 =	sadd.s32 @!p0 s3, s7;
	s7 =	simm.s32 @!p0 $0x108  }
0x21: {  	s3 =	sadd.s32 s3, s9;
	s6 =	sadd.s32 @!p0 $0x88, s6;
	s7 =	simm.s32 @p2 $0x1082  }
0x22: {  	[simem:s7], [sflag:s8] =	dma.local @!p0 [hbm:s6], $0xF7A  }
0x23: {  	s9 =	sor.u32 $0xD0000000, s2;
	s6 =	simm.s32 $0x108;
	_ =	swait.ge @!p0 [sflag:s8], $0x0  }
0x24: {  	s3 =	sadd.s32 $0x88, s3;
	s6 =	simm.s32 @!p1 $0x1082;
	[sflag:s4] =	ssyncset.s32 $0xFFFFF086  }
0x25: {  	[simem:s6], [sflag:s4] =	dma.local [hbm:s3], $0xF7A  }
0x26: {  	[smem:$0x3F9B] =	sst s1;
	(tag) =	ssettag s2;
	_ =	strace s9  }
0x27: {  	s1 =	sld [smem:$0x3FAB]  }
0x28: {  	s2 =	sld [smem:$0x3FAC]  }
0x29: {  	s4 =	sld [smem:$0x3FAE]  }
0x2a: {  	p0 =	seq.s32 s5, $0x0;
	s5 =	sld [smem:$0x3FAF]  }
0x2b: {  	s6 =	sld [smem:$0x3FB0]  }
0x2c: {  	s7 =	sld [smem:$0x3FB1]  }
0x2d: {  	s3 =	simm.s32 $0x108;
	s8 =	sld [smem:$0x3FB2]  }
0x2e: {  	s3 =	simm.s32 @!p0 $0x1082;
	s9 =	sld [smem:$0x3FB3]  }
0x2f: {  	lr =	sadd.s32 s0, s3;
	s0 =	sld [smem:$0x3FAA]  }
0x30: {  	s3 =	sld [smem:$0x3FAD]  }
0x31: {  	[smem:$0x3FB6] =	sst s10  }
0x32: {  	s10 =	sld [smem:$0x3FB4];
	_ =	sdelay $0x3  }
0x33: {  	p0 =	seq.s32 s10, $0x1;
	s10 =	sld [smem:$0x3FB6];
	_ =	sdelay $0x3  }
0x34: {  	[smem:$0x3FB6] =	sst s10  }
0x35: {  	s10 =	sld [smem:$0x3FB5];
	_ =	sdelay $0x3  }
0x36: {  	p1 =	seq.s32 s10, $0x1;
	s10 =	sld [smem:$0x3FB6];
	_ =	sdelay $0x3  }
0x37: {  	[smem:$0x3FB6] =	sst s10  }
0x38: {  	s10 =	sld [smem:$0x3FB7]  }
0x39: {  	_ = 	snop;
	(pc) =	sbr.ind lr, $3  }
0x3a: {  	_ = 	snop  }
0x3b: {  	_ = 	snop  }
0x3c: {  	p2 =	seq.s32 s10, $0x1;
	s10 =	sld [smem:$0x3FB6]  }
0x3d: {  	_ =	shalt  }
0x3e: {  	_ =	shalt  }
0x3f: {  	_ =	shalt  }
0x40: {  	_ =	shalt  }
0x41: {  	_ =	shalt  }
0x42: {  	_ =	shalt  }
0x43: {  	_ =	shalt  }
0x44: {  	_ =	shalt  }
0x45: {  	_ =	shalt  }
0x46: {  	_ =	shalt  }
0x47: {  	_ =	shalt  }
0x48: {  	_ =	shalt  }
0x49: {  	_ =	shalt  }
0x4a: {  	_ =	shalt  }
0x4b: {  	_ =	shalt  }
0x4c: {  	_ =	shalt  }
0x4d: {  	_ =	shalt  }
0x4e: {  	_ =	shalt  }
0x4f: {  	_ =	shalt  }
0x50: {  	_ =	shalt  }
0x51: {  	_ =	shalt  }
0x52: {  	_ =	shalt  }
0x53: {  	_ =	shalt  }
0x54: {  	_ =	shalt  }
0x55: {  	_ =	shalt  }
0x56: {  	_ =	shalt  }
0x57: {  	_ =	shalt  }
0x58: {  	_ =	shalt  }
0x59: {  	_ =	shalt  }
0x5a: {  	_ =	shalt  }
0x5b: {  	_ =	shalt  }
0x5c: {  	_ =	shalt  }
0x5d: {  	_ =	shalt  }
0x5e: {  	_ =	shalt  }
0x5f: {  	_ =	shalt  }
0x60: {  	_ =	shalt  }
0x61: {  	_ =	shalt  }
0x62: {  	_ =	shalt  }
0x63: {  	_ =	shalt  }
0x64: {  	_ =	shalt  }
0x65: {  	_ =	shalt  }
0x66: {  	_ =	shalt  }
0x67: {  	_ =	shalt  }
0x68: {  	_ =	shalt  }
0x69: {  	_ =	shalt  }
0x6a: {  	_ =	shalt  }
0x6b: {  	_ =	shalt  }
0x6c: {  	_ =	shalt  }
0x6d: {  	_ =	shalt  }
0x6e: {  	_ =	shalt  }
0x6f: {  	_ =	shalt  }
0x70: {  	_ =	shalt  }
0x71: {  	_ =	shalt  }
0x72: {  	_ =	shalt  }
0x73: {  	_ =	shalt  }
0x74: {  	_ =	shalt  }
0x75: {  	_ =	shalt  }
0x76: {  	_ =	shalt  }
0x77: {  	_ =	shalt  }
0x78: {  	_ =	shalt  }
0x79: {  	_ =	shalt  }
0x7a: {  	_ =	shalt  }
0x7b: {  	_ =	shalt  }
0x7c: {  	_ =	shalt  }
0x7d: {  	_ =	shalt  }
0x7e: {  	_ =	shalt  }
0x7f: {  	_ =	shalt  }
0x80: {  	_ =	shalt  }
0x81: {  	_ =	shalt  }
0x82: {  	_ =	shalt  }
0x83: {  	_ =	shalt  }
0x84: {  	_ =	shalt  }
0x85: {  	_ =	shalt  }
0x86: {  	_ =	shalt  }
0x87: {  	_ =	shalt  }
.Lfunc_end0:
.L_simem_size_0:
called_computation.1_lowered:
.L_overlay_start_0:
0x88: {  	s2 =	sld [smem:$0x3FD9]  }
0x89: {  	s3 =	sld [smem:$0x3FFE];
	_ =	sdelay $0x1  }
0x8a: {  	s1 =	srdreg.scid  }
0x8b: {  	s0 =	sand.u32 $0x1, s1  }
0x8c: {  	s14 =	sshll.u32 s0, $0xA;
	s2 =	sadd.s32 s3, s2  }
0x8d: {  	s2 =	sadd.s32 s2, s14  }
0x8e: {  	[smem:$0x3FC2] =	sst s2  }
0x8f: {  	_ = 	snop  }
0x90: {  	s2 =	sld [smem:$0x3FD0];
	_ =	sdelay $0x2  }
0x91: {  	s15 =	simm.s32 $0xA;
	s4 =	simm.s32 $0x10  }
0x92: {  	[smem:s4], [sflag:s15] =	dma.local [hbm:s2], $0x1  }
0x93: {  	_ =	swait.eq [sflag:s15], $0x1  }
0x94: {  	[sflag:s15] =	ssyncset.done $0x0  }
0x95: {  	[sflag:s15] =	ssyncadd.s32 $0xFFFFFFFF  }
0x96: {  	s16 =	sld [smem:$0x11];
	(tm) =	ssettm $0x1  }
0x97: {  	s17 =	sld [smem:$0x3FFB];
	_ =	sdelay $0x3  }
0x98: {  	_ =	strace s17  }
0x99: {  	s3 =	sld [smem:$0x3FFC];
	_ =	sdelay $0x3  }
0x9a: {  	_ =	strace s3  }
0x9b: {  	s3 =	sld [smem:$0x3FFD];
	_ =	sdelay $0x3  }
0x9c: {  	_ =	strace s3  }
0x9d: {  	_ =	strace $0x8FFFFFFF  }
0x9e: {  	s18 =	sld [smem:$0x3FDB];
	_ =	sdelay $0x1  }
0x9f: {  	s19 =	simm.s32 $_scs_section_size  }
0xa0: {  	s5 =	simm.s32 $_size__tile_overlayer_lowered;
	s6 =	simm.s32 $_tile_overlayer_lowered  }
0xa1: {  	s22 =	simm.s32 $0x1BFF;
	s21 =	sshll.u32 s6, $0x1;
	s3 =	sadd.s32 s19, s18  }
0xa2: {  	s7 =	simm.s32 $0x0;
	s20 =	sshll.u32 s5, $0x1;
	s5 =	sadd.s32 s21, s3  }
0xa3: {  	[timem:s7], [sflag:s22] =	dma.local [hbm:s5], s20  }
0xa4: {  	_ =	swait.ge [sflag:s22], s20  }
0xa5: {  	s4 =	ssub.s32 $0x0, s20;
	[sflag:s22] =	ssyncset.done $0x0  }
0xa6: {  	[sflag:s22] =	ssyncadd.s32 s4;
	_ =	sdelay $0x1  }
0xa7: {  	s23 =	simm.s32 $0x1B8B  }
0xa8: {  	_ =	swait.ge [sflag:s23], $0x1  }
0xa9: {  	[sflag:s23] =	ssyncset.done $0x0  }
0xaa: {  	s25 =	simm.s32 $0x1B8E;
	s24 =	sld [smem:$0x3FFE];
	[sflag:s23] =	ssyncadd.s32 $0xFFFFFFFF  }
0xab: {  	s26 =	simm.s32 $execute0_lowered;
	[smem:$0x3FD2] =	sst s25  }
0xac: {  	s5 =	sshll.u32 s26, $0x1;
	_ =	strace $0x80000049;
	[dreg:$0x1] =	wrdreg $0xFFFFFFFF  }
0xad: {  	s28 =	simm.s32 $_size_execute0_lowered;
	s3 =	sadd.s32 s3, s5;
	[dreg:$0x0] =	wrdreg $0x0  }
0xae: {  	s5 =	sshll.u32 s28, $0x1;
	[dreg:$0x2] =	wrdreg s3  }
0xaf: {  	[dreg:$0x3] =	wrdreg s5  }
0xb0: {  	[dreg:$0x4] =	wrdreg $0xC0  }
0xb1: {  	_ =	task [dreg:s7], $0x5FFFF  }
0xb2: {  	[dreg:$0x1] =	wrdreg $0xFFFFFFFF  }
0xb3: {  	[dreg:$0x0] =	wrdreg $0x60  }
0xb4: {  	[dreg:$0x2] =	wrdreg s24  }
0xb5: {  	[dreg:$0x3] =	wrdreg s16  }
0xb6: {  	[dreg:$0x4] =	wrdreg $0xBB800  }
0xb7: {  	[dreg:$0x5] =	wrdreg $0x9  }
0xb8: {  	_ =	task.clear_ibuf [dreg:s7], $0x6FFFF;
	_ =	strace $0x90000049  }
0xb9: {  	s29 =	simm.s32 $0x9;
	_ =	strace $0x8000004B  }
0xba: {  	_ =	swait.ge [sflag:s29], $0x1  }
0xbb: {  	[sflag:s29] =	ssyncadd.s32 $0xFFFFFFFF  }
0xbc: {  	_ =	strace $0x9000004B  }
0xbd: {  	_ =	sfence  }
0xbe: {  	s30 =	sld [smem:$0x0];
	_ =	sdelay $0x2  }
0xbf: {  	s31 =	sshll.u32 s1, $0xD;
	s1 =	sshrl.u32 s1, $0x2  }
0xc0: {  	s3 =	sand.u32 $0x4000, s31;
	s1 =	sadd.s32 s1, s30  }
0xc1: {  	s0 =	sor.u32 s3, s0;
	s1 =	sshll.u32 s1, $0x11  }
0xc2: {  	s0 =	sor.u32 s1, s0  }
0xc3: {  	s0 =	sadd.s32 $0x8F2B, s0  }
0xc4: {  	[sflag:s0] =	ssyncadd.remote.s32 $0x1  }
0xc5: {  	_ =	sfence.sel $0xFFFF  }
0xc6: {  	[dreg:$0x0] =	wrdreg $0xFFFFFFFF;
	(pc) =	sbr.abs _section_cstart, $3  }
0xc7: {  	[dreg:$0x1] =	wrdreg $0xFFFFFFFF  }
0xc8: {  	_ =	task.clear_ibuf [dreg:s7], $0x2FFFF;
	_ =	strace $0x9FFFFFFF  }
0xc9: {  	(tm) =	ssettm $0x7FFFFFFF  }
tec
execute0_lowered:
.L_overlay_start_1:
0x0: {  	(tag) =	ssettag $0x1  }
0x1: {  	s0 =	srdreg.scid  }
0x2: {  	s12 =	stileid.u32;
	s1 =	rddreg [dreg:$0x0]  }
0x3: {  	s7 =	rddreg [dreg:$0x1];
	s14 =	simm.s32 $0x32;
	s15 =	simm.s32 $0x5780  }
0x4: {  	s16 =	simm.s32 $0x38;
	s17 =	simm.s32 $0x7080;
	s18 =	simm.s32 $0x70  }
0x5: {  	s19 =	simm.s32 $0x8980;
	s20 =	simm.s32 $0xA8;
	s21 =	simm.s32 $0xA280  }
0x6: {  	s22 =	simm.s32 $0x1;
	s23 =	simm.s32 $0x2;
	s24 =	simm.s32 $0x3  }
0x7: {  	s28 =	simm.s32 $0x56D8;
	s29 =	simm.s32 $0x5710;
	s30 =	simm.s32 $0x5748  }
0x8: {  	s31 =	simm.s32 $0x0;
	s0 =	sand.u32 $0x1, s0;
	s2 =	sshll.u32 s12, $0x1  }
0x9: {  	s5 =	smul.u32 $0x13900, s12;
	s4 =	sadd.s32 $0x88C00, s1;
	s25 =	sshll.u32 s12, $0x6  }
0xa: {  	s12 =	simm.s32 $0x5;
	s3 =	sor.u32 s0, s2;
	s6 =	smul.u32 $0x139000, s0  }
0xb: {  	s2 =	rddreg [dreg:$0x2];
	s0 =	ssub.s32 $0x2, s0;
	s8 =	smul.u32 $0x578, s3  }
0xc: {  	s3 =	simm.s32 $0x0;
	s10 =	sshrl.u32 s5, $0x3;
	s11 =	sshrl.u32 s0, $0x1  }
0xd: {  	s26 =	sadd.s32 s5, s2;
	[smem:$0x7FF] =	sst s3;
	s6 =	sadd.s32 s5, s6  }
0xe: {  	s10 =	sadd.s32 s10, s1;
	s0 =	ssub.s32 s0, s11;
	s11 =	sshrl.u32 s26, $0x3  }
0xf: {  	s26 =	simm.s32 $0x56A0;
	_ =	strace $0x8000004A;
	s9 =	sadd.s32 s8, s1  }
0x10: {  	s6 =	sshrl.u32 s6, $0x3;
	s5 =	sadd.s32 $0xAFE00, s10;
	s7 =	sadd.s32 s7, s8  }
0x11: {  	s10 =	smax.u32 s0, $0x1;
	s1 =	sadd.s32 s6, s1;
	s6 =	sor.u32 $0x1C05, s25  }
0x12: {  	s8 =	sadd.s32 $0x2F800, s9;
	s25 =	simm.s32 $0x4;
	s9 =	sadd.s32 $0xD7000, s1  }
.LBB2_1:
0x13: {  	[spmem:s11], [sflag:s6] =	dma.local [hbm:s5], $0x2720  }
0x14: {  	_ =	swait.ge [sflag:s12], $0x2720  }
0x15: {  	[sflag:s12] =	ssyncset.done $0x0  }
0x16: {  	[sflag:s12] =	ssyncadd.s32 $0xFFFFD8E0  }
0x17: {  	[tilespmem:s3], [sflag:$0x5] =	stream.linear.gather [hbm4b:s7+s3], $0x2BC0, $0x38;
	[tilespmem:$0x1F480] =	vst v63  }
0x18: {  	_ =	swait.ge [sflag:s12], $0x2BC0  }
0x19: {  	[sflag:s12] =	ssyncset.done $0x0  }
0x1a: {  	s0 =	simm.s32 $0x2BC0;
	[sflag:s12] =	ssyncadd.s32 $0xFFFFD440  }
0x1b: {  	[tilespmem:s0], [sflag:$0x5] =	stream.linear.gather [hbm4b:s8+s3], $0x2BC0, $0x38;
	[tilespmem:$0x1F480] =	vst v63  }
0x1c: {  	_ =	swait.ge [sflag:s12], $0x2BC0  }
0x1d: {  	[sflag:s12] =	ssyncset.done $0x0  }
0x1e: {  	[sflag:s12] =	ssyncadd.s32 $0xFFFFD440  }
0x1f: {  	[bflag:$0x0] =	sbarrier.arrive $0xFFFF  }
0x20: {  	[tilespmem:s15], [sflag:$0x1] =	stream.indirect.gather [hbm4b:s4+s14], $0x80, s3, s14, $0xb8;
	[tilespmem:$0x1F480] =	vst v63  }
0x21: {  	_ = 	snop  }
0x22: {  	[tilespmem:s17], [sflag:$0x2] =	stream.indirect.gather [hbm4b:s4+s14], $0x80, s16, s14, $0xb8;
	[tilespmem:$0x1F480] =	vst v63  }
0x23: {  	_ = 	snop  }
0x24: {  	[tilespmem:s19], [sflag:$0x3] =	stream.indirect.gather [hbm4b:s4+s14], $0x80, s18, s14, $0xb8;
	[tilespmem:$0x1F480] =	vst v63  }
0x25: {  	_ = 	snop  }
0x26: {  	[tilespmem:s21], [sflag:$0x4] =	stream.indirect.gather [hbm4b:s4+s14], $0x80, s20, s14, $0xb8;
	[tilespmem:$0x1F480] =	vst v63  }
0x27: {  	_ =	swait.ge [sflag:s22], $0x1900  }
0x28: {  	[sflag:s22] =	ssyncset.done $0x0  }
0x29: {  	s13 =	simm.s32 $0x2BC0;
	[sflag:s22] =	ssyncadd.s32 $0xFFFFE700  }
0x2a: {  	[spmem:s2] =	stream.indirect.scatter.add.f32 [tilespmem:s15], [sflag:$0x5], $0x80, s13, s14, $0xb8;
	[tilespmem:$0x1F480] =	vst v63  }
0x2b: {  	_ =	swait.ge [sflag:s12], $0x1900  }
0x2c: {  	[sflag:s12] =	ssyncset.done $0x0  }
0x2d: {  	s1 =	simm.s32 $0xE0;
	[sflag:s12] =	ssyncadd.s32 $0xFFFFE700  }
0x2e: {  	[tilespmem:s15], [sflag:$0x1] =	stream.indirect.gather [hbm4b:s4+s14], $0x80, s1, s14, $0xb8;
	[tilespmem:$0x1F480] =	vst v63  }
0x2f: {  	_ =	swait.ge [sflag:s23], $0x1900  }
0x30: {  	[sflag:s23] =	ssyncset.done $0x0  }
0x31: {  	s13 =	simm.s32 $0x2BF8;
	[sflag:s23] =	ssyncadd.s32 $0xFFFFE700  }
0x32: {  	[spmem:s2] =	stream.indirect.scatter.add.f32 [tilespmem:s17], [sflag:$0x5], $0x80, s13, s14, $0xb8;
	[tilespmem:$0x1F480] =	vst v63  }
0x33: {  	_ =	swait.ge [sflag:s12], $0x1900  }
0x34: {  	[sflag:s12] =	ssyncset.done $0x0  }
0x35: {  	s1 =	simm.s32 $0x118;
	[sflag:s12] =	ssyncadd.s32 $0xFFFFE700  }
0x36: {  	[tilespmem:s17], [sflag:$0x2] =	stream.indirect.gather [hbm4b:s4+s14], $0x80, s1, s14, $0xb8;
	[tilespmem:$0x1F480] =	vst v63  }
0x37: {  	_ =	swait.ge [sflag:s24], $0x1900  }
0x38: {  	[sflag:s24] =	ssyncset.done $0x0  }
0x39: {  	s13 =	simm.s32 $0x2C30;
	[sflag:s24] =	ssyncadd.s32 $0xFFFFE700  }
0x3a: {  	[spmem:s2] =	stream.indirect.scatter.add.f32 [tilespmem:s19], [sflag:$0x5], $0x80, s13, s14, $0xb8;
	[tilespmem:$0x1F480] =	vst v63  }
0x3b: {  	_ =	swait.ge [sflag:s12], $0x1900  }
0x3c: {  	[sflag:s12] =	ssyncset.done $0x0  }
0x3d: {  	s1 =	simm.s32 $0x150;
	[sflag:s12] =	ssyncadd.s32 $0xFFFFE700  }
0x3e: {  	[tilespmem:s19], [sflag:$0x3] =	stream.indirect.gather [hbm4b:s4+s14], $0x80, s1, s14, $0xb8;
	[tilespmem:$0x1F480] =	vst v63  }
0x3f: {  	_ =	swait.ge [sflag:s25], $0x1900  }
0x40: {  	[sflag:s25] =	ssyncset.done $0x0  }
0x41: {  	s13 =	simm.s32 $0x2C68;
	[sflag:s25] =	ssyncadd.s32 $0xFFFFE700  }
0x42: {  	[spmem:s2] =	stream.indirect.scatter.add.f32 [tilespmem:s21], [sflag:$0x5], $0x80, s13, s14, $0xb8;
	[tilespmem:$0x1F480] =	vst v63  }
0x43: {  	_ =	swait.ge [sflag:s12], $0x1900  }
0x44: {  	[sflag:s12] =	ssyncset.done $0x0  }
0x45: {  	s0 =	simm.s32 $0x188;
	s1 =	simm.s32 $0x380;
	[sflag:s12] =	ssyncadd.s32 $0xFFFFE700  }
.LBB2_2:
0x46: {  	[tilespmem:s21], [sflag:$0x4] =	stream.indirect.gather [hbm4b:s4+s14], $0x80, s0, s14, $0xb8;
	[tilespmem:$0x1F480] =	vst v63  }
0x47: {  	s0 =	smov.u32 s1  }
0x48: {  	p0 =	sne.s32 s1, $0xA800;
	s1 =	sadd.s32 $0x380, s1;
	_ =	swait.ge [sflag:s22], $0x1900  }
0x49: {  	s0 =	sshra.s32 s0, $0x2;
	[sflag:s22] =	ssyncset.done $0x0  }
0x4a: {  	s13 =	sadd.s32 $0x2BC0, s0;
	[sflag:s22] =	ssyncadd.s32 $0xFFFFE700  }
0x4b: {  	[spmem:s2] =	stream.indirect.scatter.add.f32 [tilespmem:s15], [sflag:$0x5], $0x80, s13, s14, $0xb8;
	[tilespmem:$0x1F480] =	vst v63  }
0x4c: {  	_ =	swait.ge [sflag:s12], $0x1900  }
0x4d: {  	[sflag:s12] =	ssyncset.done $0x0  }
0x4e: {  	s13 =	sadd.s32 $0xE0, s0;
	[sflag:s12] =	ssyncadd.s32 $0xFFFFE700  }
0x4f: {  	[tilespmem:s15], [sflag:$0x1] =	stream.indirect.gather [hbm4b:s4+s14], $0x80, s13, s14, $0xb8;
	[tilespmem:$0x1F480] =	vst v63  }
0x50: {  	_ =	swait.ge [sflag:s23], $0x1900  }
0x51: {  	[sflag:s23] =	ssyncset.done $0x0  }
0x52: {  	s13 =	sadd.s32 $0x2BF8, s0;
	[sflag:s23] =	ssyncadd.s32 $0xFFFFE700  }
0x53: {  	[spmem:s2] =	stream.indirect.scatter.add.f32 [tilespmem:s17], [sflag:$0x5], $0x80, s13, s14, $0xb8;
	[tilespmem:$0x1F480] =	vst v63  }
0x54: {  	_ =	swait.ge [sflag:s12], $0x1900  }
0x55: {  	[sflag:s12] =	ssyncset.done $0x0  }
0x56: {  	s13 =	sadd.s32 $0x118, s0;
	[sflag:s12] =	ssyncadd.s32 $0xFFFFE700  }
0x57: {  	[tilespmem:s17], [sflag:$0x2] =	stream.indirect.gather [hbm4b:s4+s14], $0x80, s13, s14, $0xb8;
	[tilespmem:$0x1F480] =	vst v63  }
0x58: {  	_ =	swait.ge [sflag:s24], $0x1900  }
0x59: {  	[sflag:s24] =	ssyncset.done $0x0  }
0x5a: {  	s13 =	sadd.s32 $0x2C30, s0;
	[sflag:s24] =	ssyncadd.s32 $0xFFFFE700  }
0x5b: {  	[spmem:s2] =	stream.indirect.scatter.add.f32 [tilespmem:s19], [sflag:$0x5], $0x80, s13, s14, $0xb8;
	[tilespmem:$0x1F480] =	vst v63  }
0x5c: {  	_ =	swait.ge [sflag:s12], $0x1900  }
0x5d: {  	[sflag:s12] =	ssyncset.done $0x0  }
0x5e: {  	s13 =	sadd.s32 $0x150, s0;
	[sflag:s12] =	ssyncadd.s32 $0xFFFFE700  }
0x5f: {  	[tilespmem:s19], [sflag:$0x3] =	stream.indirect.gather [hbm4b:s4+s14], $0x80, s13, s14, $0xb8;
	[tilespmem:$0x1F480] =	vst v63  }
0x60: {  	_ =	swait.ge [sflag:s25], $0x1900  }
0x61: {  	[sflag:s25] =	ssyncset.done $0x0  }
.Ltmp0:
0x62: {  	s13 =	sadd.s32 $0x2C68, s0;
	[sflag:s25] =	ssyncadd.s32 $0xFFFFE700;
	(pc) =	sbr.rel @p0 .LBB2_2-.Ltmp0, $4  }
0x63: {  	[spmem:s2] =	stream.indirect.scatter.add.f32 [tilespmem:s21], [sflag:$0x5], $0x80, s13, s14, $0xb8;
	[tilespmem:$0x1F480] =	vst v63  }
0x64: {  	_ =	swait.ge [sflag:s12], $0x1900  }
0x65: {  	[sflag:s12] =	ssyncset.done $0x0  }
0x66: {  	s0 =	sadd.s32 $0x188, s0;
	[sflag:s12] =	ssyncadd.s32 $0xFFFFE700  }
0x67: {  	[tilespmem:s21], [sflag:$0x4] =	stream.indirect.gather [hbm4b:s4+s14], $0x80, s0, s14, $0xb8;
	[tilespmem:$0x1F480] =	vst v63  }
0x68: {  	_ =	swait.ge [sflag:s22], $0x1900  }
0x69: {  	[sflag:s22] =	ssyncset.done $0x0  }
0x6a: {  	[sflag:s22] =	ssyncadd.s32 $0xFFFFE700  }
0x6b: {  	[spmem:s2] =	stream.indirect.scatter.add.f32 [tilespmem:s15], [sflag:$0x5], $0x80, s26, s14, $0xb8;
	[tilespmem:$0x1F480] =	vst v63  }
0x6c: {  	_ =	swait.ge [sflag:s12], $0x1900  }
0x6d: {  	[sflag:s12] =	ssyncset.done $0x0  }
0x6e: {  	[sflag:s12] =	ssyncadd.s32 $0xFFFFE700  }
0x6f: {  	_ =	swait.ge [sflag:s23], $0x1900  }
0x70: {  	[sflag:s23] =	ssyncset.done $0x0  }
0x71: {  	[sflag:s23] =	ssyncadd.s32 $0xFFFFE700  }
0x72: {  	[spmem:s2] =	stream.indirect.scatter.add.f32 [tilespmem:s17], [sflag:$0x5], $0x80, s28, s14, $0xb8;
	[tilespmem:$0x1F480] =	vst v63  }
0x73: {  	_ =	swait.ge [sflag:s12], $0x1900  }
0x74: {  	[sflag:s12] =	ssyncset.done $0x0  }
0x75: {  	[sflag:s12] =	ssyncadd.s32 $0xFFFFE700  }
0x76: {  	_ =	swait.ge [sflag:s24], $0x1900  }
0x77: {  	[sflag:s24] =	ssyncset.done $0x0  }
0x78: {  	[sflag:s24] =	ssyncadd.s32 $0xFFFFE700  }
0x79: {  	[spmem:s2] =	stream.indirect.scatter.add.f32 [tilespmem:s19], [sflag:$0x5], $0x80, s29, s14, $0xb8;
	[tilespmem:$0x1F480] =	vst v63  }
0x7a: {  	_ =	swait.ge [sflag:s12], $0x1900  }
0x7b: {  	[sflag:s12] =	ssyncset.done $0x0  }
0x7c: {  	[sflag:s12] =	ssyncadd.s32 $0xFFFFE700  }
0x7d: {  	_ =	swait.ge [sflag:s25], $0x1900  }
0x7e: {  	[sflag:s25] =	ssyncset.done $0x0  }
0x7f: {  	[sflag:s25] =	ssyncadd.s32 $0xFFFFE700  }
0x80: {  	[spmem:s2] =	stream.indirect.scatter.add.f32 [tilespmem:s21], [sflag:$0x5], $0x80, s30, s14, $0xb8;
	[tilespmem:$0x1F480] =	vst v63  }
0x81: {  	_ =	swait.ge [sflag:s12], $0x1900  }
0x82: {  	s31 =	sadd.s32 $0x1, s31;
	[sflag:s12] =	ssyncset.done $0x0  }
0x83: {  	p0 =	sne.s32 s31, s10;
	[sflag:s12] =	ssyncadd.s32 $0xFFFFE700  }
.Ltmp1:
0x84: {  	[bflag:$0x0] =	sbarrier.arrive $0xFFFF;
	(pc) =	sbr.rel @p0 .LBB2_1-.Ltmp1, $4  }
0x85: {  	[hbm:s9], [sflag:s6] =	dma.local [spmem:s11], $0x2720  }
0x86: {  	_ =	swait.ge [sflag:s12], $0x2720  }
0x87: {  	[sflag:s12] =	ssyncset.done $0x0  }
0x88: {  	[sflag:s12] =	ssyncadd.s32 $0xFFFFD8E0  }
0x89: {  	_ =	sfence.sel $0x180000  }
0x8a: {  	[bflag:$0x0] =	sbarrier.arrive $0xFFFF  }
0x8b: {  	_ =	strace $0x9000004A  }
0x8c: {  	s0 =	stileid.u32;
	[bflag:$0x2] =	sbarrier.arrive $0xFFFF  }
0x8d: {  	p0 =	sne.s32 s0, $0x0;
	s0 =	rddreg [dreg:$0x3]  }
0x8e: {  	s0 =	sadd.s32 @!p0 $0x100000, s0  }
0x8f: {  	[sflag:s0] =	ssyncadd.tile.s32 @!p0 $0x1;
	_ =	shalt  }
.Lfunc_end2:
_tile_overlayer_lowered:
.L_overlay_start_2:
0x90: {  	(tag) =	ssettag $0x2  }
0x91: {  	s0 =	rddreg [dreg:$0x0];
	s2 =	stileid.u32  }
0x92: {  	s1 =	rddreg [dreg:$0x1];
	p0 =	sne.s32 s2, $0x0  }
0x93: {  	s3 =	rddreg [dreg:$0x2];
	[bflag:$0x3] =	sbarrier.arrive $0xFFFF;
	s2 =	simm.s32 @!p0 $0x1C05  }
0x94: {  	[timem:s3], [sflag:s2] =	dma.local @!p0 [hbm:s0], s1  }
0x95: {  	s0 =	simm.s32 @!p0 $0x5  }
0x96: {  	_ =	swait.ge @!p0 [sflag:s0], s1  }
0x97: {  	s1 =	ssub.s32 @!p0 $0x0, s1;
	[sflag:s0] =	ssyncset.done @!p0 $0x0  }
0x98: {  	[sflag:s0] =	ssyncadd.s32 @!p0 s1  }
0x99: {  	[bflag:$0x3] =	sbarrier.arrive $0xFFFF  }
0x9a: {  	_ =	shalt  }

// kernel: kernel.14.cloned.1.call-start
scs
__scs_entry_jumppad:
0x0: {  	(pc) =	sbr.rel $0x88, $3  }
0x1: {  	(tag) =	ssettag $0x0;
	lr =	simm.s32 $0x1  }
0x2: {  	[smem:$0x3F9B] =	sst lr;
	_ =	strace $0xD0000000  }
0x3: {  	_ = 	snop  }
0x4: {  	_ = 	snop  }
0x5: {  	_ = 	snop  }
0x6: {  	_ = 	snop  }
0x7: {  	_ = 	snop  }
__scs_overlays_trampoline_lowered:
0x8: {  	[smem:$0x3FAA] =	sst s0  }
0x9: {  	[smem:$0x3FAB] =	sst s1  }
0xa: {  	[smem:$0x3FAC] =	sst s2  }
0xb: {  	[smem:$0x3FAD] =	sst s3  }
0xc: {  	[smem:$0x3FAE] =	sst s4  }
0xd: {  	[smem:$0x3FAF] =	sst s5  }
0xe: {  	[smem:$0x3FB0] =	sst s6  }
0xf: {  	[smem:$0x3FB1] =	sst s7  }
0x10: {  	[smem:$0x3FB2] =	sst s8  }
0x11: {  	[smem:$0x3FB3] =	sst s9;
	s0 =	simm.s32 @!p0 $0x0  }
0x12: {  	s1 =	sld [smem:$0x3F99];
	s0 =	simm.s32 @p0 $0x1  }
0x13: {  	[smem:$0x3FB4] =	sst s0;
	s0 =	simm.s32 @!p1 $0x0  }
0x14: {  	s2 =	sld [smem:$0x3F98];
	s0 =	simm.s32 @p1 $0x1  }
0x15: {  	[smem:$0x3FB5] =	sst s0;
	s0 =	simm.s32 @!p2 $0x0  }
0x16: {  	s3 =	sld [smem:$0x3FDB];
	s0 =	simm.s32 @p2 $0x1  }
0x17: {  	s4 =	simm.s32 $0x1BF5;
	[smem:$0x3FB7] =	sst s0  }
0x18: {  	s0 =	sld [smem:$0x3F9A];
	_ =	swait.ge [sflag:s4], $0x0  }
0x19: {  	s7 =	sld [smem:$0x3F9B]  }
0x1a: {  	s8 =	sadd.s32 $0xFFFFE003, lr  }
0x1b: {  	s9 =	sadd.s32 $0xFFFFFEF7, lr;
	s5 =	simm.s32 $0xFFFFFFFF;
	p2 =	slt.u32 s8, $0xFFFFF086  }
0x1c: {  	p1 =	slt.u32 s9, $0xF7A;
	s5 =	simm.s32 @!p2 $0x0  }
0x1d: {  	s5 =	simm.s32 @p1 $0x1;
	p0 =	seq.s32 s7, s2  }
0x1e: {  	s7 =	smul.u32 @!p0 $0xF7A, s2;
	p2 =	seq.s32 @!p0 s5, $0x0  }
0x1f: {  	s9 =	smul.u32 $0xF7A, s1;
	s8 =	simm.s32 @!p0 $0x1BF5;
	p2 =	por !p2, p0  }
0x20: {  	[sflag:s8] =	ssyncset.s32 @!p0 $0xFFFFF086;
	s6 =	sadd.s32 @!p0 s3, s7;
	s7 =	simm.s32 @!p0 $0x108  }
0x21: {  	s3 =	sadd.s32 s3, s9;
	s6 =	sadd.s32 @!p0 $0x88, s6;
	s7 =	simm.s32 @p2 $0x1082  }
0x22: {  	[simem:s7], [sflag:s8] =	dma.local @!p0 [hbm:s6], $0xF7A  }
0x23: {  	s9 =	sor.u32 $0xD0000000, s2;
	s6 =	simm.s32 $0x108;
	_ =	swait.ge @!p0 [sflag:s8], $0x0  }
0x24: {  	s3 =	sadd.s32 $0x88, s3;
	s6 =	simm.s32 @!p1 $0x1082;
	[sflag:s4] =	ssyncset.s32 $0xFFFFF086  }
0x25: {  	[simem:s6], [sflag:s4] =	dma.local [hbm:s3], $0xF7A  }
0x26: {  	[smem:$0x3F9B] =	sst s1;
	(tag) =	ssettag s2;
	_ =	strace s9  }
0x27: {  	s1 =	sld [smem:$0x3FAB]  }
0x28: {  	s2 =	sld [smem:$0x3FAC]  }
0x29: {  	s4 =	sld [smem:$0x3FAE]  }
0x2a: {  	p0 =	seq.s32 s5, $0x0;
	s5 =	sld [smem:$0x3FAF]  }
0x2b: {  	s6 =	sld [smem:$0x3FB0]  }
0x2c: {  	s7 =	sld [smem:$0x3FB1]  }
0x2d: {  	s3 =	simm.s32 $0x108;
	s8 =	sld [smem:$0x3FB2]  }
0x2e: {  	s3 =	simm.s32 @!p0 $0x1082;
	s9 =	sld [smem:$0x3FB3]  }
0x2f: {  	lr =	sadd.s32 s0, s3;
	s0 =	sld [smem:$0x3FAA]  }
0x30: {  	s3 =	sld [smem:$0x3FAD]  }
0x31: {  	[smem:$0x3FB6] =	sst s10  }
0x32: {  	s10 =	sld [smem:$0x3FB4];
	_ =	sdelay $0x3  }
0x33: {  	p0 =	seq.s32 s10, $0x1;
	s10 =	sld [smem:$0x3FB6];
	_ =	sdelay $0x3  }
0x34: {  	[smem:$0x3FB6] =	sst s10  }
0x35: {  	s10 =	sld [smem:$0x3FB5];
	_ =	sdelay $0x3  }
0x36: {  	p1 =	seq.s32 s10, $0x1;
	s10 =	sld [smem:$0x3FB6];
	_ =	sdelay $0x3  }
0x37: {  	[smem:$0x3FB6] =	sst s10  }
0x38: {  	s10 =	sld [smem:$0x3FB7]  }
0x39: {  	_ = 	snop;
	(pc) =	sbr.ind lr, $3  }
0x3a: {  	_ = 	snop  }
0x3b: {  	_ = 	snop  }
0x3c: {  	p2 =	seq.s32 s10, $0x1;
	s10 =	sld [smem:$0x3FB6]  }
0x3d: {  	_ =	shalt  }
0x3e: {  	_ =	shalt  }
0x3f: {  	_ =	shalt  }
0x40: {  	_ =	shalt  }
0x41: {  	_ =	shalt  }
0x42: {  	_ =	shalt  }
0x43: {  	_ =	shalt  }
0x44: {  	_ =	shalt  }
0x45: {  	_ =	shalt  }
0x46: {  	_ =	shalt  }
0x47: {  	_ =	shalt  }
0x48: {  	_ =	shalt  }
0x49: {  	_ =	shalt  }
0x4a: {  	_ =	shalt  }
0x4b: {  	_ =	shalt  }
0x4c: {  	_ =	shalt  }
0x4d: {  	_ =	shalt  }
0x4e: {  	_ =	shalt  }
0x4f: {  	_ =	shalt  }
0x50: {  	_ =	shalt  }
0x51: {  	_ =	shalt  }
0x52: {  	_ =	shalt  }
0x53: {  	_ =	shalt  }
0x54: {  	_ =	shalt  }
0x55: {  	_ =	shalt  }
0x56: {  	_ =	shalt  }
0x57: {  	_ =	shalt  }
0x58: {  	_ =	shalt  }
0x59: {  	_ =	shalt  }
0x5a: {  	_ =	shalt  }
0x5b: {  	_ =	shalt  }
0x5c: {  	_ =	shalt  }
0x5d: {  	_ =	shalt  }
0x5e: {  	_ =	shalt  }
0x5f: {  	_ =	shalt  }
0x60: {  	_ =	shalt  }
0x61: {  	_ =	shalt  }
0x62: {  	_ =	shalt  }
0x63: {  	_ =	shalt  }
0x64: {  	_ =	shalt  }
0x65: {  	_ =	shalt  }
0x66: {  	_ =	shalt  }
0x67: {  	_ =	shalt  }
0x68: {  	_ =	shalt  }
0x69: {  	_ =	shalt  }
0x6a: {  	_ =	shalt  }
0x6b: {  	_ =	shalt  }
0x6c: {  	_ =	shalt  }
0x6d: {  	_ =	shalt  }
0x6e: {  	_ =	shalt  }
0x6f: {  	_ =	shalt  }
0x70: {  	_ =	shalt  }
0x71: {  	_ =	shalt  }
0x72: {  	_ =	shalt  }
0x73: {  	_ =	shalt  }
0x74: {  	_ =	shalt  }
0x75: {  	_ =	shalt  }
0x76: {  	_ =	shalt  }
0x77: {  	_ =	shalt  }
0x78: {  	_ =	shalt  }
0x79: {  	_ =	shalt  }
0x7a: {  	_ =	shalt  }
0x7b: {  	_ =	shalt  }
0x7c: {  	_ =	shalt  }
0x7d: {  	_ =	shalt  }
0x7e: {  	_ =	shalt  }
0x7f: {  	_ =	shalt  }
0x80: {  	_ =	shalt  }
0x81: {  	_ =	shalt  }
0x82: {  	_ =	shalt  }
0x83: {  	_ =	shalt  }
0x84: {  	_ =	shalt  }
0x85: {  	_ =	shalt  }
0x86: {  	_ =	shalt  }
0x87: {  	_ =	shalt  }
.Lfunc_end0:
.L_simem_size_0:
called_computation.2_lowered:
.L_overlay_start_0:
0x88: {  	s2 =	sld [smem:$0x3FD9]  }
0x89: {  	s3 =	sld [smem:$0x3FFE];
	_ =	sdelay $0x1  }
0x8a: {  	s1 =	srdreg.scid  }
0x8b: {  	s0 =	sand.u32 $0x1, s1  }
0x8c: {  	s14 =	sshll.u32 s0, $0xA;
	s2 =	sadd.s32 s3, s2  }
0x8d: {  	s2 =	sadd.s32 s2, s14  }
0x8e: {  	[smem:$0x3FC2] =	sst s2  }
0x8f: {  	_ = 	snop  }
0x90: {  	s2 =	sld [smem:$0x3FD0];
	_ =	sdelay $0x2  }
0x91: {  	s15 =	simm.s32 $0xA;
	s4 =	simm.s32 $0x10  }
0x92: {  	[smem:s4], [sflag:s15] =	dma.local [hbm:s2], $0x1  }
0x93: {  	_ =	swait.eq [sflag:s15], $0x1  }
0x94: {  	[sflag:s15] =	ssyncset.done $0x0  }
0x95: {  	[sflag:s15] =	ssyncadd.s32 $0xFFFFFFFF  }
0x96: {  	s16 =	sld [smem:$0x11];
	(tm) =	ssettm $0x1  }
0x97: {  	s17 =	sld [smem:$0x3FFB];
	_ =	sdelay $0x3  }
0x98: {  	_ =	strace s17  }
0x99: {  	s3 =	sld [smem:$0x3FFC];
	_ =	sdelay $0x3  }
0x9a: {  	_ =	strace s3  }
0x9b: {  	s3 =	sld [smem:$0x3FFD];
	_ =	sdelay $0x3  }
0x9c: {  	_ =	strace s3  }
0x9d: {  	_ =	strace $0x8FFFFFFF  }
0x9e: {  	s18 =	sld [smem:$0x3FDB];
	_ =	sdelay $0x1  }
0x9f: {  	s19 =	simm.s32 $_scs_section_size  }
0xa0: {  	s5 =	simm.s32 $_size__tile_overlayer_lowered;
	s6 =	simm.s32 $_tile_overlayer_lowered  }
0xa1: {  	s22 =	simm.s32 $0x1BFF;
	s21 =	sshll.u32 s6, $0x1;
	s3 =	sadd.s32 s19, s18  }
0xa2: {  	s7 =	simm.s32 $0x0;
	s20 =	sshll.u32 s5, $0x1;
	s5 =	sadd.s32 s21, s3  }
0xa3: {  	[timem:s7], [sflag:s22] =	dma.local [hbm:s5], s20  }
0xa4: {  	_ =	swait.ge [sflag:s22], s20  }
0xa5: {  	s4 =	ssub.s32 $0x0, s20;
	[sflag:s22] =	ssyncset.done $0x0  }
0xa6: {  	[sflag:s22] =	ssyncadd.s32 s4;
	_ =	sdelay $0x1  }
0xa7: {  	s23 =	simm.s32 $0x1B8B  }
0xa8: {  	_ =	swait.ge [sflag:s23], $0x1  }
0xa9: {  	[sflag:s23] =	ssyncset.done $0x0  }
0xaa: {  	s25 =	simm.s32 $0x1B8E;
	s24 =	sld [smem:$0x3FFE];
	[sflag:s23] =	ssyncadd.s32 $0xFFFFFFFF  }
0xab: {  	s26 =	simm.s32 $execute0_lowered;
	[smem:$0x3FD2] =	sst s25  }
0xac: {  	s5 =	sshll.u32 s26, $0x1;
	_ =	strace $0x8000004C;
	[dreg:$0x1] =	wrdreg $0xFFFFFFFF  }
0xad: {  	s28 =	simm.s32 $_size_execute0_lowered;
	s3 =	sadd.s32 s3, s5;
	[dreg:$0x0] =	wrdreg $0x0  }
0xae: {  	s5 =	sshll.u32 s28, $0x1;
	[dreg:$0x2] =	wrdreg s3  }
0xaf: {  	[dreg:$0x3] =	wrdreg s5  }
0xb0: {  	[dreg:$0x4] =	wrdreg $0xC0  }
0xb1: {  	_ =	task [dreg:s7], $0x5FFFF  }
0xb2: {  	[dreg:$0x1] =	wrdreg $0xFFFFFFFF  }
0xb3: {  	[dreg:$0x0] =	wrdreg $0x60  }
0xb4: {  	[dreg:$0x2] =	wrdreg s16  }
0xb5: {  	[dreg:$0x3] =	wrdreg s24  }
0xb6: {  	[dreg:$0x4] =	wrdreg $0xB5400  }
0xb7: {  	[dreg:$0x5] =	wrdreg $0x9  }
0xb8: {  	_ =	task.clear_ibuf [dreg:s7], $0x6FFFF;
	_ =	strace $0x9000004C  }
0xb9: {  	s29 =	simm.s32 $0x9;
	_ =	strace $0x8000004E  }
0xba: {  	_ =	swait.ge [sflag:s29], $0x1  }
0xbb: {  	[sflag:s29] =	ssyncadd.s32 $0xFFFFFFFF  }
0xbc: {  	_ =	strace $0x9000004E  }
0xbd: {  	_ =	sfence  }
0xbe: {  	s30 =	sld [smem:$0x0];
	_ =	sdelay $0x2  }
0xbf: {  	s31 =	sshll.u32 s1, $0xD;
	s1 =	sshrl.u32 s1, $0x2  }
0xc0: {  	s3 =	sand.u32 $0x4000, s31;
	s1 =	sadd.s32 s1, s30  }
0xc1: {  	s0 =	sor.u32 s3, s0;
	s1 =	sshll.u32 s1, $0x11  }
0xc2: {  	s0 =	sor.u32 s1, s0  }
0xc3: {  	s0 =	sadd.s32 $0x8F2B, s0  }
0xc4: {  	[sflag:s0] =	ssyncadd.remote.s32 $0x1  }
0xc5: {  	_ =	sfence.sel $0xFFFF  }
0xc6: {  	[dreg:$0x0] =	wrdreg $0xFFFFFFFF;
	(pc) =	sbr.abs _section_cstart, $3  }
0xc7: {  	[dreg:$0x1] =	wrdreg $0xFFFFFFFF  }
0xc8: {  	_ =	task.clear_ibuf [dreg:s7], $0x2FFFF;
	_ =	strace $0x9FFFFFFF  }
0xc9: {  	(tm) =	ssettm $0x7FFFFFFF  }
tec
execute0_lowered:
.L_overlay_start_1:
0x0: {  	(tag) =	ssettag $0x1  }
0x1: {  	s1 =	rddreg [dreg:$0x0]  }
0x2: {  	s0 =	srdreg.scid;
	s5 =	rddreg [dreg:$0x1]  }
0x3: {  	s11 =	stileid.u32;
	s3 =	rddreg [dreg:$0x2]  }
0x4: {  	s4 =	simm.s32 $0x0;
	s12 =	simm.s32 $0x5;
	s14 =	simm.s32 $0x64  }
0x5: {  	s15 =	simm.s32 $0x5140;
	s16 =	simm.s32 $0x68;
	s17 =	simm.s32 $0x6A40  }
0x6: {  	s18 =	simm.s32 $0xD0;
	s19 =	simm.s32 $0x8340;
	s20 =	simm.s32 $0x138  }
0x7: {  	s21 =	simm.s32 $0x9C40;
	s22 =	simm.s32 $0x1;
	s23 =	simm.s32 $0x2  }
0x8: {  	s24 =	simm.s32 $0x3;
	s28 =	simm.s32 $0x5008;
	s29 =	simm.s32 $0x5070  }
0x9: {  	s30 =	simm.s32 $0x50D8;
	s31 =	simm.s32 $0x0;
	s0 =	sand.u32 $0x1, s0  }
0xa: {  	s2 =	sshll.u32 s11, $0x1;
	s6 =	smul.u32 $0x9C80, s11;
	[smem:$0x7FF] =	sst s4  }
0xb: {  	s25 =	sshll.u32 s11, $0x6;
	s2 =	sor.u32 s0, s2;
	s7 =	smul.u32 $0x9C800, s0  }
0xc: {  	_ =	strace $0x8000004D;
	s0 =	ssub.s32 $0x2, s0;
	s2 =	smul.u32 $0x514, s2  }
0xd: {  	s8 =	sshrl.u32 s6, $0x3;
	s9 =	sshrl.u32 s0, $0x1;
	s26 =	sadd.s32 s6, s3  }
0xe: {  	s7 =	sadd.s32 s6, s7;
	s8 =	sadd.s32 s8, s5;
	s0 =	ssub.s32 s0, s9  }
0xf: {  	s6 =	sor.u32 $0x1C05, s25;
	s11 =	sshrl.u32 s26, $0x3;
	s25 =	simm.s32 $0x4  }
0x10: {  	s26 =	simm.s32 $0x4FA0;
	s2 =	sadd.s32 s2, s5;
	s7 =	sshrl.u32 s7, $0x3  }
0x11: {  	s10 =	sadd.s32 s7, s5;
	s5 =	sadd.s32 $0x16A00, s8;
	s7 =	sadd.s32 $0xC600, s2  }
0x12: {  	s8 =	sadd.s32 $0x2200, s2;
	s9 =	sadd.s32 $0x2A400, s10;
	s10 =	smax.u32 s0, $0x1  }
.LBB2_1:
0x13: {  	[spmem:s11], [sflag:s6] =	dma.local [hbm:s5], $0x1390  }
0x14: {  	_ =	swait.ge [sflag:s12], $0x1390  }
0x15: {  	[sflag:s12] =	ssyncset.done $0x0  }
0x16: {  	[sflag:s12] =	ssyncadd.s32 $0xFFFFEC70  }
0x17: {  	[tilespmem:s4], [sflag:$0x5] =	stream.linear.gather [hbm4b:s7+s4], $0x28A0, $0x38;
	[tilespmem:$0x151C0] =	vst v63  }
0x18: {  	_ =	swait.ge [sflag:s12], $0x28A0  }
0x19: {  	[sflag:s12] =	ssyncset.done $0x0  }
0x1a: {  	s0 =	simm.s32 $0x28A0;
	[sflag:s12] =	ssyncadd.s32 $0xFFFFD760  }
0x1b: {  	[tilespmem:s0], [sflag:$0x5] =	stream.linear.gather [hbm4b:s8+s4], $0x28A0, $0x38;
	[tilespmem:$0x151C0] =	vst v63  }
0x1c: {  	_ =	swait.ge [sflag:s12], $0x28A0  }
0x1d: {  	[sflag:s12] =	ssyncset.done $0x0  }
0x1e: {  	[sflag:s12] =	ssyncadd.s32 $0xFFFFD760  }
0x1f: {  	[bflag:$0x0] =	sbarrier.arrive $0xFFFF  }
0x20: {  	[tilespmem:s15], [sflag:$0x1] =	stream.indirect.gather [hbm4b:s1+s14], $0x40, s4, s14, $0xb8;
	[tilespmem:$0x151C0] =	vst v63  }
0x21: {  	_ = 	snop  }
0x22: {  	[tilespmem:s17], [sflag:$0x2] =	stream.indirect.gather [hbm4b:s1+s14], $0x40, s16, s14, $0xb8;
	[tilespmem:$0x151C0] =	vst v63  }
0x23: {  	_ = 	snop  }
0x24: {  	[tilespmem:s19], [sflag:$0x3] =	stream.indirect.gather [hbm4b:s1+s14], $0x40, s18, s14, $0xb8;
	[tilespmem:$0x151C0] =	vst v63  }
0x25: {  	_ = 	snop  }
0x26: {  	[tilespmem:s21], [sflag:$0x4] =	stream.indirect.gather [hbm4b:s1+s14], $0x40, s20, s14, $0xb8;
	[tilespmem:$0x151C0] =	vst v63  }
0x27: {  	_ =	swait.ge [sflag:s22], $0x1900  }
0x28: {  	[sflag:s22] =	ssyncset.done $0x0  }
0x29: {  	s13 =	simm.s32 $0x28A0;
	[sflag:s22] =	ssyncadd.s32 $0xFFFFE700  }
0x2a: {  	[spmem:s3] =	stream.indirect.scatter.add.f32 [tilespmem:s15], [sflag:$0x5], $0x40, s13, s14, $0xb8;
	[tilespmem:$0x151C0] =	vst v63  }
0x2b: {  	_ =	swait.ge [sflag:s12], $0x1900  }
0x2c: {  	[sflag:s12] =	ssyncset.done $0x0  }
0x2d: {  	s2 =	simm.s32 $0x1A0;
	[sflag:s12] =	ssyncadd.s32 $0xFFFFE700  }
0x2e: {  	[tilespmem:s15], [sflag:$0x1] =	stream.indirect.gather [hbm4b:s1+s14], $0x40, s2, s14, $0xb8;
	[tilespmem:$0x151C0] =	vst v63  }
0x2f: {  	_ =	swait.ge [sflag:s23], $0x1900  }
0x30: {  	[sflag:s23] =	ssyncset.done $0x0  }
0x31: {  	s13 =	simm.s32 $0x2908;
	[sflag:s23] =	ssyncadd.s32 $0xFFFFE700  }
0x32: {  	[spmem:s3] =	stream.indirect.scatter.add.f32 [tilespmem:s17], [sflag:$0x5], $0x40, s13, s14, $0xb8;
	[tilespmem:$0x151C0] =	vst v63  }
0x33: {  	_ =	swait.ge [sflag:s12], $0x1900  }
0x34: {  	[sflag:s12] =	ssyncset.done $0x0  }
0x35: {  	s2 =	simm.s32 $0x208;
	[sflag:s12] =	ssyncadd.s32 $0xFFFFE700  }
0x36: {  	[tilespmem:s17], [sflag:$0x2] =	stream.indirect.gather [hbm4b:s1+s14], $0x40, s2, s14, $0xb8;
	[tilespmem:$0x151C0] =	vst v63  }
0x37: {  	_ =	swait.ge [sflag:s24], $0x1900  }
0x38: {  	[sflag:s24] =	ssyncset.done $0x0  }
0x39: {  	s13 =	simm.s32 $0x2970;
	[sflag:s24] =	ssyncadd.s32 $0xFFFFE700  }
0x3a: {  	[spmem:s3] =	stream.indirect.scatter.add.f32 [tilespmem:s19], [sflag:$0x5], $0x40, s13, s14, $0xb8;
	[tilespmem:$0x151C0] =	vst v63  }
0x3b: {  	_ =	swait.ge [sflag:s12], $0x1900  }
0x3c: {  	[sflag:s12] =	ssyncset.done $0x0  }
0x3d: {  	s2 =	simm.s32 $0x270;
	[sflag:s12] =	ssyncadd.s32 $0xFFFFE700  }
0x3e: {  	[tilespmem:s19], [sflag:$0x3] =	stream.indirect.gather [hbm4b:s1+s14], $0x40, s2, s14, $0xb8;
	[tilespmem:$0x151C0] =	vst v63  }
0x3f: {  	_ =	swait.ge [sflag:s25], $0x1900  }
0x40: {  	[sflag:s25] =	ssyncset.done $0x0  }
0x41: {  	s13 =	simm.s32 $0x29D8;
	[sflag:s25] =	ssyncadd.s32 $0xFFFFE700  }
0x42: {  	[spmem:s3] =	stream.indirect.scatter.add.f32 [tilespmem:s21], [sflag:$0x5], $0x40, s13, s14, $0xb8;
	[tilespmem:$0x151C0] =	vst v63  }
0x43: {  	_ =	swait.ge [sflag:s12], $0x1900  }
0x44: {  	[sflag:s12] =	ssyncset.done $0x0  }
0x45: {  	s0 =	simm.s32 $0x2D8;
	s2 =	simm.s32 $0x680;
	[sflag:s12] =	ssyncadd.s32 $0xFFFFE700  }
.LBB2_2:
0x46: {  	[tilespmem:s21], [sflag:$0x4] =	stream.indirect.gather [hbm4b:s1+s14], $0x40, s0, s14, $0xb8;
	[tilespmem:$0x151C0] =	vst v63  }
0x47: {  	s0 =	smov.u32 s2  }
0x48: {  	p0 =	sne.s32 s2, $0x9580;
	s2 =	sadd.s32 $0x680, s2;
	_ =	swait.ge [sflag:s22], $0x1900  }
0x49: {  	s0 =	sshra.s32 s0, $0x2;
	[sflag:s22] =	ssyncset.done $0x0  }
0x4a: {  	s13 =	sadd.s32 $0x28A0, s0;
	[sflag:s22] =	ssyncadd.s32 $0xFFFFE700  }
0x4b: {  	[spmem:s3] =	stream.indirect.scatter.add.f32 [tilespmem:s15], [sflag:$0x5], $0x40, s13, s14, $0xb8;
	[tilespmem:$0x151C0] =	vst v63  }
0x4c: {  	_ =	swait.ge [sflag:s12], $0x1900  }
0x4d: {  	[sflag:s12] =	ssyncset.done $0x0  }
0x4e: {  	s13 =	sadd.s32 $0x1A0, s0;
	[sflag:s12] =	ssyncadd.s32 $0xFFFFE700  }
0x4f: {  	[tilespmem:s15], [sflag:$0x1] =	stream.indirect.gather [hbm4b:s1+s14], $0x40, s13, s14, $0xb8;
	[tilespmem:$0x151C0] =	vst v63  }
0x50: {  	_ =	swait.ge [sflag:s23], $0x1900  }
0x51: {  	[sflag:s23] =	ssyncset.done $0x0  }
0x52: {  	s13 =	sadd.s32 $0x2908, s0;
	[sflag:s23] =	ssyncadd.s32 $0xFFFFE700  }
0x53: {  	[spmem:s3] =	stream.indirect.scatter.add.f32 [tilespmem:s17], [sflag:$0x5], $0x40, s13, s14, $0xb8;
	[tilespmem:$0x151C0] =	vst v63  }
0x54: {  	_ =	swait.ge [sflag:s12], $0x1900  }
0x55: {  	[sflag:s12] =	ssyncset.done $0x0  }
0x56: {  	s13 =	sadd.s32 $0x208, s0;
	[sflag:s12] =	ssyncadd.s32 $0xFFFFE700  }
0x57: {  	[tilespmem:s17], [sflag:$0x2] =	stream.indirect.gather [hbm4b:s1+s14], $0x40, s13, s14, $0xb8;
	[tilespmem:$0x151C0] =	vst v63  }
0x58: {  	_ =	swait.ge [sflag:s24], $0x1900  }
0x59: {  	[sflag:s24] =	ssyncset.done $0x0  }
0x5a: {  	s13 =	sadd.s32 $0x2970, s0;
	[sflag:s24] =	ssyncadd.s32 $0xFFFFE700  }
0x5b: {  	[spmem:s3] =	stream.indirect.scatter.add.f32 [tilespmem:s19], [sflag:$0x5], $0x40, s13, s14, $0xb8;
	[tilespmem:$0x151C0] =	vst v63  }
0x5c: {  	_ =	swait.ge [sflag:s12], $0x1900  }
0x5d: {  	[sflag:s12] =	ssyncset.done $0x0  }
0x5e: {  	s13 =	sadd.s32 $0x270, s0;
	[sflag:s12] =	ssyncadd.s32 $0xFFFFE700  }
0x5f: {  	[tilespmem:s19], [sflag:$0x3] =	stream.indirect.gather [hbm4b:s1+s14], $0x40, s13, s14, $0xb8;
	[tilespmem:$0x151C0] =	vst v63  }
0x60: {  	_ =	swait.ge [sflag:s25], $0x1900  }
0x61: {  	[sflag:s25] =	ssyncset.done $0x0  }
.Ltmp0:
0x62: {  	s13 =	sadd.s32 $0x29D8, s0;
	[sflag:s25] =	ssyncadd.s32 $0xFFFFE700;
	(pc) =	sbr.rel @p0 .LBB2_2-.Ltmp0, $4  }
0x63: {  	[spmem:s3] =	stream.indirect.scatter.add.f32 [tilespmem:s21], [sflag:$0x5], $0x40, s13, s14, $0xb8;
	[tilespmem:$0x151C0] =	vst v63  }
0x64: {  	_ =	swait.ge [sflag:s12], $0x1900  }
0x65: {  	[sflag:s12] =	ssyncset.done $0x0  }
0x66: {  	s0 =	sadd.s32 $0x2D8, s0;
	[sflag:s12] =	ssyncadd.s32 $0xFFFFE700  }
0x67: {  	[tilespmem:s21], [sflag:$0x4] =	stream.indirect.gather [hbm4b:s1+s14], $0x40, s0, s14, $0xb8;
	[tilespmem:$0x151C0] =	vst v63  }
0x68: {  	_ =	swait.ge [sflag:s22], $0x1900  }
0x69: {  	[sflag:s22] =	ssyncset.done $0x0  }
0x6a: {  	[sflag:s22] =	ssyncadd.s32 $0xFFFFE700  }
0x6b: {  	[spmem:s3] =	stream.indirect.scatter.add.f32 [tilespmem:s15], [sflag:$0x5], $0x40, s26, s14, $0xb8;
	[tilespmem:$0x151C0] =	vst v63  }
0x6c: {  	_ =	swait.ge [sflag:s12], $0x1900  }
0x6d: {  	[sflag:s12] =	ssyncset.done $0x0  }
0x6e: {  	[sflag:s12] =	ssyncadd.s32 $0xFFFFE700  }
0x6f: {  	_ =	swait.ge [sflag:s23], $0x1900  }
0x70: {  	[sflag:s23] =	ssyncset.done $0x0  }
0x71: {  	[sflag:s23] =	ssyncadd.s32 $0xFFFFE700  }
0x72: {  	[spmem:s3] =	stream.indirect.scatter.add.f32 [tilespmem:s17], [sflag:$0x5], $0x40, s28, s14, $0xb8;
	[tilespmem:$0x151C0] =	vst v63  }
0x73: {  	_ =	swait.ge [sflag:s12], $0x1900  }
0x74: {  	[sflag:s12] =	ssyncset.done $0x0  }
0x75: {  	[sflag:s12] =	ssyncadd.s32 $0xFFFFE700  }
0x76: {  	_ =	swait.ge [sflag:s24], $0x1900  }
0x77: {  	[sflag:s24] =	ssyncset.done $0x0  }
0x78: {  	[sflag:s24] =	ssyncadd.s32 $0xFFFFE700  }
0x79: {  	[spmem:s3] =	stream.indirect.scatter.add.f32 [tilespmem:s19], [sflag:$0x5], $0x40, s29, s14, $0xb8;
	[tilespmem:$0x151C0] =	vst v63  }
0x7a: {  	_ =	swait.ge [sflag:s12], $0x1900  }
0x7b: {  	[sflag:s12] =	ssyncset.done $0x0  }
0x7c: {  	[sflag:s12] =	ssyncadd.s32 $0xFFFFE700  }
0x7d: {  	_ =	swait.ge [sflag:s25], $0x1900  }
0x7e: {  	[sflag:s25] =	ssyncset.done $0x0  }
0x7f: {  	[sflag:s25] =	ssyncadd.s32 $0xFFFFE700  }
0x80: {  	[spmem:s3] =	stream.indirect.scatter.add.f32 [tilespmem:s21], [sflag:$0x5], $0x40, s30, s14, $0xb8;
	[tilespmem:$0x151C0] =	vst v63  }
0x81: {  	_ =	swait.ge [sflag:s12], $0x1900  }
0x82: {  	s31 =	sadd.s32 $0x1, s31;
	[sflag:s12] =	ssyncset.done $0x0  }
0x83: {  	p0 =	sne.s32 s31, s10;
	[sflag:s12] =	ssyncadd.s32 $0xFFFFE700  }
.Ltmp1:
0x84: {  	[bflag:$0x0] =	sbarrier.arrive $0xFFFF;
	(pc) =	sbr.rel @p0 .LBB2_1-.Ltmp1, $4  }
0x85: {  	[hbm:s9], [sflag:s6] =	dma.local [spmem:s11], $0x1390  }
0x86: {  	_ =	swait.ge [sflag:s12], $0x1390  }
0x87: {  	[sflag:s12] =	ssyncset.done $0x0  }
0x88: {  	[sflag:s12] =	ssyncadd.s32 $0xFFFFEC70  }
0x89: {  	_ =	sfence.sel $0x180000  }
0x8a: {  	[bflag:$0x0] =	sbarrier.arrive $0xFFFF  }
0x8b: {  	_ =	strace $0x9000004D  }
0x8c: {  	s0 =	stileid.u32;
	[bflag:$0x2] =	sbarrier.arrive $0xFFFF  }
0x8d: {  	p0 =	sne.s32 s0, $0x0;
	s0 =	rddreg [dreg:$0x3]  }
0x8e: {  	s0 =	sadd.s32 @!p0 $0x100000, s0  }
0x8f: {  	[sflag:s0] =	ssyncadd.tile.s32 @!p0 $0x1;
	_ =	shalt  }
.Lfunc_end2:
_tile_overlayer_lowered:
.L_overlay_start_2:
0x90: {  	(tag) =	ssettag $0x2  }
0x91: {  	s0 =	rddreg [dreg:$0x0];
	s2 =	stileid.u32  }
0x92: {  	s1 =	rddreg [dreg:$0x1];
	p0 =	sne.s32 s2, $0x0  }
0x93: {  	s3 =	rddreg [dreg:$0x2];
	[bflag:$0x3] =	sbarrier.arrive $0xFFFF;
	s2 =	simm.s32 @!p0 $0x1C05  }
0x94: {  	[timem:s3], [sflag:s2] =	dma.local @!p0 [hbm:s0], s1  }
0x95: {  	s0 =	simm.s32 @!p0 $0x5  }
0x96: {  	_ =	swait.ge @!p0 [sflag:s0], s1  }
0x97: {  	s1 =	ssub.s32 @!p0 $0x0, s1;
	[sflag:s0] =	ssyncset.done @!p0 $0x0  }
0x98: {  	[sflag:s0] =	ssyncadd.s32 @!p0 s1  }
0x99: {  	[bflag:$0x3] =	sbarrier.arrive $0xFFFF  }
0x9a: {  	_ =	shalt  }

// kernel: kernel.8.cloned.1.call-start
scs
__scs_entry_jumppad:
0x0: {  	(pc) =	sbr.rel $0x88, $3  }
0x1: {  	(tag) =	ssettag $0x0;
	lr =	simm.s32 $0x1  }
0x2: {  	[smem:$0x3F9B] =	sst lr;
	_ =	strace $0xD0000000  }
0x3: {  	_ = 	snop  }
0x4: {  	_ = 	snop  }
0x5: {  	_ = 	snop  }
0x6: {  	_ = 	snop  }
0x7: {  	_ = 	snop  }
__scs_overlays_trampoline_lowered:
0x8: {  	[smem:$0x3FAA] =	sst s0  }
0x9: {  	[smem:$0x3FAB] =	sst s1  }
0xa: {  	[smem:$0x3FAC] =	sst s2  }
0xb: {  	[smem:$0x3FAD] =	sst s3  }
0xc: {  	[smem:$0x3FAE] =	sst s4  }
0xd: {  	[smem:$0x3FAF] =	sst s5  }
0xe: {  	[smem:$0x3FB0] =	sst s6  }
0xf: {  	[smem:$0x3FB1] =	sst s7  }
0x10: {  	[smem:$0x3FB2] =	sst s8  }
0x11: {  	[smem:$0x3FB3] =	sst s9;
	s0 =	simm.s32 @!p0 $0x0  }
0x12: {  	s1 =	sld [smem:$0x3F99];
	s0 =	simm.s32 @p0 $0x1  }
0x13: {  	[smem:$0x3FB4] =	sst s0;
	s0 =	simm.s32 @!p1 $0x0  }
0x14: {  	s2 =	sld [smem:$0x3F98];
	s0 =	simm.s32 @p1 $0x1  }
0x15: {  	[smem:$0x3FB5] =	sst s0;
	s0 =	simm.s32 @!p2 $0x0  }
0x16: {  	s3 =	sld [smem:$0x3FDB];
	s0 =	simm.s32 @p2 $0x1  }
0x17: {  	s4 =	simm.s32 $0x1BF5;
	[smem:$0x3FB7] =	sst s0  }
0x18: {  	s0 =	sld [smem:$0x3F9A];
	_ =	swait.ge [sflag:s4], $0x0  }
0x19: {  	s7 =	sld [smem:$0x3F9B]  }
0x1a: {  	s8 =	sadd.s32 $0xFFFFE003, lr  }
0x1b: {  	s9 =	sadd.s32 $0xFFFFFEF7, lr;
	s5 =	simm.s32 $0xFFFFFFFF;
	p2 =	slt.u32 s8, $0xFFFFF086  }
0x1c: {  	p1 =	slt.u32 s9, $0xF7A;
	s5 =	simm.s32 @!p2 $0x0  }
0x1d: {  	s5 =	simm.s32 @p1 $0x1;
	p0 =	seq.s32 s7, s2  }
0x1e: {  	s7 =	smul.u32 @!p0 $0xF7A, s2;
	p2 =	seq.s32 @!p0 s5, $0x0  }
0x1f: {  	s9 =	smul.u32 $0xF7A, s1;
	s8 =	simm.s32 @!p0 $0x1BF5;
	p2 =	por !p2, p0  }
0x20: {  	[sflag:s8] =	ssyncset.s32 @!p0 $0xFFFFF086;
	s6 =	sadd.s32 @!p0 s3, s7;
	s7 =	simm.s32 @!p0 $0x108  }
0x21: {  	s3 =	sadd.s32 s3, s9;
	s6 =	sadd.s32 @!p0 $0x88, s6;
	s7 =	simm.s32 @p2 $0x1082  }
0x22: {  	[simem:s7], [sflag:s8] =	dma.local @!p0 [hbm:s6], $0xF7A  }
0x23: {  	s9 =	sor.u32 $0xD0000000, s2;
	s6 =	simm.s32 $0x108;
	_ =	swait.ge @!p0 [sflag:s8], $0x0  }
0x24: {  	s3 =	sadd.s32 $0x88, s3;
	s6 =	simm.s32 @!p1 $0x1082;
	[sflag:s4] =	ssyncset.s32 $0xFFFFF086  }
0x25: {  	[simem:s6], [sflag:s4] =	dma.local [hbm:s3], $0xF7A  }
0x26: {  	[smem:$0x3F9B] =	sst s1;
	(tag) =	ssettag s2;
	_ =	strace s9  }
0x27: {  	s1 =	sld [smem:$0x3FAB]  }
0x28: {  	s2 =	sld [smem:$0x3FAC]  }
0x29: {  	s4 =	sld [smem:$0x3FAE]  }
0x2a: {  	p0 =	seq.s32 s5, $0x0;
	s5 =	sld [smem:$0x3FAF]  }
0x2b: {  	s6 =	sld [smem:$0x3FB0]  }
0x2c: {  	s7 =	sld [smem:$0x3FB1]  }
0x2d: {  	s3 =	simm.s32 $0x108;
	s8 =	sld [smem:$0x3FB2]  }
0x2e: {  	s3 =	simm.s32 @!p0 $0x1082;
	s9 =	sld [smem:$0x3FB3]  }
0x2f: {  	lr =	sadd.s32 s0, s3;
	s0 =	sld [smem:$0x3FAA]  }
0x30: {  	s3 =	sld [smem:$0x3FAD]  }
0x31: {  	[smem:$0x3FB6] =	sst s10  }
0x32: {  	s10 =	sld [smem:$0x3FB4];
	_ =	sdelay $0x3  }
0x33: {  	p0 =	seq.s32 s10, $0x1;
	s10 =	sld [smem:$0x3FB6];
	_ =	sdelay $0x3  }
0x34: {  	[smem:$0x3FB6] =	sst s10  }
0x35: {  	s10 =	sld [smem:$0x3FB5];
	_ =	sdelay $0x3  }
0x36: {  	p1 =	seq.s32 s10, $0x1;
	s10 =	sld [smem:$0x3FB6];
	_ =	sdelay $0x3  }
0x37: {  	[smem:$0x3FB6] =	sst s10  }
0x38: {  	s10 =	sld [smem:$0x3FB7]  }
0x39: {  	_ = 	snop;
	(pc) =	sbr.ind lr, $3  }
0x3a: {  	_ = 	snop  }
0x3b: {  	_ = 	snop  }
0x3c: {  	p2 =	seq.s32 s10, $0x1;
	s10 =	sld [smem:$0x3FB6]  }
0x3d: {  	_ =	shalt  }
0x3e: {  	_ =	shalt  }
0x3f: {  	_ =	shalt  }
0x40: {  	_ =	shalt  }
0x41: {  	_ =	shalt  }
0x42: {  	_ =	shalt  }
0x43: {  	_ =	shalt  }
0x44: {  	_ =	shalt  }
0x45: {  	_ =	shalt  }
0x46: {  	_ =	shalt  }
0x47: {  	_ =	shalt  }
0x48: {  	_ =	shalt  }
0x49: {  	_ =	shalt  }
0x4a: {  	_ =	shalt  }
0x4b: {  	_ =	shalt  }
0x4c: {  	_ =	shalt  }
0x4d: {  	_ =	shalt  }
0x4e: {  	_ =	shalt  }
0x4f: {  	_ =	shalt  }
0x50: {  	_ =	shalt  }
0x51: {  	_ =	shalt  }
0x52: {  	_ =	shalt  }
0x53: {  	_ =	shalt  }
0x54: {  	_ =	shalt  }
0x55: {  	_ =	shalt  }
0x56: {  	_ =	shalt  }
0x57: {  	_ =	shalt  }
0x58: {  	_ =	shalt  }
0x59: {  	_ =	shalt  }
0x5a: {  	_ =	shalt  }
0x5b: {  	_ =	shalt  }
0x5c: {  	_ =	shalt  }
0x5d: {  	_ =	shalt  }
0x5e: {  	_ =	shalt  }
0x5f: {  	_ =	shalt  }
0x60: {  	_ =	shalt  }
0x61: {  	_ =	shalt  }
0x62: {  	_ =	shalt  }
0x63: {  	_ =	shalt  }
0x64: {  	_ =	shalt  }
0x65: {  	_ =	shalt  }
0x66: {  	_ =	shalt  }
0x67: {  	_ =	shalt  }
0x68: {  	_ =	shalt  }
0x69: {  	_ =	shalt  }
0x6a: {  	_ =	shalt  }
0x6b: {  	_ =	shalt  }
0x6c: {  	_ =	shalt  }
0x6d: {  	_ =	shalt  }
0x6e: {  	_ =	shalt  }
0x6f: {  	_ =	shalt  }
0x70: {  	_ =	shalt  }
0x71: {  	_ =	shalt  }
0x72: {  	_ =	shalt  }
0x73: {  	_ =	shalt  }
0x74: {  	_ =	shalt  }
0x75: {  	_ =	shalt  }
0x76: {  	_ =	shalt  }
0x77: {  	_ =	shalt  }
0x78: {  	_ =	shalt  }
0x79: {  	_ =	shalt  }
0x7a: {  	_ =	shalt  }
0x7b: {  	_ =	shalt  }
0x7c: {  	_ =	shalt  }
0x7d: {  	_ =	shalt  }
0x7e: {  	_ =	shalt  }
0x7f: {  	_ =	shalt  }
0x80: {  	_ =	shalt  }
0x81: {  	_ =	shalt  }
0x82: {  	_ =	shalt  }
0x83: {  	_ =	shalt  }
0x84: {  	_ =	shalt  }
0x85: {  	_ =	shalt  }
0x86: {  	_ =	shalt  }
0x87: {  	_ =	shalt  }
.Lfunc_end0:
.L_simem_size_0:
called_computation_lowered:
.L_overlay_start_0:
0x88: {  	s2 =	sld [smem:$0x3FD9]  }
0x89: {  	s3 =	sld [smem:$0x3FFE];
	_ =	sdelay $0x1  }
0x8a: {  	s1 =	srdreg.scid  }
0x8b: {  	s0 =	sand.u32 $0x1, s1  }
0x8c: {  	s16 =	sshll.u32 s0, $0xA;
	s2 =	sadd.s32 s3, s2  }
0x8d: {  	s2 =	sadd.s32 s2, s16  }
0x8e: {  	[smem:$0x3FC2] =	sst s2  }
0x8f: {  	_ = 	snop  }
0x90: {  	(tm) =	ssettm $0x1  }
0x91: {  	s17 =	sld [smem:$0x3FFB];
	_ =	sdelay $0x3  }
0x92: {  	_ =	strace s17  }
0x93: {  	s2 =	sld [smem:$0x3FFC];
	_ =	sdelay $0x3  }
0x94: {  	_ =	strace s2  }
0x95: {  	s2 =	sld [smem:$0x3FFD];
	_ =	sdelay $0x3  }
0x96: {  	_ =	strace s2  }
0x97: {  	_ =	strace $0x8FFFFFFF  }
0x98: {  	s18 =	sld [smem:$0x3FDB];
	_ =	sdelay $0x1  }
0x99: {  	s19 =	simm.s32 $_scs_section_size  }
0x9a: {  	s4 =	simm.s32 $_size__tile_overlayer_lowered;
	s5 =	simm.s32 $_tile_overlayer_lowered  }
0x9b: {  	s22 =	simm.s32 $0x1BFF;
	s21 =	sshll.u32 s5, $0x1;
	s2 =	sadd.s32 s19, s18  }
0x9c: {  	s6 =	simm.s32 $0x0;
	s20 =	sshll.u32 s4, $0x1;
	s4 =	sadd.s32 s21, s2  }
0x9d: {  	[timem:s6], [sflag:s22] =	dma.local [hbm:s4], s20  }
0x9e: {  	_ =	swait.ge [sflag:s22], s20  }
0x9f: {  	s3 =	ssub.s32 $0x0, s20;
	[sflag:s22] =	ssyncset.done $0x0  }
0xa0: {  	[sflag:s22] =	ssyncadd.s32 s3;
	_ =	sdelay $0x1  }
0xa1: {  	s23 =	simm.s32 $0x1B8B  }
0xa2: {  	_ =	swait.ge [sflag:s23], $0x1  }
0xa3: {  	[sflag:s23] =	ssyncset.done $0x0  }
0xa4: {  	s25 =	simm.s32 $0x1B8E;
	s24 =	sld [smem:$0x3FFE];
	[sflag:s23] =	ssyncadd.s32 $0xFFFFFFFF  }
0xa5: {  	s26 =	simm.s32 $execute0_lowered;
	[smem:$0x3FD2] =	sst s25  }
0xa6: {  	s4 =	sshll.u32 s26, $0x1;
	_ =	strace $0x80000046;
	[dreg:$0x1] =	wrdreg $0xFFFFFFFF  }
0xa7: {  	s28 =	simm.s32 $_size_execute0_lowered;
	s2 =	sadd.s32 s2, s4;
	[dreg:$0x0] =	wrdreg $0x0  }
0xa8: {  	s4 =	sshll.u32 s28, $0x1;
	[dreg:$0x2] =	wrdreg s2  }
0xa9: {  	[dreg:$0x3] =	wrdreg s4  }
0xaa: {  	[dreg:$0x4] =	wrdreg $0xC0  }
0xab: {  	_ =	task [dreg:s6], $0x5FFFF  }
0xac: {  	[dreg:$0x1] =	wrdreg $0xFFFFFFFF  }
0xad: {  	[dreg:$0x0] =	wrdreg $0x60  }
0xae: {  	[dreg:$0x2] =	wrdreg s24  }
0xaf: {  	[dreg:$0x3] =	wrdreg $0x57800  }
0xb0: {  	[dreg:$0x4] =	wrdreg $0x9  }
0xb1: {  	_ =	task.clear_ibuf [dreg:s6], $0x5FFFF;
	_ =	strace $0x90000046  }
0xb2: {  	s29 =	simm.s32 $0x9;
	_ =	strace $0x80000048  }
0xb3: {  	_ =	swait.ge [sflag:s29], $0x1  }
0xb4: {  	[sflag:s29] =	ssyncadd.s32 $0xFFFFFFFF  }
0xb5: {  	_ =	strace $0x90000048  }
0xb6: {  	_ =	sfence  }
0xb7: {  	s30 =	sld [smem:$0x0];
	_ =	sdelay $0x2  }
0xb8: {  	s31 =	sshll.u32 s1, $0xD;
	s1 =	sshrl.u32 s1, $0x2  }
0xb9: {  	s3 =	sand.u32 $0x4000, s31;
	s1 =	sadd.s32 s1, s30  }
0xba: {  	s0 =	sor.u32 s3, s0;
	s1 =	sshll.u32 s1, $0x11  }
0xbb: {  	s0 =	sor.u32 s1, s0  }
0xbc: {  	s0 =	sadd.s32 $0x8F2B, s0  }
0xbd: {  	[sflag:s0] =	ssyncadd.remote.s32 $0x1  }
0xbe: {  	_ =	sfence.sel $0xFFFF  }
0xbf: {  	[dreg:$0x0] =	wrdreg $0xFFFFFFFF;
	(pc) =	sbr.abs _section_cstart, $3  }
0xc0: {  	[dreg:$0x1] =	wrdreg $0xFFFFFFFF  }
0xc1: {  	_ =	task.clear_ibuf [dreg:s6], $0x2FFFF;
	_ =	strace $0x9FFFFFFF  }
0xc2: {  	(tm) =	ssettm $0x7FFFFFFF  }
0xc3: {  	_ =	shalt  }
tec
execute0_lowered:
.L_overlay_start_1:
0x0: {  	(tag) =	ssettag $0x1  }
0x1: {  	s1 =	srdreg.scid;
	s6 =	rddreg [dreg:$0x0]  }
0x2: {  	s0 =	stileid.u32;
	s2 =	rddreg [dreg:$0x1]  }
0x3: {  	s3 =	simm.s32 $0x0;
	s13 =	simm.s32 $0x5140;
	s16 =	simm.s32 $0x64  }
0x4: {  	s17 =	simm.s32 $0x1;
	s18 =	simm.s32 $0x2;
	s19 =	simm.s32 $0x3  }
0x5: {  	s20 =	simm.s32 $0x4;
	s21 =	simm.s32 $0x0;
	s5 =	sand.u32 $0x1, s1  }
0x6: {  	s31 =	sshll.u32 s0, $0x1;
	s7 =	smul.u32 $0x2720, s0;
	[smem:$0x7FF] =	sst s3  }
0x7: {  	s14 =	sshll.u32 s0, $0x6;
	s1 =	sor.u32 s5, s31;
	s8 =	smul.u32 $0x27200, s5  }
0x8: {  	s5 =	ssub.s32 $0x2, s5;
	s14 =	sor.u32 $0x1C05, s14;
	s4 =	smul.u32 $0x514, s1  }
0x9: {  	s1 =	rddreg [dreg:$0x2];
	_ =	strace $0x80000047;
	s10 =	sshrl.u32 s7, $0x3  }
0xa: {  	s11 =	sshrl.u32 s5, $0x1;
	s15 =	sadd.s32 s7, s2;
	s8 =	sadd.s32 s7, s8  }
0xb: {  	s10 =	sadd.s32 s10, s6;
	s11 =	ssub.s32 s5, s11;
	s15 =	sshrl.u32 s15, $0x3  }
0xc: {  	s9 =	sadd.s32 s4, s6;
	s4 =	sadd.s32 $0x1BA00, s6;
	s8 =	sshrl.u32 s8, $0x3  }
0xd: {  	s7 =	sadd.s32 $0x16A00, s10;
	s10 =	smax.u32 s11, $0x1;
	s11 =	simm.s32 $0x5  }
0xe: {  	s12 =	sadd.s32 s8, s6;
	s5 =	sadd.s32 $0xC600, s9;
	s6 =	sadd.s32 $0x2200, s9  }
0xf: {  	s8 =	sadd.s32 $0x1BC00, s12;
	s9 =	sadd.s32 $0x25A00, s12;
	s12 =	simm.s32 $0x28A0  }
.LBB2_1:
0x10: {  	[tilespmem:s3], [sflag:$0x5] =	stream.linear.gather [hbm4b:s5+s3], $0x28A0, $0x38;
	[tilespmem:$0x7EA0] =	vst v63  }
0x11: {  	_ =	swait.ge [sflag:s11], $0x28A0  }
0x12: {  	[sflag:s11] =	ssyncset.done $0x0  }
0x13: {  	[sflag:s11] =	ssyncadd.s32 $0xFFFFD760  }
0x14: {  	[tilespmem:s12], [sflag:$0x5] =	stream.linear.gather [hbm4b:s6+s3], $0x28A0, $0x38;
	[tilespmem:$0x7EA0] =	vst v63  }
0x15: {  	_ =	swait.ge [sflag:s11], $0x28A0  }
0x16: {  	[sflag:s11] =	ssyncset.done $0x0  }
0x17: {  	[sflag:s11] =	ssyncadd.s32 $0xFFFFD760  }
0x18: {  	[tilespmem:s13], [sflag:$0x5] =	stream.linear.gather [hbm4b:s4+s3], $0x640, $0x38;
	[tilespmem:$0x7EA0] =	vst v63  }
0x19: {  	_ =	swait.ge [sflag:s11], $0x640  }
0x1a: {  	[sflag:s11] =	ssyncset.done $0x0  }
0x1b: {  	[sflag:s11] =	ssyncadd.s32 $0xFFFFF9C0  }
0x1c: {  	[spmem:s15], [sflag:s14] =	dma.local [hbm:s7], $0x4E4  }
0x1d: {  	_ =	swait.ge [sflag:s11], $0x4E4  }
0x1e: {  	[sflag:s11] =	ssyncset.done $0x0  }
0x1f: {  	[sflag:s11] =	ssyncadd.s32 $0xFFFFFB1C  }
0x20: {  	s22 =	simm.s32 $0x0;
	[bflag:$0x0] =	sbarrier.arrive $0xFFFF  }
0x21: {  	[spmem:s2] =	stream.indirect.scatter.add.f32 [tilespmem:s13], [sflag:$0x1], $0x10, s22, s16, $0xb8;
	[tilespmem:$0x7EA0] =	vst v63  }
0x22: {  	s29 =	simm.s32 $0x68  }
0x23: {  	[spmem:s2] =	stream.indirect.scatter.add.f32 [tilespmem:s13], [sflag:$0x2], $0x10, s29, s16, $0xb8;
	[tilespmem:$0x7EA0] =	vst v63  }
0x24: {  	s30 =	simm.s32 $0xD0  }
0x25: {  	[spmem:s2] =	stream.indirect.scatter.add.f32 [tilespmem:s13], [sflag:$0x3], $0x10, s30, s16, $0xb8;
	[tilespmem:$0x7EA0] =	vst v63  }
0x26: {  	s31 =	simm.s32 $0x138  }
0x27: {  	[spmem:s2] =	stream.indirect.scatter.add.f32 [tilespmem:s13], [sflag:$0x4], $0x10, s31, s16, $0xb8;
	[tilespmem:$0x7EA0] =	vst v63  }
0x28: {  	_ =	swait.ge [sflag:s17], $0x640  }
0x29: {  	[sflag:s17] =	ssyncset.done $0x0  }
0x2a: {  	[sflag:s17] =	ssyncadd.s32 $0xFFFFF9C0  }
0x2b: {  	_ =	swait.ge [sflag:s18], $0x640  }
0x2c: {  	[sflag:s18] =	ssyncset.done $0x0  }
0x2d: {  	[sflag:s18] =	ssyncadd.s32 $0xFFFFF9C0  }
0x2e: {  	_ =	swait.ge [sflag:s19], $0x640  }
0x2f: {  	[sflag:s19] =	ssyncset.done $0x0  }
0x30: {  	[sflag:s19] =	ssyncadd.s32 $0xFFFFF9C0  }
0x31: {  	_ =	swait.ge [sflag:s20], $0x640  }
0x32: {  	s23 =	simm.s32 $0xD00;
	s22 =	simm.s32 $0x680;
	[sflag:s20] =	ssyncset.done $0x0  }
.LBB2_2:
0x33: {  	s24 =	sshra.s32 s22, $0x2  }
0x34: {  	[sflag:s20] =	ssyncadd.s32 $0xFFFFF9C0;
	s22 =	smov.u32 s23;
	s25 =	sadd.s32 $0x680, s23  }
0x35: {  	[spmem:s2] =	stream.indirect.scatter.add.f32 [tilespmem:s13], [sflag:$0x1], $0x10, s24, s16, $0xb8;
	[tilespmem:$0x7EA0] =	vst v63  }
0x36: {  	p0 =	sne.s32 s23, $0x9C00;
	s23 =	sadd.s32 $0x68, s24  }
0x37: {  	[spmem:s2] =	stream.indirect.scatter.add.f32 [tilespmem:s13], [sflag:$0x2], $0x10, s23, s16, $0xb8;
	[tilespmem:$0x7EA0] =	vst v63  }
0x38: {  	s23 =	sadd.s32 $0xD0, s24  }
0x39: {  	[spmem:s2] =	stream.indirect.scatter.add.f32 [tilespmem:s13], [sflag:$0x3], $0x10, s23, s16, $0xb8;
	[tilespmem:$0x7EA0] =	vst v63  }
0x3a: {  	s23 =	sadd.s32 $0x138, s24  }
0x3b: {  	[spmem:s2] =	stream.indirect.scatter.add.f32 [tilespmem:s13], [sflag:$0x4], $0x10, s23, s16, $0xb8;
	[tilespmem:$0x7EA0] =	vst v63  }
0x3c: {  	_ =	swait.ge [sflag:s17], $0x640  }
0x3d: {  	[sflag:s17] =	ssyncset.done $0x0  }
0x3e: {  	[sflag:s17] =	ssyncadd.s32 $0xFFFFF9C0  }
0x3f: {  	_ =	swait.ge [sflag:s18], $0x640  }
0x40: {  	[sflag:s18] =	ssyncset.done $0x0  }
0x41: {  	[sflag:s18] =	ssyncadd.s32 $0xFFFFF9C0  }
.Ltmp0:
0x42: {  	_ =	swait.ge [sflag:s19], $0x640;
	(pc) =	sbr.rel @p0 .LBB2_2-.Ltmp0, $4  }
0x43: {  	[sflag:s19] =	ssyncset.done $0x0  }
0x44: {  	[sflag:s19] =	ssyncadd.s32 $0xFFFFF9C0  }
0x45: {  	_ =	swait.ge [sflag:s20], $0x640  }
0x46: {  	s23 =	smov.u32 s25;
	[sflag:s20] =	ssyncset.done $0x0  }
0x47: {  	s22 =	sshra.s32 s22, $0x2;
	[sflag:s20] =	ssyncadd.s32 $0xFFFFF9C0  }
0x48: {  	[spmem:s2] =	stream.indirect.scatter.add.f32 [tilespmem:s13], [sflag:$0x1], $0x10, s22, s16, $0xb8;
	[tilespmem:$0x7EA0] =	vst v63  }
0x49: {  	s23 =	sadd.s32 $0x68, s22  }
0x4a: {  	[spmem:s2] =	stream.indirect.scatter.add.f32 [tilespmem:s13], [sflag:$0x2], $0x10, s23, s16, $0xb8;
	[tilespmem:$0x7EA0] =	vst v63  }
0x4b: {  	s26 =	sadd.s32 $0xD0, s22  }
0x4c: {  	[spmem:s2] =	stream.indirect.scatter.add.f32 [tilespmem:s13], [sflag:$0x3], $0x10, s26, s16, $0xb8;
	[tilespmem:$0x7EA0] =	vst v63  }
0x4d: {  	s22 =	sadd.s32 $0x138, s22  }
0x4e: {  	[spmem:s2] =	stream.indirect.scatter.add.f32 [tilespmem:s13], [sflag:$0x4], $0x10, s22, s16, $0xb8;
	[tilespmem:$0x7EA0] =	vst v63  }
0x4f: {  	_ =	swait.ge [sflag:s17], $0x640  }
0x50: {  	[sflag:s17] =	ssyncset.done $0x0  }
0x51: {  	[sflag:s17] =	ssyncadd.s32 $0xFFFFF9C0  }
0x52: {  	_ =	swait.ge [sflag:s18], $0x640  }
0x53: {  	[sflag:s18] =	ssyncset.done $0x0  }
0x54: {  	[sflag:s18] =	ssyncadd.s32 $0xFFFFF9C0  }
0x55: {  	_ =	swait.ge [sflag:s19], $0x640  }
0x56: {  	[sflag:s19] =	ssyncset.done $0x0  }
0x57: {  	[sflag:s19] =	ssyncadd.s32 $0xFFFFF9C0  }
0x58: {  	_ =	swait.ge [sflag:s20], $0x640  }
0x59: {  	[sflag:s20] =	ssyncset.done $0x0  }
0x5a: {  	[sflag:s20] =	ssyncadd.s32 $0xFFFFF9C0  }
0x5b: {  	[bflag:$0x0] =	sbarrier.arrive $0xFFFF  }
0x5c: {  	[hbm:s8], [sflag:s14] =	dma.local [spmem:s15], $0x4E4  }
0x5d: {  	_ =	swait.ge [sflag:s11], $0x4E4  }
0x5e: {  	[sflag:s11] =	ssyncset.done $0x0  }
0x5f: {  	[sflag:s11] =	ssyncadd.s32 $0xFFFFFB1C  }
0x60: {  	[bflag:$0x0] =	sbarrier.arrive $0xFFFF  }
0x61: {  	[spmem:s15], [sflag:s14] =	dma.local [hbm:s7], $0x4E4  }
0x62: {  	_ =	swait.ge [sflag:s11], $0x4E4  }
0x63: {  	[sflag:s11] =	ssyncset.done $0x0  }
0x64: {  	[sflag:s11] =	ssyncadd.s32 $0xFFFFFB1C  }
0x65: {  	s28 =	simm.s32 $0x28A0;
	[bflag:$0x0] =	sbarrier.arrive $0xFFFF  }
0x66: {  	[spmem:s2] =	stream.indirect.scatter.add.f32 [tilespmem:s13], [sflag:$0x1], $0x10, s28, s16, $0xb8;
	[tilespmem:$0x7EA0] =	vst v63  }
0x67: {  	s29 =	simm.s32 $0x2908  }
0x68: {  	[spmem:s2] =	stream.indirect.scatter.add.f32 [tilespmem:s13], [sflag:$0x2], $0x10, s29, s16, $0xb8;
	[tilespmem:$0x7EA0] =	vst v63  }
0x69: {  	s30 =	simm.s32 $0x2970  }
0x6a: {  	[spmem:s2] =	stream.indirect.scatter.add.f32 [tilespmem:s13], [sflag:$0x3], $0x10, s30, s16, $0xb8;
	[tilespmem:$0x7EA0] =	vst v63  }
0x6b: {  	s31 =	simm.s32 $0x29D8  }
0x6c: {  	[spmem:s2] =	stream.indirect.scatter.add.f32 [tilespmem:s13], [sflag:$0x4], $0x10, s31, s16, $0xb8;
	[tilespmem:$0x7EA0] =	vst v63  }
0x6d: {  	_ =	swait.ge [sflag:s17], $0x640  }
0x6e: {  	[sflag:s17] =	ssyncset.done $0x0  }
0x6f: {  	[sflag:s17] =	ssyncadd.s32 $0xFFFFF9C0  }
0x70: {  	_ =	swait.ge [sflag:s18], $0x640  }
0x71: {  	[sflag:s18] =	ssyncset.done $0x0  }
0x72: {  	[sflag:s18] =	ssyncadd.s32 $0xFFFFF9C0  }
0x73: {  	_ =	swait.ge [sflag:s19], $0x640  }
0x74: {  	[sflag:s19] =	ssyncset.done $0x0  }
0x75: {  	[sflag:s19] =	ssyncadd.s32 $0xFFFFF9C0  }
0x76: {  	_ =	swait.ge [sflag:s20], $0x640  }
0x77: {  	s23 =	simm.s32 $0xD00;
	s22 =	simm.s32 $0x1A0;
	[sflag:s20] =	ssyncset.done $0x0  }
.LBB2_4:
0x78: {  	s24 =	sadd.s32 $0x28A0, s22  }
0x79: {  	[sflag:s20] =	ssyncadd.s32 $0xFFFFF9C0;
	s25 =	smov.u32 s23;
	s26 =	sadd.s32 $0x680, s23  }
0x7a: {  	[spmem:s2] =	stream.indirect.scatter.add.f32 [tilespmem:s13], [sflag:$0x1], $0x10, s24, s16, $0xb8;
	[tilespmem:$0x7EA0] =	vst v63  }
0x7b: {  	p0 =	sne.s32 s23, $0x9C00;
	s23 =	sadd.s32 $0x2908, s22  }
0x7c: {  	[spmem:s2] =	stream.indirect.scatter.add.f32 [tilespmem:s13], [sflag:$0x2], $0x10, s23, s16, $0xb8;
	[tilespmem:$0x7EA0] =	vst v63  }
0x7d: {  	s23 =	sadd.s32 $0x2970, s22  }
0x7e: {  	[spmem:s2] =	stream.indirect.scatter.add.f32 [tilespmem:s13], [sflag:$0x3], $0x10, s23, s16, $0xb8;
	[tilespmem:$0x7EA0] =	vst v63  }
0x7f: {  	s22 =	sadd.s32 $0x29D8, s22  }
0x80: {  	[spmem:s2] =	stream.indirect.scatter.add.f32 [tilespmem:s13], [sflag:$0x4], $0x10, s22, s16, $0xb8;
	[tilespmem:$0x7EA0] =	vst v63  }
0x81: {  	_ =	swait.ge [sflag:s17], $0x640  }
0x82: {  	[sflag:s17] =	ssyncset.done $0x0  }
0x83: {  	[sflag:s17] =	ssyncadd.s32 $0xFFFFF9C0  }
0x84: {  	_ =	swait.ge [sflag:s18], $0x640  }
0x85: {  	[sflag:s18] =	ssyncset.done $0x0  }
0x86: {  	[sflag:s18] =	ssyncadd.s32 $0xFFFFF9C0  }
.Ltmp1:
0x87: {  	_ =	swait.ge [sflag:s19], $0x640;
	(pc) =	sbr.rel @p0 .LBB2_4-.Ltmp1, $4  }
0x88: {  	[sflag:s19] =	ssyncset.done $0x0  }
0x89: {  	[sflag:s19] =	ssyncadd.s32 $0xFFFFF9C0  }
0x8a: {  	_ =	swait.ge [sflag:s20], $0x640  }
0x8b: {  	s23 =	smov.u32 s26;
	s22 =	sshra.s32 s25, $0x2;
	[sflag:s20] =	ssyncset.done $0x0  }
0x8c: {  	s23 =	sadd.s32 $0x28A0, s22;
	[sflag:s20] =	ssyncadd.s32 $0xFFFFF9C0  }
0x8d: {  	[spmem:s2] =	stream.indirect.scatter.add.f32 [tilespmem:s13], [sflag:$0x1], $0x10, s23, s16, $0xb8;
	[tilespmem:$0x7EA0] =	vst v63  }
0x8e: {  	s29 =	sadd.s32 $0x2908, s22  }
0x8f: {  	[spmem:s2] =	stream.indirect.scatter.add.f32 [tilespmem:s13], [sflag:$0x2], $0x10, s29, s16, $0xb8;
	[tilespmem:$0x7EA0] =	vst v63  }
0x90: {  	s30 =	sadd.s32 $0x2970, s22  }
0x91: {  	[spmem:s2] =	stream.indirect.scatter.add.f32 [tilespmem:s13], [sflag:$0x3], $0x10, s30, s16, $0xb8;
	[tilespmem:$0x7EA0] =	vst v63  }
0x92: {  	s31 =	sadd.s32 $0x29D8, s22  }
0x93: {  	[spmem:s2] =	stream.indirect.scatter.add.f32 [tilespmem:s13], [sflag:$0x4], $0x10, s31, s16, $0xb8;
	[tilespmem:$0x7EA0] =	vst v63  }
0x94: {  	_ =	swait.ge [sflag:s17], $0x640  }
0x95: {  	[sflag:s17] =	ssyncset.done $0x0  }
0x96: {  	[sflag:s17] =	ssyncadd.s32 $0xFFFFF9C0  }
0x97: {  	_ =	swait.ge [sflag:s18], $0x640  }
0x98: {  	[sflag:s18] =	ssyncset.done $0x0  }
0x99: {  	[sflag:s18] =	ssyncadd.s32 $0xFFFFF9C0  }
0x9a: {  	_ =	swait.ge [sflag:s19], $0x640  }
0x9b: {  	[sflag:s19] =	ssyncset.done $0x0  }
0x9c: {  	[sflag:s19] =	ssyncadd.s32 $0xFFFFF9C0  }
0x9d: {  	_ =	swait.ge [sflag:s20], $0x640  }
0x9e: {  	[sflag:s20] =	ssyncset.done $0x0  }
0x9f: {  	s21 =	sadd.s32 $0x1, s21;
	[sflag:s20] =	ssyncadd.s32 $0xFFFFF9C0  }
0xa0: {  	p0 =	sne.s32 s21, s10;
	[bflag:$0x0] =	sbarrier.arrive $0xFFFF  }
0xa1: {  	[hbm:s9], [sflag:s14] =	dma.local [spmem:s15], $0x4E4  }
.Ltmp2:
0xa2: {  	_ =	swait.ge [sflag:s11], $0x4E4;
	(pc) =	sbr.rel @p0 .LBB2_1-.Ltmp2, $3  }
0xa3: {  	[sflag:s11] =	ssyncset.done $0x0  }
0xa4: {  	[sflag:s11] =	ssyncadd.s32 $0xFFFFFB1C  }
0xa5: {  	[bflag:$0x0] =	sbarrier.arrive $0xFFFF;
	_ =	sdelay $0x1  }
0xa6: {  	_ =	sfence.sel $0x180000  }
0xa7: {  	[bflag:$0x0] =	sbarrier.arrive $0xFFFF  }
0xa8: {  	p0 =	sne.s32 s0, $0x0;
	_ =	strace $0x90000047  }
0xa9: {  	s0 =	sadd.s32 @!p0 $0x100000, s1;
	[bflag:$0x2] =	sbarrier.arrive $0xFFFF  }
0xaa: {  	[sflag:s0] =	ssyncadd.tile.s32 @!p0 $0x1;
	_ =	shalt  }
.Lfunc_end2:
_tile_overlayer_lowered:
.L_overlay_start_2:
0xab: {  	(tag) =	ssettag $0x2  }
0xac: {  	s0 =	rddreg [dreg:$0x0];
	s2 =	stileid.u32  }
0xad: {  	s1 =	rddreg [dreg:$0x1];
	p0 =	sne.s32 s2, $0x0  }
0xae: {  	s3 =	rddreg [dreg:$0x2];
	[bflag:$0x3] =	sbarrier.arrive $0xFFFF;
	s2 =	simm.s32 @!p0 $0x1C05  }
0xaf: {  	[timem:s3], [sflag:s2] =	dma.local @!p0 [hbm:s0], s1  }
0xb0: {  	s0 =	simm.s32 @!p0 $0x5  }
0xb1: {  	_ =	swait.ge @!p0 [sflag:s0], s1  }
0xb2: {  	s1 =	ssub.s32 @!p0 $0x0, s1;
	[sflag:s0] =	ssyncset.done @!p0 $0x0  }
0xb3: {  	[sflag:s0] =	ssyncadd.s32 @!p0 s1  }
0xb4: {  	[bflag:$0x3] =	sbarrier.arrive $0xFFFF  }
0xb5: {  	_ =	shalt  }

</sc_bundles>
